<compile_context>
chip_gen: v7x
topology: tpu7x:2x2x1
jax: 0.10.2.dev20260603
libtpu: 0.0.44.dev20260713+nightly
codegen_flags: <defaults>
</compile_context>

<pallas_src>
import functools

import jax
import jax.numpy as jnp
from jax import lax
from jax.experimental import pallas as pl
from jax.experimental.pallas import tpu as pltpu
from jax.experimental.pallas import tpu_sc as plsc

_MAXD = 128
_H = 12
_S = 2048
_T = 2 * _MAXD + 1
_TTF = _H * _T
_NC, _NS = 2, 16
_NW = _NC * _NS
_NI = _S // 8
_PAIRS = _H * _NI
_PPW = _PAIRS // _NW


@functools.partial(
    pl.kernel,
    out_type=jax.ShapeDtypeStruct((_H, _NI, 16, 8, 128), jnp.float32),
    mesh=plsc.VectorSubcoreMesh(
        core_axis_name="c", subcore_axis_name="s",
        num_cores=_NC, num_subcores=_NS,
    ),
    scratch_types=[
        pltpu.VMEM((3104,), jnp.float32),
        pltpu.VMEM((2 * 4096,), jnp.float32),
        pltpu.VMEM((2, 2, 16, 8, 128), jnp.float32),
        pltpu.SemaphoreType.DMA,
    ],
)
def _bias_kernel(tbl_hbm, out_hbm, tbl_v, st, stg, sem):
    pltpu.async_copy(tbl_hbm, tbl_v.at[pl.ds(0, _TTF)], sem).wait()

    wid = lax.axis_index("s") * _NC + lax.axis_index("c")
    n0 = wid * _PPW
    h0 = (3 * wid) // 8

    for hh in range(2):
        h = jnp.minimum(h0 + hh, _H - 1)
        tb = h * _T
        base = hh * 4096
        pre = lax.broadcast_in_dim(tbl_v[pl.ds(tb, 16)][0], (16,), ())
        suf = lax.broadcast_in_dim(tbl_v[pl.ds(tb + _T - 16, 16)][15], (16,), ())

        @plsc.parallel_loop(0, 120, step=1, unroll=4)
        def fills(j, base=base, pre=pre, suf=suf):
            st[pl.ds(base + 16 * j, 16)] = pre
            st[pl.ds(base + 2176 + 16 * j, 16)] = suf

        @plsc.parallel_loop(0, 17, step=1, unroll=4)
        def body(j, base=base, tb=tb):
            st[pl.ds(base + 1919 + 16 * j, 16)] = tbl_v[pl.ds(tb + 16 * j, 16)]

        st[pl.ds(base + 2176, 16)] = suf

    def out_body(q2, carry):
        @pl.when(q2 >= 2)
        def _():
            pltpu.make_async_copy(out_hbm.at[0, pl.ds(0, 2)], stg.at[0], sem).wait()

        n = n0 + 2 * q2
        h = n // _NI
        I = n - _NI * h
        hh = h - h0
        W0 = hh * 4096 + 2047 - 8 * I
        b = lax.rem(q2, 2)

        @plsc.parallel_loop(0, 32, step=1, unroll=2)
        def sj(t):
            ii = t // 16
            J = t - 16 * ii
            w0 = W0 - 8 * ii + 128 * J
            for r in range(8):
                for u in range(8):
                    stg[b, ii, J, r, pl.ds(16 * u, 16)] = st[pl.ds(w0 - r + 16 * u, 16)]

        pltpu.async_copy(stg.at[b], out_hbm.at[h, pl.ds(I, 2)], sem)
        return carry

    lax.fori_loop(0, _PPW // 2, out_body, 0)
    pltpu.make_async_copy(out_hbm.at[0, pl.ds(0, 2)], stg.at[0], sem).wait()
    pltpu.make_async_copy(out_hbm.at[0, pl.ds(0, 2)], stg.at[0], sem).wait()


def kernel(seq_len, table):
    del seq_len
    out = _bias_kernel(table.T.reshape(_TTF))
    return out.transpose(1, 3, 2, 4, 0).reshape(_S, _S, _H)

# --- scband reference (transcript-rebuilt; emitter-appended) ---
"""Pipeline reference for scband-relative-position-bias-45174466019880 (READ-ONLY COPY).

The authoritative reference and input builder live on the scoring server;
editing this copy changes nothing except your own understanding.
"""

import jax, jax.numpy as jnp
import numpy as np

MAX_DISTANCE = 128
NUM_HEADS = 12
SEQ_LEN = 2048

def setup_inputs(seed: int = 0) -> dict:
    key = jax.random.key(seed)
    k1, _ = jax.random.split(key)
    table = jax.random.normal(k1, (2 * MAX_DISTANCE + 1, NUM_HEADS), dtype=jnp.float32)
    return {"seq_len": 2048, "table": table}

def reference(seq_len, table):
    pos = jnp.arange(SEQ_LEN) + (seq_len - SEQ_LEN)
    rel_pos = pos[None, :] - pos[:, None]
    rel_pos = jnp.clip(rel_pos, -MAX_DISTANCE, MAX_DISTANCE) + MAX_DISTANCE
    # embedding lookup: gather rows of table by rel_pos -> [S, S, H]
    return jnp.take(table, rel_pos, axis=0)

if __name__ == "__main__":
    import jax
    _d = setup_inputs()
    print(jax.jit(kernel)(*tuple(_d.values())))

</pallas_src>

<mosaic_0001>
#map = affine_map<(d0, d1) -> (0)>
#map1 = affine_map<(d0, d1) -> (0, 0, 0, 0, 0)>
module attributes {stable_mosaic.version = 14 : i64} {
  func.func @_bias_kernel(%arg0: i32, %arg1: i32, %arg2: memref<3084xf32, #tpu.memory_space<hbm>>, %arg3: memref<12x256x16x8x128xf32, #tpu.memory_space<hbm>>, %arg4: memref<3104xf32, #tpu.memory_space<vmem>>, %arg5: memref<8192xf32, #tpu.memory_space<vmem>>, %arg6: memref<2x2x16x8x128xf32, #tpu.memory_space<vmem>>, %arg7: memref<!tpu.dma_semaphore, #tpu.memory_space<semaphore_mem>>) attributes {dimension_semantics = [#tpu.dimension_semantics<core_parallel>, #tpu.dimension_semantics<subcore_parallel>], iteration_bounds = array<i64: 2, 16>, scalar_prefetch = 0 : i64, scratch_operands = 4 : i64, tpu.core_type = #tpu.core_type<sc_vector_subcore>, window_params = [{transform_indices = #map}, {transform_indices = #map1}]} {
    %dma_start3A = arith.constant 0 : i32
    %dma_start3A_0 = tpu.memref_slice %arg4[%dma_start3A] : memref<3104xf32, #tpu.memory_space<vmem>> -> memref<3084xf32, #tpu.memory_space<vmem>>
    %dma_start3A_1 = arith.constant 0 : i32
    %dma_start3A_2 = tpu.memref_slice %arg4[%dma_start3A_1] : memref<3104xf32, #tpu.memory_space<vmem>> -> memref<3084xf32, #tpu.memory_space<vmem>>
    tpu.enqueue_dma source(%arg2 : memref<3084xf32, #tpu.memory_space<hbm>>) target(%dma_start3A_2 : memref<3084xf32, #tpu.memory_space<vmem>>) target_semaphore(%arg7 : memref<!tpu.dma_semaphore, #tpu.memory_space<semaphore_mem>>)
    %dma_wait3A = arith.constant 0 : i32
    %dma_wait3A_3 = tpu.memref_slice %arg4[%dma_wait3A] : memref<3104xf32, #tpu.memory_space<vmem>> -> memref<3084xf32, #tpu.memory_space<vmem>>
    %dma_wait3A_4 = arith.constant 0 : i32
    %dma_wait3A_5 = tpu.memref_slice %arg4[%dma_wait3A_4] : memref<3104xf32, #tpu.memory_space<vmem>> -> memref<3084xf32, #tpu.memory_space<vmem>>
    tpu.wait_dma2 semaphore(%arg7 : memref<!tpu.dma_semaphore, #tpu.memory_space<semaphore_mem>>) src(%arg2 : memref<3084xf32, #tpu.memory_space<hbm>>) dst(%dma_wait3A_5 : memref<3084xf32, #tpu.memory_space<vmem>>)
    %mul3A = arith.constant 2 : i32
    %mul3A_6 = arith.muli %arg1, %mul3A : i32
    %add3A = arith.addi %mul3A_6, %arg0 : i32
    %mul3A_7 = arith.constant 96 : i32
    %mul3A_8 = arith.muli %add3A, %mul3A_7 : i32
    %mul3A_9 = arith.constant 3 : i32
    %mul3A_10 = arith.muli %mul3A_9, %add3A : i32
    %jit3A = arith.constant 8 : i32
    %div3A = arith.divsi %mul3A_10, %jit3A : i32
    %sign3A = arith.constant 0 : i32
    %sign3A_11 = arith.cmpi sgt, %mul3A_10, %sign3A : i32
    %sign3A_12 = arith.extui %sign3A_11 : i1 to i32
    %sign3A_13 = arith.constant 0 : i32
    %sign3A_14 = arith.cmpi slt, %mul3A_10, %sign3A_13 : i32
    %sign3A_15 = arith.extui %sign3A_14 : i1 to i32
    %sign3A_16 = arith.subi %sign3A_12, %sign3A_15 : i32
    %sign3A_17 = arith.constant 0 : i32
    %sign3A_18 = arith.cmpi sgt, %jit3A, %sign3A_17 : i32
    %sign3A_19 = arith.extui %sign3A_18 : i1 to i32
    %sign3A_20 = arith.constant 0 : i32
    %sign3A_21 = arith.cmpi slt, %jit3A, %sign3A_20 : i32
    %sign3A_22 = arith.extui %sign3A_21 : i1 to i32
    %sign3A_23 = arith.subi %sign3A_19, %sign3A_22 : i32
    %ne3A = arith.cmpi ne, %sign3A_16, %sign3A_23 : i32
    %rem3A = arith.remsi %mul3A_10, %jit3A : i32
    %ne3A_24 = arith.constant 0 : i32
    %ne3A_25 = arith.cmpi ne, %rem3A, %ne3A_24 : i32
    %and3A = arith.andi %ne3A, %ne3A_25 : i1
    %sub3A = arith.constant 1 : i32
    %sub3A_26 = arith.subi %div3A, %sub3A : i32
    %select_n3A = arith.select %and3A, %sub3A_26, %div3A : i32
    %add3A_27 = arith.constant 0 : i32
    %add3A_28 = arith.addi %select_n3A, %add3A_27 : i32
    %min3A = arith.constant 11 : i32
    %min3A_29 = arith.minsi %add3A_28, %min3A : i32
    %mul3A_30 = arith.constant 257 : i32
    %mul3A_31 = arith.muli %min3A_29, %mul3A_30 : i32
    %get3A = arith.index_cast %mul3A_31 : i32 to index
    %get3A_32 = tpu.vector_load %arg4[%get3A] {strides = array<i32>} : memref<3104xf32, #tpu.memory_space<vmem>>, vector<16xf32>,
    %get3A_33 = vector.shape_cast %get3A_32 : vector<16xf32> to vector<16xf32>
    %slice3A = vector.extract_strided_slice %get3A_33 {offsets = [0], sizes = [1], strides = [1]} : vector<16xf32> to vector<1xf32>
    %squeeze3A = vector.extract %slice3A[0] : f32 from vector<1xf32>
    %broadcast_in_dim3A = vector.broadcast %squeeze3A : f32 to vector<16xf32>
    %add3A_34 = arith.constant 257 : i32
    %add3A_35 = arith.addi %mul3A_31, %add3A_34 : i32
    %sub3A_36 = arith.constant 16 : i32
    %sub3A_37 = arith.subi %add3A_35, %sub3A_36 : i32
    %get3A_38 = arith.index_cast %sub3A_37 : i32 to index
    %get3A_39 = tpu.vector_load %arg4[%get3A_38] {strides = array<i32>} : memref<3104xf32, #tpu.memory_space<vmem>>, vector<16xf32>,
    %get3A_40 = vector.shape_cast %get3A_39 : vector<16xf32> to vector<16xf32>
    %slice3A_41 = vector.extract_strided_slice %get3A_40 {offsets = [15], sizes = [1], strides = [1]} : vector<16xf32> to vector<1xf32>
    %squeeze3A_42 = vector.extract %slice3A_41[0] : f32 from vector<1xf32>
    %broadcast_in_dim3A_43 = vector.broadcast %squeeze3A_42 : f32 to vector<16xf32>
    %parallel_loop3A = arith.constant 0 : i32
    %parallel_loop3A_44 = arith.constant 120 : i32
    %parallel_loop3A_45 = arith.constant 1 : i32
    scf.for %parallel_loop3A_141 = %parallel_loop3A to %parallel_loop3A_44 step %parallel_loop3A_45  : i32 {
      %parallel_loop3A_142 = arith.constant 16 : i32
      %parallel_loop3A_143 = arith.muli %parallel_loop3A_142, %parallel_loop3A_141 : i32
      %parallel_loop3A_144 = arith.constant 0 : i32
      %parallel_loop3A_145 = arith.addi %parallel_loop3A_144, %parallel_loop3A_143 : i32
      %parallel_loop3A_146 = arith.index_cast %parallel_loop3A_145 : i32 to index
      %parallel_loop3A_147 = tpu.vector_load %arg5[%parallel_loop3A_146] {strides = array<i32>} : memref<8192xf32, #tpu.memory_space<vmem>>, vector<16xf32>,
      %parallel_loop3A_148 = vector.shape_cast %parallel_loop3A_147 : vector<16xf32> to vector<16xf32>
      %parallel_loop3A_149 = vector.shape_cast %broadcast_in_dim3A : vector<16xf32> to vector<16xf32>
      tpu.vector_store %arg5[%parallel_loop3A_146], %parallel_loop3A_149 {strides = array<i32>} : memref<8192xf32, #tpu.memory_space<vmem>>, vector<16xf32>,
      %parallel_loop3A_150 = arith.constant 16 : i32
      %parallel_loop3A_151 = arith.muli %parallel_loop3A_150, %parallel_loop3A_141 : i32
      %parallel_loop3A_152 = arith.constant 2176 : i32
      %parallel_loop3A_153 = arith.addi %parallel_loop3A_152, %parallel_loop3A_151 : i32
      %parallel_loop3A_154 = arith.index_cast %parallel_loop3A_153 : i32 to index
      %parallel_loop3A_155 = tpu.vector_load %arg5[%parallel_loop3A_154] {strides = array<i32>} : memref<8192xf32, #tpu.memory_space<vmem>>, vector<16xf32>,
      %parallel_loop3A_156 = vector.shape_cast %parallel_loop3A_155 : vector<16xf32> to vector<16xf32>
      %parallel_loop3A_157 = vector.shape_cast %broadcast_in_dim3A_43 : vector<16xf32> to vector<16xf32>
      tpu.vector_store %arg5[%parallel_loop3A_154], %parallel_loop3A_157 {strides = array<i32>} : memref<8192xf32, #tpu.memory_space<vmem>>, vector<16xf32>,
    } {sc.loop_unroll_factor = 4 : i64, sc.parallel_access}
    %parallel_loop3A_46 = arith.constant 0 : i32
    %parallel_loop3A_47 = arith.constant 17 : i32
    %parallel_loop3A_48 = arith.constant 1 : i32
    scf.for %parallel_loop3A_141 = %parallel_loop3A_46 to %parallel_loop3A_47 step %parallel_loop3A_48  : i32 {
      %parallel_loop3A_142 = arith.constant 16 : i32
      %parallel_loop3A_143 = arith.muli %parallel_loop3A_142, %parallel_loop3A_141 : i32
      %parallel_loop3A_144 = arith.addi %mul3A_31, %parallel_loop3A_143 : i32
      %parallel_loop3A_145 = arith.index_cast %parallel_loop3A_144 : i32 to index
      %parallel_loop3A_146 = tpu.vector_load %arg4[%parallel_loop3A_145] {strides = array<i32>} : memref<3104xf32, #tpu.memory_space<vmem>>, vector<16xf32>,
      %parallel_loop3A_147 = vector.shape_cast %parallel_loop3A_146 : vector<16xf32> to vector<16xf32>
      %parallel_loop3A_148 = arith.constant 16 : i32
      %parallel_loop3A_149 = arith.muli %parallel_loop3A_148, %parallel_loop3A_141 : i32
      %parallel_loop3A_150 = arith.constant 1919 : i32
      %parallel_loop3A_151 = arith.addi %parallel_loop3A_150, %parallel_loop3A_149 : i32
      %parallel_loop3A_152 = arith.index_cast %parallel_loop3A_151 : i32 to index
      %parallel_loop3A_153 = tpu.vector_load %arg5[%parallel_loop3A_152] {strides = array<i32>} : memref<8192xf32, #tpu.memory_space<vmem>>, vector<16xf32>,
      %parallel_loop3A_154 = vector.shape_cast %parallel_loop3A_153 : vector<16xf32> to vector<16xf32>
      %parallel_loop3A_155 = vector.shape_cast %parallel_loop3A_147 : vector<16xf32> to vector<16xf32>
      tpu.vector_store %arg5[%parallel_loop3A_152], %parallel_loop3A_155 {strides = array<i32>} : memref<8192xf32, #tpu.memory_space<vmem>>, vector<16xf32>,
    } {sc.loop_unroll_factor = 4 : i64, sc.parallel_access}
    %swap3A = arith.constant 2176 : index
    %swap3A_49 = tpu.vector_load %arg5[%swap3A] {strides = array<i32>} : memref<8192xf32, #tpu.memory_space<vmem>>, vector<16xf32>,
    %swap3A_50 = vector.shape_cast %swap3A_49 : vector<16xf32> to vector<16xf32>
    %swap3A_51 = vector.shape_cast %broadcast_in_dim3A_43 : vector<16xf32> to vector<16xf32>
    tpu.vector_store %arg5[%swap3A], %swap3A_51 {strides = array<i32>} : memref<8192xf32, #tpu.memory_space<vmem>>, vector<16xf32>,
    %add3A_52 = arith.constant 1 : i32
    %add3A_53 = arith.addi %select_n3A, %add3A_52 : i32
    %min3A_54 = arith.constant 11 : i32
    %min3A_55 = arith.minsi %add3A_53, %min3A_54 : i32
    %mul3A_56 = arith.constant 257 : i32
    %mul3A_57 = arith.muli %min3A_55, %mul3A_56 : i32
    %get3A_58 = arith.index_cast %mul3A_57 : i32 to index
    %get3A_59 = tpu.vector_load %arg4[%get3A_58] {strides = array<i32>} : memref<3104xf32, #tpu.memory_space<vmem>>, vector<16xf32>,
    %get3A_60 = vector.shape_cast %get3A_59 : vector<16xf32> to vector<16xf32>
    %slice3A_61 = vector.extract_strided_slice %get3A_60 {offsets = [0], sizes = [1], strides = [1]} : vector<16xf32> to vector<1xf32>
    %squeeze3A_62 = vector.extract %slice3A_61[0] : f32 from vector<1xf32>
    %broadcast_in_dim3A_63 = vector.broadcast %squeeze3A_62 : f32 to vector<16xf32>
    %add3A_64 = arith.constant 257 : i32
    %add3A_65 = arith.addi %mul3A_57, %add3A_64 : i32
    %sub3A_66 = arith.constant 16 : i32
    %sub3A_67 = arith.subi %add3A_65, %sub3A_66 : i32
    %get3A_68 = arith.index_cast %sub3A_67 : i32 to index
    %get3A_69 = tpu.vector_load %arg4[%get3A_68] {strides = array<i32>} : memref<3104xf32, #tpu.memory_space<vmem>>, vector<16xf32>,
    %get3A_70 = vector.shape_cast %get3A_69 : vector<16xf32> to vector<16xf32>
    %slice3A_71 = vector.extract_strided_slice %get3A_70 {offsets = [15], sizes = [1], strides = [1]} : vector<16xf32> to vector<1xf32>
    %squeeze3A_72 = vector.extract %slice3A_71[0] : f32 from vector<1xf32>
    %broadcast_in_dim3A_73 = vector.broadcast %squeeze3A_72 : f32 to vector<16xf32>
    %parallel_loop3A_74 = arith.constant 0 : i32
    %parallel_loop3A_75 = arith.constant 120 : i32
    %parallel_loop3A_76 = arith.constant 1 : i32
    scf.for %parallel_loop3A_141 = %parallel_loop3A_74 to %parallel_loop3A_75 step %parallel_loop3A_76  : i32 {
      %parallel_loop3A_142 = arith.constant 16 : i32
      %parallel_loop3A_143 = arith.muli %parallel_loop3A_142, %parallel_loop3A_141 : i32
      %parallel_loop3A_144 = arith.constant 4096 : i32
      %parallel_loop3A_145 = arith.addi %parallel_loop3A_144, %parallel_loop3A_143 : i32
      %parallel_loop3A_146 = arith.index_cast %parallel_loop3A_145 : i32 to index
      %parallel_loop3A_147 = tpu.vector_load %arg5[%parallel_loop3A_146] {strides = array<i32>} : memref<8192xf32, #tpu.memory_space<vmem>>, vector<16xf32>,
      %parallel_loop3A_148 = vector.shape_cast %parallel_loop3A_147 : vector<16xf32> to vector<16xf32>
      %parallel_loop3A_149 = vector.shape_cast %broadcast_in_dim3A_63 : vector<16xf32> to vector<16xf32>
      tpu.vector_store %arg5[%parallel_loop3A_146], %parallel_loop3A_149 {strides = array<i32>} : memref<8192xf32, #tpu.memory_space<vmem>>, vector<16xf32>,
      %parallel_loop3A_150 = arith.constant 16 : i32
      %parallel_loop3A_151 = arith.muli %parallel_loop3A_150, %parallel_loop3A_141 : i32
      %parallel_loop3A_152 = arith.constant 6272 : i32
      %parallel_loop3A_153 = arith.addi %parallel_loop3A_152, %parallel_loop3A_151 : i32
      %parallel_loop3A_154 = arith.index_cast %parallel_loop3A_153 : i32 to index
      %parallel_loop3A_155 = tpu.vector_load %arg5[%parallel_loop3A_154] {strides = array<i32>} : memref<8192xf32, #tpu.memory_space<vmem>>, vector<16xf32>,
      %parallel_loop3A_156 = vector.shape_cast %parallel_loop3A_155 : vector<16xf32> to vector<16xf32>
      %parallel_loop3A_157 = vector.shape_cast %broadcast_in_dim3A_73 : vector<16xf32> to vector<16xf32>
      tpu.vector_store %arg5[%parallel_loop3A_154], %parallel_loop3A_157 {strides = array<i32>} : memref<8192xf32, #tpu.memory_space<vmem>>, vector<16xf32>,
    } {sc.loop_unroll_factor = 4 : i64, sc.parallel_access}
    %parallel_loop3A_77 = arith.constant 0 : i32
    %parallel_loop3A_78 = arith.constant 17 : i32
    %parallel_loop3A_79 = arith.constant 1 : i32
    scf.for %parallel_loop3A_141 = %parallel_loop3A_77 to %parallel_loop3A_78 step %parallel_loop3A_79  : i32 {
      %parallel_loop3A_142 = arith.constant 16 : i32
      %parallel_loop3A_143 = arith.muli %parallel_loop3A_142, %parallel_loop3A_141 : i32
      %parallel_loop3A_144 = arith.addi %mul3A_57, %parallel_loop3A_143 : i32
      %parallel_loop3A_145 = arith.index_cast %parallel_loop3A_144 : i32 to index
      %parallel_loop3A_146 = tpu.vector_load %arg4[%parallel_loop3A_145] {strides = array<i32>} : memref<3104xf32, #tpu.memory_space<vmem>>, vector<16xf32>,
      %parallel_loop3A_147 = vector.shape_cast %parallel_loop3A_146 : vector<16xf32> to vector<16xf32>
      %parallel_loop3A_148 = arith.constant 16 : i32
      %parallel_loop3A_149 = arith.muli %parallel_loop3A_148, %parallel_loop3A_141 : i32
      %parallel_loop3A_150 = arith.constant 6015 : i32
      %parallel_loop3A_151 = arith.addi %parallel_loop3A_150, %parallel_loop3A_149 : i32
      %parallel_loop3A_152 = arith.index_cast %parallel_loop3A_151 : i32 to index
      %parallel_loop3A_153 = tpu.vector_load %arg5[%parallel_loop3A_152] {strides = array<i32>} : memref<8192xf32, #tpu.memory_space<vmem>>, vector<16xf32>,
      %parallel_loop3A_154 = vector.shape_cast %parallel_loop3A_153 : vector<16xf32> to vector<16xf32>
      %parallel_loop3A_155 = vector.shape_cast %parallel_loop3A_147 : vector<16xf32> to vector<16xf32>
      tpu.vector_store %arg5[%parallel_loop3A_152], %parallel_loop3A_155 {strides = array<i32>} : memref<8192xf32, #tpu.memory_space<vmem>>, vector<16xf32>,
    } {sc.loop_unroll_factor = 4 : i64, sc.parallel_access}
    %swap3A_80 = arith.constant 6272 : index
    %swap3A_81 = tpu.vector_load %arg5[%swap3A_80] {strides = array<i32>} : memref<8192xf32, #tpu.memory_space<vmem>>, vector<16xf32>,
    %swap3A_82 = vector.shape_cast %swap3A_81 : vector<16xf32> to vector<16xf32>
    %swap3A_83 = vector.shape_cast %broadcast_in_dim3A_73 : vector<16xf32> to vector<16xf32>
    tpu.vector_store %arg5[%swap3A_80], %swap3A_83 {strides = array<i32>} : memref<8192xf32, #tpu.memory_space<vmem>>, vector<16xf32>,
    %scan3A = arith.constant 0 : i32
    %scan3A_84 = arith.constant 0 : i32
    %scan3A_85 = arith.constant 48 : i32
    %scan3A_86 = arith.addi %scan3A_84, %scan3A_85 : i32
    %scan3A_87 = arith.constant 1 : i32
    scf.for %scan3A_141 = %scan3A_84 to %scan3A_86 step %scan3A_87  : i32 {
      %ge3A = arith.constant 2 : i32
      %ge3A_142 = arith.cmpi sge, %scan3A_141, %ge3A : i32
      %convert_element_type3A = arith.extui %ge3A_142 : i1 to i32
      %cond3A = arith.constant 0 : i32
      %cond3A_143 = arith.cmpi ne, %convert_element_type3A, %cond3A : i32
      scf.if %cond3A_143 {
        %dma_wait3A_209 = arith.constant 0 : i32
        %dma_wait3A_210 = arith.constant 0 : i32
        %dma_wait3A_211 = arith.constant 0 : i32
        %dma_wait3A_212 = arith.constant 0 : i32
        %dma_wait3A_213 = arith.constant 0 : i32
        %dma_wait3A_214 = arith.constant 0 : i32
        %dma_wait3A_215 = tpu.memref_slice %arg6[%dma_wait3A_210, %dma_wait3A_211, %dma_wait3A_212, %dma_wait3A_213, %dma_wait3A_214] : memref<2x2x16x8x128xf32, #tpu.memory_space<vmem>> -> memref<1x2x16x8x128xf32, #tpu.memory_space<vmem>>
        %dma_wait3A_216 = tpu.memref_squeeze %dma_wait3A_215 : memref<1x2x16x8x128xf32, #tpu.memory_space<vmem>> -> memref<2x16x8x128xf32, #tpu.memory_space<vmem>>
        %dma_wait3A_217 = arith.constant 0 : i32
        %dma_wait3A_218 = arith.constant 0 : i32
        %dma_wait3A_219 = arith.constant 0 : i32
        %dma_wait3A_220 = arith.constant 0 : i32
        %dma_wait3A_221 = tpu.memref_slice %arg3[%dma_wait3A_209, %dma_wait3A_217, %dma_wait3A_218, %dma_wait3A_219, %dma_wait3A_220] : memref<12x256x16x8x128xf32, #tpu.memory_space<hbm>> -> memref<1x2x16x8x128xf32, #tpu.memory_space<hbm>>
        %dma_wait3A_222 = tpu.memref_squeeze %dma_wait3A_221 : memref<1x2x16x8x128xf32, #tpu.memory_space<hbm>> -> memref<2x16x8x128xf32, #tpu.memory_space<hbm>>
        %dma_wait3A_223 = arith.constant 0 : i32
        %dma_wait3A_224 = arith.constant 0 : i32
        %dma_wait3A_225 = arith.constant 0 : i32
        %dma_wait3A_226 = arith.constant 0 : i32
        %dma_wait3A_227 = tpu.memref_slice %arg6[%dma_wait3A_210, %dma_wait3A_223, %dma_wait3A_224, %dma_wait3A_225, %dma_wait3A_226] : memref<2x2x16x8x128xf32, #tpu.memory_space<vmem>> -> memref<1x2x16x8x128xf32, #tpu.memory_space<vmem>>
        %dma_wait3A_228 = tpu.memref_squeeze %dma_wait3A_227 : memref<1x2x16x8x128xf32, #tpu.memory_space<vmem>> -> memref<2x16x8x128xf32, #tpu.memory_space<vmem>>
        %dma_wait3A_229 = arith.constant 0 : i32
        %dma_wait3A_230 = arith.constant 0 : i32
        %dma_wait3A_231 = arith.constant 0 : i32
        %dma_wait3A_232 = arith.constant 0 : i32
        %dma_wait3A_233 = tpu.memref_slice %arg3[%dma_wait3A_209, %dma_wait3A_229, %dma_wait3A_230, %dma_wait3A_231, %dma_wait3A_232] : memref<12x256x16x8x128xf32, #tpu.memory_space<hbm>> -> memref<1x2x16x8x128xf32, #tpu.memory_space<hbm>>
        %dma_wait3A_234 = tpu.memref_squeeze %dma_wait3A_233 : memref<1x2x16x8x128xf32, #tpu.memory_space<hbm>> -> memref<2x16x8x128xf32, #tpu.memory_space<hbm>>
        tpu.wait_dma2 semaphore(%arg7 : memref<!tpu.dma_semaphore, #tpu.memory_space<semaphore_mem>>) src(%dma_wait3A_234 : memref<2x16x8x128xf32, #tpu.memory_space<hbm>>) dst(%dma_wait3A_228 : memref<2x16x8x128xf32, #tpu.memory_space<vmem>>)
      } else {
      }
      %mul3A_144 = arith.constant 2 : i32
      %mul3A_145 = arith.muli %mul3A_144, %scan3A_141 : i32
      %add3A_146 = arith.addi %mul3A_8, %mul3A_145 : i32
      %jit3A_147 = arith.constant 256 : i32
      %div3A_148 = arith.divsi %add3A_146, %jit3A_147 : i32
      %sign3A_149 = arith.constant 0 : i32
      %sign3A_150 = arith.cmpi sgt, %add3A_146, %sign3A_149 : i32
      %sign3A_151 = arith.extui %sign3A_150 : i1 to i32
      %sign3A_152 = arith.constant 0 : i32
      %sign3A_153 = arith.cmpi slt, %add3A_146, %sign3A_152 : i32
      %sign3A_154 = arith.extui %sign3A_153 : i1 to i32
      %sign3A_155 = arith.subi %sign3A_151, %sign3A_154 : i32
      %sign3A_156 = arith.constant 0 : i32
      %sign3A_157 = arith.cmpi sgt, %jit3A_147, %sign3A_156 : i32
      %sign3A_158 = arith.extui %sign3A_157 : i1 to i32
      %sign3A_159 = arith.constant 0 : i32
      %sign3A_160 = arith.cmpi slt, %jit3A_147, %sign3A_159 : i32
      %sign3A_161 = arith.extui %sign3A_160 : i1 to i32
      %sign3A_162 = arith.subi %sign3A_158, %sign3A_161 : i32
      %ne3A_163 = arith.cmpi ne, %sign3A_155, %sign3A_162 : i32
      %rem3A_164 = arith.remsi %add3A_146, %jit3A_147 : i32
      %ne3A_165 = arith.constant 0 : i32
      %ne3A_166 = arith.cmpi ne, %rem3A_164, %ne3A_165 : i32
      %and3A_167 = arith.andi %ne3A_163, %ne3A_166 : i1
      %sub3A_168 = arith.constant 1 : i32
      %sub3A_169 = arith.subi %div3A_148, %sub3A_168 : i32
      %select_n3A_170 = arith.select %and3A_167, %sub3A_169, %div3A_148 : i32
      %mul3A_171 = arith.constant 256 : i32
      %mul3A_172 = arith.muli %mul3A_171, %select_n3A_170 : i32
      %sub3A_173 = arith.subi %add3A_146, %mul3A_172 : i32
      %sub3A_174 = arith.subi %select_n3A_170, %select_n3A : i32
      %mul3A_175 = arith.constant 4096 : i32
      %mul3A_176 = arith.muli %sub3A_174, %mul3A_175 : i32
      %add3A_177 = arith.constant 2047 : i32
      %add3A_178 = arith.addi %mul3A_176, %add3A_177 : i32
      %mul3A_179 = arith.constant 8 : i32
      %mul3A_180 = arith.muli %mul3A_179, %sub3A_173 : i32
      %sub3A_181 = arith.subi %add3A_178, %mul3A_180 : i32
      %rem3A_182 = arith.constant 2 : i32
      %rem3A_183 = arith.remsi %scan3A_141, %rem3A_182 : i32
      %parallel_loop3A_184 = arith.constant 0 : i32
      %parallel_loop3A_185 = arith.constant 32 : i32
      %parallel_loop3A_186 = arith.constant 1 : i32
      scf.for %parallel_loop3A_209 = %parallel_loop3A_184 to %parallel_loop3A_185 step %parallel_loop3A_186  : i32 {
        %parallel_loop3A_210 = arith.constant 16 : i32
        %parallel_loop3A_211 = arith.divsi %parallel_loop3A_209, %parallel_loop3A_210 : i32
        %parallel_loop3A_212 = arith.constant 0 : i32
        %parallel_loop3A_213 = arith.cmpi sgt, %parallel_loop3A_209, %parallel_loop3A_212 : i32
        %parallel_loop3A_214 = arith.extui %parallel_loop3A_213 : i1 to i32
        %parallel_loop3A_215 = arith.constant 0 : i32
        %parallel_loop3A_216 = arith.cmpi slt, %parallel_loop3A_209, %parallel_loop3A_215 : i32
        %parallel_loop3A_217 = arith.extui %parallel_loop3A_216 : i1 to i32
        %parallel_loop3A_218 = arith.subi %parallel_loop3A_214, %parallel_loop3A_217 : i32
        %parallel_loop3A_219 = arith.constant 0 : i32
        %parallel_loop3A_220 = arith.cmpi sgt, %parallel_loop3A_210, %parallel_loop3A_219 : i32
        %parallel_loop3A_221 = arith.extui %parallel_loop3A_220 : i1 to i32
        %parallel_loop3A_222 = arith.constant 0 : i32
        %parallel_loop3A_223 = arith.cmpi slt, %parallel_loop3A_210, %parallel_loop3A_222 : i32
        %parallel_loop3A_224 = arith.extui %parallel_loop3A_223 : i1 to i32
        %parallel_loop3A_225 = arith.subi %parallel_loop3A_221, %parallel_loop3A_224 : i32
        %parallel_loop3A_226 = arith.cmpi ne, %parallel_loop3A_218, %parallel_loop3A_225 : i32
        %parallel_loop3A_227 = arith.remsi %parallel_loop3A_209, %parallel_loop3A_210 : i32
        %parallel_loop3A_228 = arith.constant 0 : i32
        %parallel_loop3A_229 = arith.cmpi ne, %parallel_loop3A_227, %parallel_loop3A_228 : i32
        %parallel_loop3A_230 = arith.andi %parallel_loop3A_226, %parallel_loop3A_229 : i1
        %parallel_loop3A_231 = arith.constant 1 : i32
        %parallel_loop3A_232 = arith.subi %parallel_loop3A_211, %parallel_loop3A_231 : i32
        %parallel_loop3A_233 = arith.select %parallel_loop3A_230, %parallel_loop3A_232, %parallel_loop3A_211 : i32
        %parallel_loop3A_234 = arith.constant 16 : i32
        %parallel_loop3A_235 = arith.muli %parallel_loop3A_234, %parallel_loop3A_233 : i32
        %parallel_loop3A_236 = arith.subi %parallel_loop3A_209, %parallel_loop3A_235 : i32
        %parallel_loop3A_237 = arith.constant 8 : i32
        %parallel_loop3A_238 = arith.muli %parallel_loop3A_237, %parallel_loop3A_233 : i32
        %parallel_loop3A_239 = arith.subi %sub3A_181, %parallel_loop3A_238 : i32
        %parallel_loop3A_240 = arith.constant 128 : i32
        %parallel_loop3A_241 = arith.muli %parallel_loop3A_240, %parallel_loop3A_236 : i32
        %parallel_loop3A_242 = arith.addi %parallel_loop3A_239, %parallel_loop3A_241 : i32
        %parallel_loop3A_243 = arith.constant 0 : i32
        %parallel_loop3A_244 = arith.subi %parallel_loop3A_242, %parallel_loop3A_243 : i32
        %parallel_loop3A_245 = arith.constant 0 : i32
        %parallel_loop3A_246 = arith.addi %parallel_loop3A_244, %parallel_loop3A_245 : i32
        %parallel_loop3A_247 = arith.index_cast %parallel_loop3A_246 : i32 to index
        %parallel_loop3A_248 = tpu.vector_load %arg5[%parallel_loop3A_247] {strides = array<i32>} : memref<8192xf32, #tpu.memory_space<vmem>>, vector<16xf32>,
        %parallel_loop3A_249 = vector.shape_cast %parallel_loop3A_248 : vector<16xf32> to vector<16xf32>
        %parallel_loop3A_250 = arith.constant 0 : i32
        %parallel_loop3A_251 = arith.index_cast %rem3A_183 : i32 to index
        %parallel_loop3A_252 = arith.index_cast %parallel_loop3A_233 : i32 to index
        %parallel_loop3A_253 = arith.index_cast %parallel_loop3A_236 : i32 to index
        %parallel_loop3A_254 = arith.index_cast %parallel_loop3A_250 : i32 to index
        %parallel_loop3A_255 = arith.constant 0 : index
        %parallel_loop3A_256 = tpu.vector_load %arg6[%parallel_loop3A_251, %parallel_loop3A_252, %parallel_loop3A_253, %parallel_loop3A_254, %parallel_loop3A_255] {strides = array<i32>} : memref<2x2x16x8x128xf32, #tpu.memory_space<vmem>>, vector<1x1x1x1x16xf32>,
        %parallel_loop3A_257 = vector.shape_cast %parallel_loop3A_256 : vector<1x1x1x1x16xf32> to vector<16xf32>
        %parallel_loop3A_258 = vector.shape_cast %parallel_loop3A_249 : vector<16xf32> to vector<1x1x1x1x16xf32>
        tpu.vector_store %arg6[%parallel_loop3A_251, %parallel_loop3A_252, %parallel_loop3A_253, %parallel_loop3A_254, %parallel_loop3A_255], %parallel_loop3A_258 {strides = array<i32>} : memref<2x2x16x8x128xf32, #tpu.memory_space<vmem>>, vector<1x1x1x1x16xf32>,
        %parallel_loop3A_259 = arith.constant 0 : i32
        %parallel_loop3A_260 = arith.subi %parallel_loop3A_242, %parallel_loop3A_259 : i32
        %parallel_loop3A_261 = arith.constant 16 : i32
        %parallel_loop3A_262 = arith.addi %parallel_loop3A_260, %parallel_loop3A_261 : i32
        %parallel_loop3A_263 = arith.index_cast %parallel_loop3A_262 : i32 to index
        %parallel_loop3A_264 = tpu.vector_load %arg5[%parallel_loop3A_263] {strides = array<i32>} : memref<8192xf32, #tpu.memory_space<vmem>>, vector<16xf32>,
        %parallel_loop3A_265 = vector.shape_cast %parallel_loop3A_264 : vector<16xf32> to vector<16xf32>
        %parallel_loop3A_266 = arith.constant 0 : i32
        %parallel_loop3A_267 = arith.index_cast %rem3A_183 : i32 to index
        %parallel_loop3A_268 = arith.index_cast %parallel_loop3A_233 : i32 to index
        %parallel_loop3A_269 = arith.index_cast %parallel_loop3A_236 : i32 to index
        %parallel_loop3A_270 = arith.index_cast %parallel_loop3A_266 : i32 to index
        %parallel_loop3A_271 = arith.constant 16 : index
        %parallel_loop3A_272 = tpu.vector_load %arg6[%parallel_loop3A_267, %parallel_loop3A_268, %parallel_loop3A_269, %parallel_loop3A_270, %parallel_loop3A_271] {strides = array<i32>} : memref<2x2x16x8x128xf32, #tpu.memory_space<vmem>>, vector<1x1x1x1x16xf32>,
        %parallel_loop3A_273 = vector.shape_cast %parallel_loop3A_272 : vector<1x1x1x1x16xf32> to vector<16xf32>
        %parallel_loop3A_274 = vector.shape_cast %parallel_loop3A_265 : vector<16xf32> to vector<1x1x1x1x16xf32>
        tpu.vector_store %arg6[%parallel_loop3A_267, %parallel_loop3A_268, %parallel_loop3A_269, %parallel_loop3A_270, %parallel_loop3A_271], %parallel_loop3A_274 {strides = array<i32>} : memref<2x2x16x8x128xf32, #tpu.memory_space<vmem>>, vector<1x1x1x1x16xf32>,
        %parallel_loop3A_275 = arith.constant 0 : i32
        %parallel_loop3A_276 = arith.subi %parallel_loop3A_242, %parallel_loop3A_275 : i32
        %parallel_loop3A_277 = arith.constant 32 : i32
        %parallel_loop3A_278 = arith.addi %parallel_loop3A_276, %parallel_loop3A_277 : i32
        %parallel_loop3A_279 = arith.index_cast %parallel_loop3A_278 : i32 to index
        %parallel_loop3A_280 = tpu.vector_load %arg5[%parallel_loop3A_279] {strides = array<i32>} : memref<8192xf32, #tpu.memory_space<vmem>>, vector<16xf32>,
        %parallel_loop3A_281 = vector.shape_cast %parallel_loop3A_280 : vector<16xf32> to vector<16xf32>
        %parallel_loop3A_282 = arith.constant 0 : i32
        %parallel_loop3A_283 = arith.index_cast %rem3A_183 : i32 to index
        %parallel_loop3A_284 = arith.index_cast %parallel_loop3A_233 : i32 to index
        %parallel_loop3A_285 = arith.index_cast %parallel_loop3A_236 : i32 to index
        %parallel_loop3A_286 = arith.index_cast %parallel_loop3A_282 : i32 to index
        %parallel_loop3A_287 = arith.constant 32 : index
        %parallel_loop3A_288 = tpu.vector_load %arg6[%parallel_loop3A_283, %parallel_loop3A_284, %parallel_loop3A_285, %parallel_loop3A_286, %parallel_loop3A_287] {strides = array<i32>} : memref<2x2x16x8x128xf32, #tpu.memory_space<vmem>>, vector<1x1x1x1x16xf32>,
        %parallel_loop3A_289 = vector.shape_cast %parallel_loop3A_288 : vector<1x1x1x1x16xf32> to vector<16xf32>
        %parallel_loop3A_290 = vector.shape_cast %parallel_loop3A_281 : vector<16xf32> to vector<1x1x1x1x16xf32>
        tpu.vector_store %arg6[%parallel_loop3A_283, %parallel_loop3A_284, %parallel_loop3A_285, %parallel_loop3A_286, %parallel_loop3A_287], %parallel_loop3A_290 {strides = array<i32>} : memref<2x2x16x8x128xf32, #tpu.memory_space<vmem>>, vector<1x1x1x1x16xf32>,
        %parallel_loop3A_291 = arith.constant 0 : i32
        %parallel_loop3A_292 = arith.subi %parallel_loop3A_242, %parallel_loop3A_291 : i32
        %parallel_loop3A_293 = arith.constant 48 : i32
        %parallel_loop3A_294 = arith.addi %parallel_loop3A_292, %parallel_loop3A_293 : i32
        %parallel_loop3A_295 = arith.index_cast %parallel_loop3A_294 : i32 to index
        %parallel_loop3A_296 = tpu.vector_load %arg5[%parallel_loop3A_295] {strides = array<i32>} : memref<8192xf32, #tpu.memory_space<vmem>>, vector<16xf32>,
        %parallel_loop3A_297 = vector.shape_cast %parallel_loop3A_296 : vector<16xf32> to vector<16xf32>
        %parallel_loop3A_298 = arith.constant 0 : i32
        %parallel_loop3A_299 = arith.index_cast %rem3A_183 : i32 to index
        %parallel_loop3A_300 = arith.index_cast %parallel_loop3A_233 : i32 to index
        %parallel_loop3A_301 = arith.index_cast %parallel_loop3A_236 : i32 to index
        %parallel_loop3A_302 = arith.index_cast %parallel_loop3A_298 : i32 to index
        %parallel_loop3A_303 = arith.constant 48 : index
        %parallel_loop3A_304 = tpu.vector_load %arg6[%parallel_loop3A_299, %parallel_loop3A_300, %parallel_loop3A_301, %parallel_loop3A_302, %parallel_loop3A_303] {strides = array<i32>} : memref<2x2x16x8x128xf32, #tpu.memory_space<vmem>>, vector<1x1x1x1x16xf32>,
        %parallel_loop3A_305 = vector.shape_cast %parallel_loop3A_304 : vector<1x1x1x1x16xf32> to vector<16xf32>
        %parallel_loop3A_306 = vector.shape_cast %parallel_loop3A_297 : vector<16xf32> to vector<1x1x1x1x16xf32>
        tpu.vector_store %arg6[%parallel_loop3A_299, %parallel_loop3A_300, %parallel_loop3A_301, %parallel_loop3A_302, %parallel_loop3A_303], %parallel_loop3A_306 {strides = array<i32>} : memref<2x2x16x8x128xf32, #tpu.memory_space<vmem>>, vector<1x1x1x1x16xf32>,
        %parallel_loop3A_307 = arith.constant 0 : i32
        %parallel_loop3A_308 = arith.subi %parallel_loop3A_242, %parallel_loop3A_307 : i32
        %parallel_loop3A_309 = arith.constant 64 : i32
        %parallel_loop3A_310 = arith.addi %parallel_loop3A_308, %parallel_loop3A_309 : i32
        %parallel_loop3A_311 = arith.index_cast %parallel_loop3A_310 : i32 to index
        %parallel_loop3A_312 = tpu.vector_load %arg5[%parallel_loop3A_311] {strides = array<i32>} : memref<8192xf32, #tpu.memory_space<vmem>>, vector<16xf32>,
        %parallel_loop3A_313 = vector.shape_cast %parallel_loop3A_312 : vector<16xf32> to vector<16xf32>
        %parallel_loop3A_314 = arith.constant 0 : i32
        %parallel_loop3A_315 = arith.index_cast %rem3A_183 : i32 to index
        %parallel_loop3A_316 = arith.index_cast %parallel_loop3A_233 : i32 to index
        %parallel_loop3A_317 = arith.index_cast %parallel_loop3A_236 : i32 to index
        %parallel_loop3A_318 = arith.index_cast %parallel_loop3A_314 : i32 to index
        %parallel_loop3A_319 = arith.constant 64 : index
        %parallel_loop3A_320 = tpu.vector_load %arg6[%parallel_loop3A_315, %parallel_loop3A_316, %parallel_loop3A_317, %parallel_loop3A_318, %parallel_loop3A_319] {strides = array<i32>} : memref<2x2x16x8x128xf32, #tpu.memory_space<vmem>>, vector<1x1x1x1x16xf32>,
        %parallel_loop3A_321 = vector.shape_cast %parallel_loop3A_320 : vector<1x1x1x1x16xf32> to vector<16xf32>
        %parallel_loop3A_322 = vector.shape_cast %parallel_loop3A_313 : vector<16xf32> to vector<1x1x1x1x16xf32>
        tpu.vector_store %arg6[%parallel_loop3A_315, %parallel_loop3A_316, %parallel_loop3A_317, %parallel_loop3A_318, %parallel_loop3A_319], %parallel_loop3A_322 {strides = array<i32>} : memref<2x2x16x8x128xf32, #tpu.memory_space<vmem>>, vector<1x1x1x1x16xf32>,
        %parallel_loop3A_323 = arith.constant 0 : i32
        %parallel_loop3A_324 = arith.subi %parallel_loop3A_242, %parallel_loop3A_323 : i32
        %parallel_loop3A_325 = arith.constant 80 : i32
        %parallel_loop3A_326 = arith.addi %parallel_loop3A_324, %parallel_loop3A_325 : i32
        %parallel_loop3A_327 = arith.index_cast %parallel_loop3A_326 : i32 to index
        %parallel_loop3A_328 = tpu.vector_load %arg5[%parallel_loop3A_327] {strides = array<i32>} : memref<8192xf32, #tpu.memory_space<vmem>>, vector<16xf32>,
        %parallel_loop3A_329 = vector.shape_cast %parallel_loop3A_328 : vector<16xf32> to vector<16xf32>
        %parallel_loop3A_330 = arith.constant 0 : i32
        %parallel_loop3A_331 = arith.index_cast %rem3A_183 : i32 to index
        %parallel_loop3A_332 = arith.index_cast %parallel_loop3A_233 : i32 to index
        %parallel_loop3A_333 = arith.index_cast %parallel_loop3A_236 : i32 to index
        %parallel_loop3A_334 = arith.index_cast %parallel_loop3A_330 : i32 to index
        %parallel_loop3A_335 = arith.constant 80 : index
        %parallel_loop3A_336 = tpu.vector_load %arg6[%parallel_loop3A_331, %parallel_loop3A_332, %parallel_loop3A_333, %parallel_loop3A_334, %parallel_loop3A_335] {strides = array<i32>} : memref<2x2x16x8x128xf32, #tpu.memory_space<vmem>>, vector<1x1x1x1x16xf32>,
        %parallel_loop3A_337 = vector.shape_cast %parallel_loop3A_336 : vector<1x1x1x1x16xf32> to vector<16xf32>
        %parallel_loop3A_338 = vector.shape_cast %parallel_loop3A_329 : vector<16xf32> to vector<1x1x1x1x16xf32>
        tpu.vector_store %arg6[%parallel_loop3A_331, %parallel_loop3A_332, %parallel_loop3A_333, %parallel_loop3A_334, %parallel_loop3A_335], %parallel_loop3A_338 {strides = array<i32>} : memref<2x2x16x8x128xf32, #tpu.memory_space<vmem>>, vector<1x1x1x1x16xf32>,
        %parallel_loop3A_339 = arith.constant 0 : i32
        %parallel_loop3A_340 = arith.subi %parallel_loop3A_242, %parallel_loop3A_339 : i32
        %parallel_loop3A_341 = arith.constant 96 : i32
        %parallel_loop3A_342 = arith.addi %parallel_loop3A_340, %parallel_loop3A_341 : i32
        %parallel_loop3A_343 = arith.index_cast %parallel_loop3A_342 : i32 to index
        %parallel_loop3A_344 = tpu.vector_load %arg5[%parallel_loop3A_343] {strides = array<i32>} : memref<8192xf32, #tpu.memory_space<vmem>>, vector<16xf32>,
        %parallel_loop3A_345 = vector.shape_cast %parallel_loop3A_344 : vector<16xf32> to vector<16xf32>
        %parallel_loop3A_346 = arith.constant 0 : i32
        %parallel_loop3A_347 = arith.index_cast %rem3A_183 : i32 to index
        %parallel_loop3A_348 = arith.index_cast %parallel_loop3A_233 : i32 to index
        %parallel_loop3A_349 = arith.index_cast %parallel_loop3A_236 : i32 to index
        %parallel_loop3A_350 = arith.index_cast %parallel_loop3A_346 : i32 to index
        %parallel_loop3A_351 = arith.constant 96 : index
        %parallel_loop3A_352 = tpu.vector_load %arg6[%parallel_loop3A_347, %parallel_loop3A_348, %parallel_loop3A_349, %parallel_loop3A_350, %parallel_loop3A_351] {strides = array<i32>} : memref<2x2x16x8x128xf32, #tpu.memory_space<vmem>>, vector<1x1x1x1x16xf32>,
        %parallel_loop3A_353 = vector.shape_cast %parallel_loop3A_352 : vector<1x1x1x1x16xf32> to vector<16xf32>
        %parallel_loop3A_354 = vector.shape_cast %parallel_loop3A_345 : vector<16xf32> to vector<1x1x1x1x16xf32>
        tpu.vector_store %arg6[%parallel_loop3A_347, %parallel_loop3A_348, %parallel_loop3A_349, %parallel_loop3A_350, %parallel_loop3A_351], %parallel_loop3A_354 {strides = array<i32>} : memref<2x2x16x8x128xf32, #tpu.memory_space<vmem>>, vector<1x1x1x1x16xf32>,
        %parallel_loop3A_355 = arith.constant 0 : i32
        %parallel_loop3A_356 = arith.subi %parallel_loop3A_242, %parallel_loop3A_355 : i32
        %parallel_loop3A_357 = arith.constant 112 : i32
        %parallel_loop3A_358 = arith.addi %parallel_loop3A_356, %parallel_loop3A_357 : i32
        %parallel_loop3A_359 = arith.index_cast %parallel_loop3A_358 : i32 to index
        %parallel_loop3A_360 = tpu.vector_load %arg5[%parallel_loop3A_359] {strides = array<i32>} : memref<8192xf32, #tpu.memory_space<vmem>>, vector<16xf32>,
        %parallel_loop3A_361 = vector.shape_cast %parallel_loop3A_360 : vector<16xf32> to vector<16xf32>
        %parallel_loop3A_362 = arith.constant 0 : i32
        %parallel_loop3A_363 = arith.index_cast %rem3A_183 : i32 to index
        %parallel_loop3A_364 = arith.index_cast %parallel_loop3A_233 : i32 to index
        %parallel_loop3A_365 = arith.index_cast %parallel_loop3A_236 : i32 to index
        %parallel_loop3A_366 = arith.index_cast %parallel_loop3A_362 : i32 to index
        %parallel_loop3A_367 = arith.constant 112 : index
        %parallel_loop3A_368 = tpu.vector_load %arg6[%parallel_loop3A_363, %parallel_loop3A_364, %parallel_loop3A_365, %parallel_loop3A_366, %parallel_loop3A_367] {strides = array<i32>} : memref<2x2x16x8x128xf32, #tpu.memory_space<vmem>>, vector<1x1x1x1x16xf32>,
        %parallel_loop3A_369 = vector.shape_cast %parallel_loop3A_368 : vector<1x1x1x1x16xf32> to vector<16xf32>
        %parallel_loop3A_370 = vector.shape_cast %parallel_loop3A_361 : vector<16xf32> to vector<1x1x1x1x16xf32>
        tpu.vector_store %arg6[%parallel_loop3A_363, %parallel_loop3A_364, %parallel_loop3A_365, %parallel_loop3A_366, %parallel_loop3A_367], %parallel_loop3A_370 {strides = array<i32>} : memref<2x2x16x8x128xf32, #tpu.memory_space<vmem>>, vector<1x1x1x1x16xf32>,
        %parallel_loop3A_371 = arith.constant 1 : i32
        %parallel_loop3A_372 = arith.subi %parallel_loop3A_242, %parallel_loop3A_371 : i32
        %parallel_loop3A_373 = arith.constant 0 : i32
        %parallel_loop3A_374 = arith.addi %parallel_loop3A_372, %parallel_loop3A_373 : i32
        %parallel_loop3A_375 = arith.index_cast %parallel_loop3A_374 : i32 to index
        %parallel_loop3A_376 = tpu.vector_load %arg5[%parallel_loop3A_375] {strides = array<i32>} : memref<8192xf32, #tpu.memory_space<vmem>>, vector<16xf32>,
        %parallel_loop3A_377 = vector.shape_cast %parallel_loop3A_376 : vector<16xf32> to vector<16xf32>
        %parallel_loop3A_378 = arith.constant 1 : i32
        %parallel_loop3A_379 = arith.index_cast %rem3A_183 : i32 to index
        %parallel_loop3A_380 = arith.index_cast %parallel_loop3A_233 : i32 to index
        %parallel_loop3A_381 = arith.index_cast %parallel_loop3A_236 : i32 to index
        %parallel_loop3A_382 = arith.index_cast %parallel_loop3A_378 : i32 to index
        %parallel_loop3A_383 = arith.constant 0 : index
        %parallel_loop3A_384 = tpu.vector_load %arg6[%parallel_loop3A_379, %parallel_loop3A_380, %parallel_loop3A_381, %parallel_loop3A_382, %parallel_loop3A_383] {strides = array<i32>} : memref<2x2x16x8x128xf32, #tpu.memory_space<vmem>>, vector<1x1x1x1x16xf32>,
        %parallel_loop3A_385 = vector.shape_cast %parallel_loop3A_384 : vector<1x1x1x1x16xf32> to vector<16xf32>
        %parallel_loop3A_386 = vector.shape_cast %parallel_loop3A_377 : vector<16xf32> to vector<1x1x1x1x16xf32>
        tpu.vector_store %arg6[%parallel_loop3A_379, %parallel_loop3A_380, %parallel_loop3A_381, %parallel_loop3A_382, %parallel_loop3A_383], %parallel_loop3A_386 {strides = array<i32>} : memref<2x2x16x8x128xf32, #tpu.memory_space<vmem>>, vector<1x1x1x1x16xf32>,
        %parallel_loop3A_387 = arith.constant 1 : i32
        %parallel_loop3A_388 = arith.subi %parallel_loop3A_242, %parallel_loop3A_387 : i32
        %parallel_loop3A_389 = arith.constant 16 : i32
        %parallel_loop3A_390 = arith.addi %parallel_loop3A_388, %parallel_loop3A_389 : i32
        %parallel_loop3A_391 = arith.index_cast %parallel_loop3A_390 : i32 to index
        %parallel_loop3A_392 = tpu.vector_load %arg5[%parallel_loop3A_391] {strides = array<i32>} : memref<8192xf32, #tpu.memory_space<vmem>>, vector<16xf32>,
        %parallel_loop3A_393 = vector.shape_cast %parallel_loop3A_392 : vector<16xf32> to vector<16xf32>
        %parallel_loop3A_394 = arith.constant 1 : i32
        %parallel_loop3A_395 = arith.index_cast %rem3A_183 : i32 to index
        %parallel_loop3A_396 = arith.index_cast %parallel_loop3A_233 : i32 to index
        %parallel_loop3A_397 = arith.index_cast %parallel_loop3A_236 : i32 to index
        %parallel_loop3A_398 = arith.index_cast %parallel_loop3A_394 : i32 to index
        %parallel_loop3A_399 = arith.constant 16 : index
        %parallel_loop3A_400 = tpu.vector_load %arg6[%parallel_loop3A_395, %parallel_loop3A_396, %parallel_loop3A_397, %parallel_loop3A_398, %parallel_loop3A_399] {strides = array<i32>} : memref<2x2x16x8x128xf32, #tpu.memory_space<vmem>>, vector<1x1x1x1x16xf32>,
        %parallel_loop3A_401 = vector.shape_cast %parallel_loop3A_400 : vector<1x1x1x1x16xf32> to vector<16xf32>
        %parallel_loop3A_402 = vector.shape_cast %parallel_loop3A_393 : vector<16xf32> to vector<1x1x1x1x16xf32>
        tpu.vector_store %arg6[%parallel_loop3A_395, %parallel_loop3A_396, %parallel_loop3A_397, %parallel_loop3A_398, %parallel_loop3A_399], %parallel_loop3A_402 {strides = array<i32>} : memref<2x2x16x8x128xf32, #tpu.memory_space<vmem>>, vector<1x1x1x1x16xf32>,
        %parallel_loop3A_403 = arith.constant 1 : i32
        %parallel_loop3A_404 = arith.subi %parallel_loop3A_242, %parallel_loop3A_403 : i32
        %parallel_loop3A_405 = arith.constant 32 : i32
        %parallel_loop3A_406 = arith.addi %parallel_loop3A_404, %parallel_loop3A_405 : i32
        %parallel_loop3A_407 = arith.index_cast %parallel_loop3A_406 : i32 to index
        %parallel_loop3A_408 = tpu.vector_load %arg5[%parallel_loop3A_407] {strides = array<i32>} : memref<8192xf32, #tpu.memory_space<vmem>>, vector<16xf32>,
        %parallel_loop3A_409 = vector.shape_cast %parallel_loop3A_408 : vector<16xf32> to vector<16xf32>
        %parallel_loop3A_410 = arith.constant 1 : i32
        %parallel_loop3A_411 = arith.index_cast %rem3A_183 : i32 to index
        %parallel_loop3A_412 = arith.index_cast %parallel_loop3A_233 : i32 to index
        %parallel_loop3A_413 = arith.index_cast %parallel_loop3A_236 : i32 to index
        %parallel_loop3A_414 = arith.index_cast %parallel_loop3A_410 : i32 to index
        %parallel_loop3A_415 = arith.constant 32 : index
        %parallel_loop3A_416 = tpu.vector_load %arg6[%parallel_loop3A_411, %parallel_loop3A_412, %parallel_loop3A_413, %parallel_loop3A_414, %parallel_loop3A_415] {strides = array<i32>} : memref<2x2x16x8x128xf32, #tpu.memory_space<vmem>>, vector<1x1x1x1x16xf32>,
        %parallel_loop3A_417 = vector.shape_cast %parallel_loop3A_416 : vector<1x1x1x1x16xf32> to vector<16xf32>
        %parallel_loop3A_418 = vector.shape_cast %parallel_loop3A_409 : vector<16xf32> to vector<1x1x1x1x16xf32>
        tpu.vector_store %arg6[%parallel_loop3A_411, %parallel_loop3A_412, %parallel_loop3A_413, %parallel_loop3A_414, %parallel_loop3A_415], %parallel_loop3A_418 {strides = array<i32>} : memref<2x2x16x8x128xf32, #tpu.memory_space<vmem>>, vector<1x1x1x1x16xf32>,
        %parallel_loop3A_419 = arith.constant 1 : i32
        %parallel_loop3A_420 = arith.subi %parallel_loop3A_242, %parallel_loop3A_419 : i32
        %parallel_loop3A_421 = arith.constant 48 : i32
        %parallel_loop3A_422 = arith.addi %parallel_loop3A_420, %parallel_loop3A_421 : i32
        %parallel_loop3A_423 = arith.index_cast %parallel_loop3A_422 : i32 to index
        %parallel_loop3A_424 = tpu.vector_load %arg5[%parallel_loop3A_423] {strides = array<i32>} : memref<8192xf32, #tpu.memory_space<vmem>>, vector<16xf32>,
        %parallel_loop3A_425 = vector.shape_cast %parallel_loop3A_424 : vector<16xf32> to vector<16xf32>
        %parallel_loop3A_426 = arith.constant 1 : i32
        %parallel_loop3A_427 = arith.index_cast %rem3A_183 : i32 to index
        %parallel_loop3A_428 = arith.index_cast %parallel_loop3A_233 : i32 to index
        %parallel_loop3A_429 = arith.index_cast %parallel_loop3A_236 : i32 to index
        %parallel_loop3A_430 = arith.index_cast %parallel_loop3A_426 : i32 to index
        %parallel_loop3A_431 = arith.constant 48 : index
        %parallel_loop3A_432 = tpu.vector_load %arg6[%parallel_loop3A_427, %parallel_loop3A_428, %parallel_loop3A_429, %parallel_loop3A_430, %parallel_loop3A_431] {strides = array<i32>} : memref<2x2x16x8x128xf32, #tpu.memory_space<vmem>>, vector<1x1x1x1x16xf32>,
        %parallel_loop3A_433 = vector.shape_cast %parallel_loop3A_432 : vector<1x1x1x1x16xf32> to vector<16xf32>
        %parallel_loop3A_434 = vector.shape_cast %parallel_loop3A_425 : vector<16xf32> to vector<1x1x1x1x16xf32>
        tpu.vector_store %arg6[%parallel_loop3A_427, %parallel_loop3A_428, %parallel_loop3A_429, %parallel_loop3A_430, %parallel_loop3A_431], %parallel_loop3A_434 {strides = array<i32>} : memref<2x2x16x8x128xf32, #tpu.memory_space<vmem>>, vector<1x1x1x1x16xf32>,
        %parallel_loop3A_435 = arith.constant 1 : i32
        %parallel_loop3A_436 = arith.subi %parallel_loop3A_242, %parallel_loop3A_435 : i32
        %parallel_loop3A_437 = arith.constant 64 : i32
        %parallel_loop3A_438 = arith.addi %parallel_loop3A_436, %parallel_loop3A_437 : i32
        %parallel_loop3A_439 = arith.index_cast %parallel_loop3A_438 : i32 to index
        %parallel_loop3A_440 = tpu.vector_load %arg5[%parallel_loop3A_439] {strides = array<i32>} : memref<8192xf32, #tpu.memory_space<vmem>>, vector<16xf32>,
        %parallel_loop3A_441 = vector.shape_cast %parallel_loop3A_440 : vector<16xf32> to vector<16xf32>
        %parallel_loop3A_442 = arith.constant 1 : i32
        %parallel_loop3A_443 = arith.index_cast %rem3A_183 : i32 to index
        %parallel_loop3A_444 = arith.index_cast %parallel_loop3A_233 : i32 to index
        %parallel_loop3A_445 = arith.index_cast %parallel_loop3A_236 : i32 to index
        %parallel_loop3A_446 = arith.index_cast %parallel_loop3A_442 : i32 to index
        %parallel_loop3A_447 = arith.constant 64 : index
        %parallel_loop3A_448 = tpu.vector_load %arg6[%parallel_loop3A_443, %parallel_loop3A_444, %parallel_loop3A_445, %parallel_loop3A_446, %parallel_loop3A_447] {strides = array<i32>} : memref<2x2x16x8x128xf32, #tpu.memory_space<vmem>>, vector<1x1x1x1x16xf32>,
        %parallel_loop3A_449 = vector.shape_cast %parallel_loop3A_448 : vector<1x1x1x1x16xf32> to vector<16xf32>
        %parallel_loop3A_450 = vector.shape_cast %parallel_loop3A_441 : vector<16xf32> to vector<1x1x1x1x16xf32>
        tpu.vector_store %arg6[%parallel_loop3A_443, %parallel_loop3A_444, %parallel_loop3A_445, %parallel_loop3A_446, %parallel_loop3A_447], %parallel_loop3A_450 {strides = array<i32>} : memref<2x2x16x8x128xf32, #tpu.memory_space<vmem>>, vector<1x1x1x1x16xf32>,
        %parallel_loop3A_451 = arith.constant 1 : i32
        %parallel_loop3A_452 = arith.subi %parallel_loop3A_242, %parallel_loop3A_451 : i32
        %parallel_loop3A_453 = arith.constant 80 : i32
        %parallel_loop3A_454 = arith.addi %parallel_loop3A_452, %parallel_loop3A_453 : i32
        %parallel_loop3A_455 = arith.index_cast %parallel_loop3A_454 : i32 to index
        %parallel_loop3A_456 = tpu.vector_load %arg5[%parallel_loop3A_455] {strides = array<i32>} : memref<8192xf32, #tpu.memory_space<vmem>>, vector<16xf32>,
        %parallel_loop3A_457 = vector.shape_cast %parallel_loop3A_456 : vector<16xf32> to vector<16xf32>
        %parallel_loop3A_458 = arith.constant 1 : i32
        %parallel_loop3A_459 = arith.index_cast %rem3A_183 : i32 to index
        %parallel_loop3A_460 = arith.index_cast %parallel_loop3A_233 : i32 to index
        %parallel_loop3A_461 = arith.index_cast %parallel_loop3A_236 : i32 to index
        %parallel_loop3A_462 = arith.index_cast %parallel_loop3A_458 : i32 to index
        %parallel_loop3A_463 = arith.constant 80 : index
        %parallel_loop3A_464 = tpu.vector_load %arg6[%parallel_loop3A_459, %parallel_loop3A_460, %parallel_loop3A_461, %parallel_loop3A_462, %parallel_loop3A_463] {strides = array<i32>} : memref<2x2x16x8x128xf32, #tpu.memory_space<vmem>>, vector<1x1x1x1x16xf32>,
        %parallel_loop3A_465 = vector.shape_cast %parallel_loop3A_464 : vector<1x1x1x1x16xf32> to vector<16xf32>
        %parallel_loop3A_466 = vector.shape_cast %parallel_loop3A_457 : vector<16xf32> to vector<1x1x1x1x16xf32>
        tpu.vector_store %arg6[%parallel_loop3A_459, %parallel_loop3A_460, %parallel_loop3A_461, %parallel_loop3A_462, %parallel_loop3A_463], %parallel_loop3A_466 {strides = array<i32>} : memref<2x2x16x8x128xf32, #tpu.memory_space<vmem>>, vector<1x1x1x1x16xf32>,
        %parallel_loop3A_467 = arith.constant 1 : i32
        %parallel_loop3A_468 = arith.subi %parallel_loop3A_242, %parallel_loop3A_467 : i32
        %parallel_loop3A_469 = arith.constant 96 : i32
        %parallel_loop3A_470 = arith.addi %parallel_loop3A_468, %parallel_loop3A_469 : i32
        %parallel_loop3A_471 = arith.index_cast %parallel_loop3A_470 : i32 to index
        %parallel_loop3A_472 = tpu.vector_load %arg5[%parallel_loop3A_471] {strides = array<i32>} : memref<8192xf32, #tpu.memory_space<vmem>>, vector<16xf32>,
        %parallel_loop3A_473 = vector.shape_cast %parallel_loop3A_472 : vector<16xf32> to vector<16xf32>
        %parallel_loop3A_474 = arith.constant 1 : i32
        %parallel_loop3A_475 = arith.index_cast %rem3A_183 : i32 to index
        %parallel_loop3A_476 = arith.index_cast %parallel_loop3A_233 : i32 to index
        %parallel_loop3A_477 = arith.index_cast %parallel_loop3A_236 : i32 to index
        %parallel_loop3A_478 = arith.index_cast %parallel_loop3A_474 : i32 to index
        %parallel_loop3A_479 = arith.constant 96 : index
        %parallel_loop3A_480 = tpu.vector_load %arg6[%parallel_loop3A_475, %parallel_loop3A_476, %parallel_loop3A_477, %parallel_loop3A_478, %parallel_loop3A_479] {strides = array<i32>} : memref<2x2x16x8x128xf32, #tpu.memory_space<vmem>>, vector<1x1x1x1x16xf32>,
        %parallel_loop3A_481 = vector.shape_cast %parallel_loop3A_480 : vector<1x1x1x1x16xf32> to vector<16xf32>
        %parallel_loop3A_482 = vector.shape_cast %parallel_loop3A_473 : vector<16xf32> to vector<1x1x1x1x16xf32>
        tpu.vector_store %arg6[%parallel_loop3A_475, %parallel_loop3A_476, %parallel_loop3A_477, %parallel_loop3A_478, %parallel_loop3A_479], %parallel_loop3A_482 {strides = array<i32>} : memref<2x2x16x8x128xf32, #tpu.memory_space<vmem>>, vector<1x1x1x1x16xf32>,
        %parallel_loop3A_483 = arith.constant 1 : i32
        %parallel_loop3A_484 = arith.subi %parallel_loop3A_242, %parallel_loop3A_483 : i32
        %parallel_loop3A_485 = arith.constant 112 : i32
        %parallel_loop3A_486 = arith.addi %parallel_loop3A_484, %parallel_loop3A_485 : i32
        %parallel_loop3A_487 = arith.index_cast %parallel_loop3A_486 : i32 to index
        %parallel_loop3A_488 = tpu.vector_load %arg5[%parallel_loop3A_487] {strides = array<i32>} : memref<8192xf32, #tpu.memory_space<vmem>>, vector<16xf32>,
        %parallel_loop3A_489 = vector.shape_cast %parallel_loop3A_488 : vector<16xf32> to vector<16xf32>
        %parallel_loop3A_490 = arith.constant 1 : i32
        %parallel_loop3A_491 = arith.index_cast %rem3A_183 : i32 to index
        %parallel_loop3A_492 = arith.index_cast %parallel_loop3A_233 : i32 to index
        %parallel_loop3A_493 = arith.index_cast %parallel_loop3A_236 : i32 to index
        %parallel_loop3A_494 = arith.index_cast %parallel_loop3A_490 : i32 to index
        %parallel_loop3A_495 = arith.constant 112 : index
        %parallel_loop3A_496 = tpu.vector_load %arg6[%parallel_loop3A_491, %parallel_loop3A_492, %parallel_loop3A_493, %parallel_loop3A_494, %parallel_loop3A_495] {strides = array<i32>} : memref<2x2x16x8x128xf32, #tpu.memory_space<vmem>>, vector<1x1x1x1x16xf32>,
        %parallel_loop3A_497 = vector.shape_cast %parallel_loop3A_496 : vector<1x1x1x1x16xf32> to vector<16xf32>
        %parallel_loop3A_498 = vector.shape_cast %parallel_loop3A_489 : vector<16xf32> to vector<1x1x1x1x16xf32>
        tpu.vector_store %arg6[%parallel_loop3A_491, %parallel_loop3A_492, %parallel_loop3A_493, %parallel_loop3A_494, %parallel_loop3A_495], %parallel_loop3A_498 {strides = array<i32>} : memref<2x2x16x8x128xf32, #tpu.memory_space<vmem>>, vector<1x1x1x1x16xf32>,
        %parallel_loop3A_499 = arith.constant 2 : i32
        %parallel_loop3A_500 = arith.subi %parallel_loop3A_242, %parallel_loop3A_499 : i32
        %parallel_loop3A_501 = arith.constant 0 : i32
        %parallel_loop3A_502 = arith.addi %parallel_loop3A_500, %parallel_loop3A_501 : i32
        %parallel_loop3A_503 = arith.index_cast %parallel_loop3A_502 : i32 to index
        %parallel_loop3A_504 = tpu.vector_load %arg5[%parallel_loop3A_503] {strides = array<i32>} : memref<8192xf32, #tpu.memory_space<vmem>>, vector<16xf32>,
        %parallel_loop3A_505 = vector.shape_cast %parallel_loop3A_504 : vector<16xf32> to vector<16xf32>
        %parallel_loop3A_506 = arith.constant 2 : i32
        %parallel_loop3A_507 = arith.index_cast %rem3A_183 : i32 to index
        %parallel_loop3A_508 = arith.index_cast %parallel_loop3A_233 : i32 to index
        %parallel_loop3A_509 = arith.index_cast %parallel_loop3A_236 : i32 to index
        %parallel_loop3A_510 = arith.index_cast %parallel_loop3A_506 : i32 to index
        %parallel_loop3A_511 = arith.constant 0 : index
        %parallel_loop3A_512 = tpu.vector_load %arg6[%parallel_loop3A_507, %parallel_loop3A_508, %parallel_loop3A_509, %parallel_loop3A_510, %parallel_loop3A_511] {strides = array<i32>} : memref<2x2x16x8x128xf32, #tpu.memory_space<vmem>>, vector<1x1x1x1x16xf32>,
        %parallel_loop3A_513 = vector.shape_cast %parallel_loop3A_512 : vector<1x1x1x1x16xf32> to vector<16xf32>
        %parallel_loop3A_514 = vector.shape_cast %parallel_loop3A_505 : vector<16xf32> to vector<1x1x1x1x16xf32>
        tpu.vector_store %arg6[%parallel_loop3A_507, %parallel_loop3A_508, %parallel_loop3A_509, %parallel_loop3A_510, %parallel_loop3A_511], %parallel_loop3A_514 {strides = array<i32>} : memref<2x2x16x8x128xf32, #tpu.memory_space<vmem>>, vector<1x1x1x1x16xf32>,
        %parallel_loop3A_515 = arith.constant 2 : i32
        %parallel_loop3A_516 = arith.subi %parallel_loop3A_242, %parallel_loop3A_515 : i32
        %parallel_loop3A_517 = arith.constant 16 : i32
        %parallel_loop3A_518 = arith.addi %parallel_loop3A_516, %parallel_loop3A_517 : i32
        %parallel_loop3A_519 = arith.index_cast %parallel_loop3A_518 : i32 to index
        %parallel_loop3A_520 = tpu.vector_load %arg5[%parallel_loop3A_519] {strides = array<i32>} : memref<8192xf32, #tpu.memory_space<vmem>>, vector<16xf32>,
        %parallel_loop3A_521 = vector.shape_cast %parallel_loop3A_520 : vector<16xf32> to vector<16xf32>
        %parallel_loop3A_522 = arith.constant 2 : i32
        %parallel_loop3A_523 = arith.index_cast %rem3A_183 : i32 to index
        %parallel_loop3A_524 = arith.index_cast %parallel_loop3A_233 : i32 to index
        %parallel_loop3A_525 = arith.index_cast %parallel_loop3A_236 : i32 to index
        %parallel_loop3A_526 = arith.index_cast %parallel_loop3A_522 : i32 to index
        %parallel_loop3A_527 = arith.constant 16 : index
        %parallel_loop3A_528 = tpu.vector_load %arg6[%parallel_loop3A_523, %parallel_loop3A_524, %parallel_loop3A_525, %parallel_loop3A_526, %parallel_loop3A_527] {strides = array<i32>} : memref<2x2x16x8x128xf32, #tpu.memory_space<vmem>>, vector<1x1x1x1x16xf32>,
        %parallel_loop3A_529 = vector.shape_cast %parallel_loop3A_528 : vector<1x1x1x1x16xf32> to vector<16xf32>
        %parallel_loop3A_530 = vector.shape_cast %parallel_loop3A_521 : vector<16xf32> to vector<1x1x1x1x16xf32>
        tpu.vector_store %arg6[%parallel_loop3A_523, %parallel_loop3A_524, %parallel_loop3A_525, %parallel_loop3A_526, %parallel_loop3A_527], %parallel_loop3A_530 {strides = array<i32>} : memref<2x2x16x8x128xf32, #tpu.memory_space<vmem>>, vector<1x1x1x1x16xf32>,
        %parallel_loop3A_531 = arith.constant 2 : i32
        %parallel_loop3A_532 = arith.subi %parallel_loop3A_242, %parallel_loop3A_531 : i32
        %parallel_loop3A_533 = arith.constant 32 : i32
        %parallel_loop3A_534 = arith.addi %parallel_loop3A_532, %parallel_loop3A_533 : i32
        %parallel_loop3A_535 = arith.index_cast %parallel_loop3A_534 : i32 to index
        %parallel_loop3A_536 = tpu.vector_load %arg5[%parallel_loop3A_535] {strides = array<i32>} : memref<8192xf32, #tpu.memory_space<vmem>>, vector<16xf32>,
        %parallel_loop3A_537 = vector.shape_cast %parallel_loop3A_536 : vector<16xf32> to vector<16xf32>
        %parallel_loop3A_538 = arith.constant 2 : i32
        %parallel_loop3A_539 = arith.index_cast %rem3A_183 : i32 to index
        %parallel_loop3A_540 = arith.index_cast %parallel_loop3A_233 : i32 to index
        %parallel_loop3A_541 = arith.index_cast %parallel_loop3A_236 : i32 to index
        %parallel_loop3A_542 = arith.index_cast %parallel_loop3A_538 : i32 to index
        %parallel_loop3A_543 = arith.constant 32 : index
        %parallel_loop3A_544 = tpu.vector_load %arg6[%parallel_loop3A_539, %parallel_loop3A_540, %parallel_loop3A_541, %parallel_loop3A_542, %parallel_loop3A_543] {strides = array<i32>} : memref<2x2x16x8x128xf32, #tpu.memory_space<vmem>>, vector<1x1x1x1x16xf32>,
        %parallel_loop3A_545 = vector.shape_cast %parallel_loop3A_544 : vector<1x1x1x1x16xf32> to vector<16xf32>
        %parallel_loop3A_546 = vector.shape_cast %parallel_loop3A_537 : vector<16xf32> to vector<1x1x1x1x16xf32>
        tpu.vector_store %arg6[%parallel_loop3A_539, %parallel_loop3A_540, %parallel_loop3A_541, %parallel_loop3A_542, %parallel_loop3A_543], %parallel_loop3A_546 {strides = array<i32>} : memref<2x2x16x8x128xf32, #tpu.memory_space<vmem>>, vector<1x1x1x1x16xf32>,
        %parallel_loop3A_547 = arith.constant 2 : i32
        %parallel_loop3A_548 = arith.subi %parallel_loop3A_242, %parallel_loop3A_547 : i32
        %parallel_loop3A_549 = arith.constant 48 : i32
        %parallel_loop3A_550 = arith.addi %parallel_loop3A_548, %parallel_loop3A_549 : i32
        %parallel_loop3A_551 = arith.index_cast %parallel_loop3A_550 : i32 to index
        %parallel_loop3A_552 = tpu.vector_load %arg5[%parallel_loop3A_551] {strides = array<i32>} : memref<8192xf32, #tpu.memory_space<vmem>>, vector<16xf32>,
        %parallel_loop3A_553 = vector.shape_cast %parallel_loop3A_552 : vector<16xf32> to vector<16xf32>
        %parallel_loop3A_554 = arith.constant 2 : i32
        %parallel_loop3A_555 = arith.index_cast %rem3A_183 : i32 to index
        %parallel_loop3A_556 = arith.index_cast %parallel_loop3A_233 : i32 to index
        %parallel_loop3A_557 = arith.index_cast %parallel_loop3A_236 : i32 to index
        %parallel_loop3A_558 = arith.index_cast %parallel_loop3A_554 : i32 to index
        %parallel_loop3A_559 = arith.constant 48 : index
        %parallel_loop3A_560 = tpu.vector_load %arg6[%parallel_loop3A_555, %parallel_loop3A_556, %parallel_loop3A_557, %parallel_loop3A_558, %parallel_loop3A_559] {strides = array<i32>} : memref<2x2x16x8x128xf32, #tpu.memory_space<vmem>>, vector<1x1x1x1x16xf32>,
        %parallel_loop3A_561 = vector.shape_cast %parallel_loop3A_560 : vector<1x1x1x1x16xf32> to vector<16xf32>
        %parallel_loop3A_562 = vector.shape_cast %parallel_loop3A_553 : vector<16xf32> to vector<1x1x1x1x16xf32>
        tpu.vector_store %arg6[%parallel_loop3A_555, %parallel_loop3A_556, %parallel_loop3A_557, %parallel_loop3A_558, %parallel_loop3A_559], %parallel_loop3A_562 {strides = array<i32>} : memref<2x2x16x8x128xf32, #tpu.memory_space<vmem>>, vector<1x1x1x1x16xf32>,
        %parallel_loop3A_563 = arith.constant 2 : i32
        %parallel_loop3A_564 = arith.subi %parallel_loop3A_242, %parallel_loop3A_563 : i32
        %parallel_loop3A_565 = arith.constant 64 : i32
        %parallel_loop3A_566 = arith.addi %parallel_loop3A_564, %parallel_loop3A_565 : i32
        %parallel_loop3A_567 = arith.index_cast %parallel_loop3A_566 : i32 to index
        %parallel_loop3A_568 = tpu.vector_load %arg5[%parallel_loop3A_567] {strides = array<i32>} : memref<8192xf32, #tpu.memory_space<vmem>>, vector<16xf32>,
        %parallel_loop3A_569 = vector.shape_cast %parallel_loop3A_568 : vector<16xf32> to vector<16xf32>
        %parallel_loop3A_570 = arith.constant 2 : i32
        %parallel_loop3A_571 = arith.index_cast %rem3A_183 : i32 to index
        %parallel_loop3A_572 = arith.index_cast %parallel_loop3A_233 : i32 to index
        %parallel_loop3A_573 = arith.index_cast %parallel_loop3A_236 : i32 to index
        %parallel_loop3A_574 = arith.index_cast %parallel_loop3A_570 : i32 to index
        %parallel_loop3A_575 = arith.constant 64 : index
        %parallel_loop3A_576 = tpu.vector_load %arg6[%parallel_loop3A_571, %parallel_loop3A_572, %parallel_loop3A_573, %parallel_loop3A_574, %parallel_loop3A_575] {strides = array<i32>} : memref<2x2x16x8x128xf32, #tpu.memory_space<vmem>>, vector<1x1x1x1x16xf32>,
        %parallel_loop3A_577 = vector.shape_cast %parallel_loop3A_576 : vector<1x1x1x1x16xf32> to vector<16xf32>
        %parallel_loop3A_578 = vector.shape_cast %parallel_loop3A_569 : vector<16xf32> to vector<1x1x1x1x16xf32>
        tpu.vector_store %arg6[%parallel_loop3A_571, %parallel_loop3A_572, %parallel_loop3A_573, %parallel_loop3A_574, %parallel_loop3A_575], %parallel_loop3A_578 {strides = array<i32>} : memref<2x2x16x8x128xf32, #tpu.memory_space<vmem>>, vector<1x1x1x1x16xf32>,
        %parallel_loop3A_579 = arith.constant 2 : i32
        %parallel_loop3A_580 = arith.subi %parallel_loop3A_242, %parallel_loop3A_579 : i32
        %parallel_loop3A_581 = arith.constant 80 : i32
        %parallel_loop3A_582 = arith.addi %parallel_loop3A_580, %parallel_loop3A_581 : i32
        %parallel_loop3A_583 = arith.index_cast %parallel_loop3A_582 : i32 to index
        %parallel_loop3A_584 = tpu.vector_load %arg5[%parallel_loop3A_583] {strides = array<i32>} : memref<8192xf32, #tpu.memory_space<vmem>>, vector<16xf32>,
        %parallel_loop3A_585 = vector.shape_cast %parallel_loop3A_584 : vector<16xf32> to vector<16xf32>
        %parallel_loop3A_586 = arith.constant 2 : i32
        %parallel_loop3A_587 = arith.index_cast %rem3A_183 : i32 to index
        %parallel_loop3A_588 = arith.index_cast %parallel_loop3A_233 : i32 to index
        %parallel_loop3A_589 = arith.index_cast %parallel_loop3A_236 : i32 to index
        %parallel_loop3A_590 = arith.index_cast %parallel_loop3A_586 : i32 to index
        %parallel_loop3A_591 = arith.constant 80 : index
        %parallel_loop3A_592 = tpu.vector_load %arg6[%parallel_loop3A_587, %parallel_loop3A_588, %parallel_loop3A_589, %parallel_loop3A_590, %parallel_loop3A_591] {strides = array<i32>} : memref<2x2x16x8x128xf32, #tpu.memory_space<vmem>>, vector<1x1x1x1x16xf32>,
        %parallel_loop3A_593 = vector.shape_cast %parallel_loop3A_592 : vector<1x1x1x1x16xf32> to vector<16xf32>
        %parallel_loop3A_594 = vector.shape_cast %parallel_loop3A_585 : vector<16xf32> to vector<1x1x1x1x16xf32>
        tpu.vector_store %arg6[%parallel_loop3A_587, %parallel_loop3A_588, %parallel_loop3A_589, %parallel_loop3A_590, %parallel_loop3A_591], %parallel_loop3A_594 {strides = array<i32>} : memref<2x2x16x8x128xf32, #tpu.memory_space<vmem>>, vector<1x1x1x1x16xf32>,
        %parallel_loop3A_595 = arith.constant 2 : i32
        %parallel_loop3A_596 = arith.subi %parallel_loop3A_242, %parallel_loop3A_595 : i32
        %parallel_loop3A_597 = arith.constant 96 : i32
        %parallel_loop3A_598 = arith.addi %parallel_loop3A_596, %parallel_loop3A_597 : i32
        %parallel_loop3A_599 = arith.index_cast %parallel_loop3A_598 : i32 to index
        %parallel_loop3A_600 = tpu.vector_load %arg5[%parallel_loop3A_599] {strides = array<i32>} : memref<8192xf32, #tpu.memory_space<vmem>>, vector<16xf32>,
        %parallel_loop3A_601 = vector.shape_cast %parallel_loop3A_600 : vector<16xf32> to vector<16xf32>
        %parallel_loop3A_602 = arith.constant 2 : i32
        %parallel_loop3A_603 = arith.index_cast %rem3A_183 : i32 to index
        %parallel_loop3A_604 = arith.index_cast %parallel_loop3A_233 : i32 to index
        %parallel_loop3A_605 = arith.index_cast %parallel_loop3A_236 : i32 to index
        %parallel_loop3A_606 = arith.index_cast %parallel_loop3A_602 : i32 to index
        %parallel_loop3A_607 = arith.constant 96 : index
        %parallel_loop3A_608 = tpu.vector_load %arg6[%parallel_loop3A_603, %parallel_loop3A_604, %parallel_loop3A_605, %parallel_loop3A_606, %parallel_loop3A_607] {strides = array<i32>} : memref<2x2x16x8x128xf32, #tpu.memory_space<vmem>>, vector<1x1x1x1x16xf32>,
        %parallel_loop3A_609 = vector.shape_cast %parallel_loop3A_608 : vector<1x1x1x1x16xf32> to vector<16xf32>
        %parallel_loop3A_610 = vector.shape_cast %parallel_loop3A_601 : vector<16xf32> to vector<1x1x1x1x16xf32>
        tpu.vector_store %arg6[%parallel_loop3A_603, %parallel_loop3A_604, %parallel_loop3A_605, %parallel_loop3A_606, %parallel_loop3A_607], %parallel_loop3A_610 {strides = array<i32>} : memref<2x2x16x8x128xf32, #tpu.memory_space<vmem>>, vector<1x1x1x1x16xf32>,
        %parallel_loop3A_611 = arith.constant 2 : i32
        %parallel_loop3A_612 = arith.subi %parallel_loop3A_242, %parallel_loop3A_611 : i32
        %parallel_loop3A_613 = arith.constant 112 : i32
        %parallel_loop3A_614 = arith.addi %parallel_loop3A_612, %parallel_loop3A_613 : i32
        %parallel_loop3A_615 = arith.index_cast %parallel_loop3A_614 : i32 to index
        %parallel_loop3A_616 = tpu.vector_load %arg5[%parallel_loop3A_615] {strides = array<i32>} : memref<8192xf32, #tpu.memory_space<vmem>>, vector<16xf32>,
        %parallel_loop3A_617 = vector.shape_cast %parallel_loop3A_616 : vector<16xf32> to vector<16xf32>
        %parallel_loop3A_618 = arith.constant 2 : i32
        %parallel_loop3A_619 = arith.index_cast %rem3A_183 : i32 to index
        %parallel_loop3A_620 = arith.index_cast %parallel_loop3A_233 : i32 to index
        %parallel_loop3A_621 = arith.index_cast %parallel_loop3A_236 : i32 to index
        %parallel_loop3A_622 = arith.index_cast %parallel_loop3A_618 : i32 to index
        %parallel_loop3A_623 = arith.constant 112 : index
        %parallel_loop3A_624 = tpu.vector_load %arg6[%parallel_loop3A_619, %parallel_loop3A_620, %parallel_loop3A_621, %parallel_loop3A_622, %parallel_loop3A_623] {strides = array<i32>} : memref<2x2x16x8x128xf32, #tpu.memory_space<vmem>>, vector<1x1x1x1x16xf32>,
        %parallel_loop3A_625 = vector.shape_cast %parallel_loop3A_624 : vector<1x1x1x1x16xf32> to vector<16xf32>
        %parallel_loop3A_626 = vector.shape_cast %parallel_loop3A_617 : vector<16xf32> to vector<1x1x1x1x16xf32>
        tpu.vector_store %arg6[%parallel_loop3A_619, %parallel_loop3A_620, %parallel_loop3A_621, %parallel_loop3A_622, %parallel_loop3A_623], %parallel_loop3A_626 {strides = array<i32>} : memref<2x2x16x8x128xf32, #tpu.memory_space<vmem>>, vector<1x1x1x1x16xf32>,
        %parallel_loop3A_627 = arith.constant 3 : i32
        %parallel_loop3A_628 = arith.subi %parallel_loop3A_242, %parallel_loop3A_627 : i32
        %parallel_loop3A_629 = arith.constant 0 : i32
        %parallel_loop3A_630 = arith.addi %parallel_loop3A_628, %parallel_loop3A_629 : i32
        %parallel_loop3A_631 = arith.index_cast %parallel_loop3A_630 : i32 to index
        %parallel_loop3A_632 = tpu.vector_load %arg5[%parallel_loop3A_631] {strides = array<i32>} : memref<8192xf32, #tpu.memory_space<vmem>>, vector<16xf32>,
        %parallel_loop3A_633 = vector.shape_cast %parallel_loop3A_632 : vector<16xf32> to vector<16xf32>
        %parallel_loop3A_634 = arith.constant 3 : i32
        %parallel_loop3A_635 = arith.index_cast %rem3A_183 : i32 to index
        %parallel_loop3A_636 = arith.index_cast %parallel_loop3A_233 : i32 to index
        %parallel_loop3A_637 = arith.index_cast %parallel_loop3A_236 : i32 to index
        %parallel_loop3A_638 = arith.index_cast %parallel_loop3A_634 : i32 to index
        %parallel_loop3A_639 = arith.constant 0 : index
        %parallel_loop3A_640 = tpu.vector_load %arg6[%parallel_loop3A_635, %parallel_loop3A_636, %parallel_loop3A_637, %parallel_loop3A_638, %parallel_loop3A_639] {strides = array<i32>} : memref<2x2x16x8x128xf32, #tpu.memory_space<vmem>>, vector<1x1x1x1x16xf32>,
        %parallel_loop3A_641 = vector.shape_cast %parallel_loop3A_640 : vector<1x1x1x1x16xf32> to vector<16xf32>
        %parallel_loop3A_642 = vector.shape_cast %parallel_loop3A_633 : vector<16xf32> to vector<1x1x1x1x16xf32>
        tpu.vector_store %arg6[%parallel_loop3A_635, %parallel_loop3A_636, %parallel_loop3A_637, %parallel_loop3A_638, %parallel_loop3A_639], %parallel_loop3A_642 {strides = array<i32>} : memref<2x2x16x8x128xf32, #tpu.memory_space<vmem>>, vector<1x1x1x1x16xf32>,
        %parallel_loop3A_643 = arith.constant 3 : i32
        %parallel_loop3A_644 = arith.subi %parallel_loop3A_242, %parallel_loop3A_643 : i32
        %parallel_loop3A_645 = arith.constant 16 : i32
        %parallel_loop3A_646 = arith.addi %parallel_loop3A_644, %parallel_loop3A_645 : i32
        %parallel_loop3A_647 = arith.index_cast %parallel_loop3A_646 : i32 to index
        %parallel_loop3A_648 = tpu.vector_load %arg5[%parallel_loop3A_647] {strides = array<i32>} : memref<8192xf32, #tpu.memory_space<vmem>>, vector<16xf32>,
        %parallel_loop3A_649 = vector.shape_cast %parallel_loop3A_648 : vector<16xf32> to vector<16xf32>
        %parallel_loop3A_650 = arith.constant 3 : i32
        %parallel_loop3A_651 = arith.index_cast %rem3A_183 : i32 to index
        %parallel_loop3A_652 = arith.index_cast %parallel_loop3A_233 : i32 to index
        %parallel_loop3A_653 = arith.index_cast %parallel_loop3A_236 : i32 to index
        %parallel_loop3A_654 = arith.index_cast %parallel_loop3A_650 : i32 to index
        %parallel_loop3A_655 = arith.constant 16 : index
        %parallel_loop3A_656 = tpu.vector_load %arg6[%parallel_loop3A_651, %parallel_loop3A_652, %parallel_loop3A_653, %parallel_loop3A_654, %parallel_loop3A_655] {strides = array<i32>} : memref<2x2x16x8x128xf32, #tpu.memory_space<vmem>>, vector<1x1x1x1x16xf32>,
        %parallel_loop3A_657 = vector.shape_cast %parallel_loop3A_656 : vector<1x1x1x1x16xf32> to vector<16xf32>
        %parallel_loop3A_658 = vector.shape_cast %parallel_loop3A_649 : vector<16xf32> to vector<1x1x1x1x16xf32>
        tpu.vector_store %arg6[%parallel_loop3A_651, %parallel_loop3A_652, %parallel_loop3A_653, %parallel_loop3A_654, %parallel_loop3A_655], %parallel_loop3A_658 {strides = array<i32>} : memref<2x2x16x8x128xf32, #tpu.memory_space<vmem>>, vector<1x1x1x1x16xf32>,
        %parallel_loop3A_659 = arith.constant 3 : i32
        %parallel_loop3A_660 = arith.subi %parallel_loop3A_242, %parallel_loop3A_659 : i32
        %parallel_loop3A_661 = arith.constant 32 : i32
        %parallel_loop3A_662 = arith.addi %parallel_loop3A_660, %parallel_loop3A_661 : i32
        %parallel_loop3A_663 = arith.index_cast %parallel_loop3A_662 : i32 to index
        %parallel_loop3A_664 = tpu.vector_load %arg5[%parallel_loop3A_663] {strides = array<i32>} : memref<8192xf32, #tpu.memory_space<vmem>>, vector<16xf32>,
        %parallel_loop3A_665 = vector.shape_cast %parallel_loop3A_664 : vector<16xf32> to vector<16xf32>
        %parallel_loop3A_666 = arith.constant 3 : i32
        %parallel_loop3A_667 = arith.index_cast %rem3A_183 : i32 to index
        %parallel_loop3A_668 = arith.index_cast %parallel_loop3A_233 : i32 to index
        %parallel_loop3A_669 = arith.index_cast %parallel_loop3A_236 : i32 to index
        %parallel_loop3A_670 = arith.index_cast %parallel_loop3A_666 : i32 to index
        %parallel_loop3A_671 = arith.constant 32 : index
        %parallel_loop3A_672 = tpu.vector_load %arg6[%parallel_loop3A_667, %parallel_loop3A_668, %parallel_loop3A_669, %parallel_loop3A_670, %parallel_loop3A_671] {strides = array<i32>} : memref<2x2x16x8x128xf32, #tpu.memory_space<vmem>>, vector<1x1x1x1x16xf32>,
        %parallel_loop3A_673 = vector.shape_cast %parallel_loop3A_672 : vector<1x1x1x1x16xf32> to vector<16xf32>
        %parallel_loop3A_674 = vector.shape_cast %parallel_loop3A_665 : vector<16xf32> to vector<1x1x1x1x16xf32>
        tpu.vector_store %arg6[%parallel_loop3A_667, %parallel_loop3A_668, %parallel_loop3A_669, %parallel_loop3A_670, %parallel_loop3A_671], %parallel_loop3A_674 {strides = array<i32>} : memref<2x2x16x8x128xf32, #tpu.memory_space<vmem>>, vector<1x1x1x1x16xf32>,
        %parallel_loop3A_675 = arith.constant 3 : i32
        %parallel_loop3A_676 = arith.subi %parallel_loop3A_242, %parallel_loop3A_675 : i32
        %parallel_loop3A_677 = arith.constant 48 : i32
        %parallel_loop3A_678 = arith.addi %parallel_loop3A_676, %parallel_loop3A_677 : i32
        %parallel_loop3A_679 = arith.index_cast %parallel_loop3A_678 : i32 to index
        %parallel_loop3A_680 = tpu.vector_load %arg5[%parallel_loop3A_679] {strides = array<i32>} : memref<8192xf32, #tpu.memory_space<vmem>>, vector<16xf32>,
        %parallel_loop3A_681 = vector.shape_cast %parallel_loop3A_680 : vector<16xf32> to vector<16xf32>
        %parallel_loop3A_682 = arith.constant 3 : i32
        %parallel_loop3A_683 = arith.index_cast %rem3A_183 : i32 to index
        %parallel_loop3A_684 = arith.index_cast %parallel_loop3A_233 : i32 to index
        %parallel_loop3A_685 = arith.index_cast %parallel_loop3A_236 : i32 to index
        %parallel_loop3A_686 = arith.index_cast %parallel_loop3A_682 : i32 to index
        %parallel_loop3A_687 = arith.constant 48 : index
        %parallel_loop3A_688 = tpu.vector_load %arg6[%parallel_loop3A_683, %parallel_loop3A_684, %parallel_loop3A_685, %parallel_loop3A_686, %parallel_loop3A_687] {strides = array<i32>} : memref<2x2x16x8x128xf32, #tpu.memory_space<vmem>>, vector<1x1x1x1x16xf32>,
        %parallel_loop3A_689 = vector.shape_cast %parallel_loop3A_688 : vector<1x1x1x1x16xf32> to vector<16xf32>
        %parallel_loop3A_690 = vector.shape_cast %parallel_loop3A_681 : vector<16xf32> to vector<1x1x1x1x16xf32>
        tpu.vector_store %arg6[%parallel_loop3A_683, %parallel_loop3A_684, %parallel_loop3A_685, %parallel_loop3A_686, %parallel_loop3A_687], %parallel_loop3A_690 {strides = array<i32>} : memref<2x2x16x8x128xf32, #tpu.memory_space<vmem>>, vector<1x1x1x1x16xf32>,
        %parallel_loop3A_691 = arith.constant 3 : i32
        %parallel_loop3A_692 = arith.subi %parallel_loop3A_242, %parallel_loop3A_691 : i32
        %parallel_loop3A_693 = arith.constant 64 : i32
        %parallel_loop3A_694 = arith.addi %parallel_loop3A_692, %parallel_loop3A_693 : i32
        %parallel_loop3A_695 = arith.index_cast %parallel_loop3A_694 : i32 to index
        %parallel_loop3A_696 = tpu.vector_load %arg5[%parallel_loop3A_695] {strides = array<i32>} : memref<8192xf32, #tpu.memory_space<vmem>>, vector<16xf32>,
        %parallel_loop3A_697 = vector.shape_cast %parallel_loop3A_696 : vector<16xf32> to vector<16xf32>
        %parallel_loop3A_698 = arith.constant 3 : i32
        %parallel_loop3A_699 = arith.index_cast %rem3A_183 : i32 to index
        %parallel_loop3A_700 = arith.index_cast %parallel_loop3A_233 : i32 to index
        %parallel_loop3A_701 = arith.index_cast %parallel_loop3A_236 : i32 to index
        %parallel_loop3A_702 = arith.index_cast %parallel_loop3A_698 : i32 to index
        %parallel_loop3A_703 = arith.constant 64 : index
        %parallel_loop3A_704 = tpu.vector_load %arg6[%parallel_loop3A_699, %parallel_loop3A_700, %parallel_loop3A_701, %parallel_loop3A_702, %parallel_loop3A_703] {strides = array<i32>} : memref<2x2x16x8x128xf32, #tpu.memory_space<vmem>>, vector<1x1x1x1x16xf32>,
        %parallel_loop3A_705 = vector.shape_cast %parallel_loop3A_704 : vector<1x1x1x1x16xf32> to vector<16xf32>
        %parallel_loop3A_706 = vector.shape_cast %parallel_loop3A_697 : vector<16xf32> to vector<1x1x1x1x16xf32>
        tpu.vector_store %arg6[%parallel_loop3A_699, %parallel_loop3A_700, %parallel_loop3A_701, %parallel_loop3A_702, %parallel_loop3A_703], %parallel_loop3A_706 {strides = array<i32>} : memref<2x2x16x8x128xf32, #tpu.memory_space<vmem>>, vector<1x1x1x1x16xf32>,
        %parallel_loop3A_707 = arith.constant 3 : i32
        %parallel_loop3A_708 = arith.subi %parallel_loop3A_242, %parallel_loop3A_707 : i32
        %parallel_loop3A_709 = arith.constant 80 : i32
        %parallel_loop3A_710 = arith.addi %parallel_loop3A_708, %parallel_loop3A_709 : i32
        %parallel_loop3A_711 = arith.index_cast %parallel_loop3A_710 : i32 to index
        %parallel_loop3A_712 = tpu.vector_load %arg5[%parallel_loop3A_711] {strides = array<i32>} : memref<8192xf32, #tpu.memory_space<vmem>>, vector<16xf32>,
        %parallel_loop3A_713 = vector.shape_cast %parallel_loop3A_712 : vector<16xf32> to vector<16xf32>
        %parallel_loop3A_714 = arith.constant 3 : i32
        %parallel_loop3A_715 = arith.index_cast %rem3A_183 : i32 to index
        %parallel_loop3A_716 = arith.index_cast %parallel_loop3A_233 : i32 to index
        %parallel_loop3A_717 = arith.index_cast %parallel_loop3A_236 : i32 to index
        %parallel_loop3A_718 = arith.index_cast %parallel_loop3A_714 : i32 to index
        %parallel_loop3A_719 = arith.constant 80 : index
        %parallel_loop3A_720 = tpu.vector_load %arg6[%parallel_loop3A_715, %parallel_loop3A_716, %parallel_loop3A_717, %parallel_loop3A_718, %parallel_loop3A_719] {strides = array<i32>} : memref<2x2x16x8x128xf32, #tpu.memory_space<vmem>>, vector<1x1x1x1x16xf32>,
        %parallel_loop3A_721 = vector.shape_cast %parallel_loop3A_720 : vector<1x1x1x1x16xf32> to vector<16xf32>
        %parallel_loop3A_722 = vector.shape_cast %parallel_loop3A_713 : vector<16xf32> to vector<1x1x1x1x16xf32>
        tpu.vector_store %arg6[%parallel_loop3A_715, %parallel_loop3A_716, %parallel_loop3A_717, %parallel_loop3A_718, %parallel_loop3A_719], %parallel_loop3A_722 {strides = array<i32>} : memref<2x2x16x8x128xf32, #tpu.memory_space<vmem>>, vector<1x1x1x1x16xf32>,
        %parallel_loop3A_723 = arith.constant 3 : i32
        %parallel_loop3A_724 = arith.subi %parallel_loop3A_242, %parallel_loop3A_723 : i32
        %parallel_loop3A_725 = arith.constant 96 : i32
        %parallel_loop3A_726 = arith.addi %parallel_loop3A_724, %parallel_loop3A_725 : i32
        %parallel_loop3A_727 = arith.index_cast %parallel_loop3A_726 : i32 to index
        %parallel_loop3A_728 = tpu.vector_load %arg5[%parallel_loop3A_727] {strides = array<i32>} : memref<8192xf32, #tpu.memory_space<vmem>>, vector<16xf32>,
        %parallel_loop3A_729 = vector.shape_cast %parallel_loop3A_728 : vector<16xf32> to vector<16xf32>
        %parallel_loop3A_730 = arith.constant 3 : i32
        %parallel_loop3A_731 = arith.index_cast %rem3A_183 : i32 to index
        %parallel_loop3A_732 = arith.index_cast %parallel_loop3A_233 : i32 to index
        %parallel_loop3A_733 = arith.index_cast %parallel_loop3A_236 : i32 to index
        %parallel_loop3A_734 = arith.index_cast %parallel_loop3A_730 : i32 to index
        %parallel_loop3A_735 = arith.constant 96 : index
        %parallel_loop3A_736 = tpu.vector_load %arg6[%parallel_loop3A_731, %parallel_loop3A_732, %parallel_loop3A_733, %parallel_loop3A_734, %parallel_loop3A_735] {strides = array<i32>} : memref<2x2x16x8x128xf32, #tpu.memory_space<vmem>>, vector<1x1x1x1x16xf32>,
        %parallel_loop3A_737 = vector.shape_cast %parallel_loop3A_736 : vector<1x1x1x1x16xf32> to vector<16xf32>
        %parallel_loop3A_738 = vector.shape_cast %parallel_loop3A_729 : vector<16xf32> to vector<1x1x1x1x16xf32>
        tpu.vector_store %arg6[%parallel_loop3A_731, %parallel_loop3A_732, %parallel_loop3A_733, %parallel_loop3A_734, %parallel_loop3A_735], %parallel_loop3A_738 {strides = array<i32>} : memref<2x2x16x8x128xf32, #tpu.memory_space<vmem>>, vector<1x1x1x1x16xf32>,
        %parallel_loop3A_739 = arith.constant 3 : i32
        %parallel_loop3A_740 = arith.subi %parallel_loop3A_242, %parallel_loop3A_739 : i32
        %parallel_loop3A_741 = arith.constant 112 : i32
        %parallel_loop3A_742 = arith.addi %parallel_loop3A_740, %parallel_loop3A_741 : i32
        %parallel_loop3A_743 = arith.index_cast %parallel_loop3A_742 : i32 to index
        %parallel_loop3A_744 = tpu.vector_load %arg5[%parallel_loop3A_743] {strides = array<i32>} : memref<8192xf32, #tpu.memory_space<vmem>>, vector<16xf32>,
        %parallel_loop3A_745 = vector.shape_cast %parallel_loop3A_744 : vector<16xf32> to vector<16xf32>
        %parallel_loop3A_746 = arith.constant 3 : i32
        %parallel_loop3A_747 = arith.index_cast %rem3A_183 : i32 to index
        %parallel_loop3A_748 = arith.index_cast %parallel_loop3A_233 : i32 to index
        %parallel_loop3A_749 = arith.index_cast %parallel_loop3A_236 : i32 to index
        %parallel_loop3A_750 = arith.index_cast %parallel_loop3A_746 : i32 to index
        %parallel_loop3A_751 = arith.constant 112 : index
        %parallel_loop3A_752 = tpu.vector_load %arg6[%parallel_loop3A_747, %parallel_loop3A_748, %parallel_loop3A_749, %parallel_loop3A_750, %parallel_loop3A_751] {strides = array<i32>} : memref<2x2x16x8x128xf32, #tpu.memory_space<vmem>>, vector<1x1x1x1x16xf32>,
        %parallel_loop3A_753 = vector.shape_cast %parallel_loop3A_752 : vector<1x1x1x1x16xf32> to vector<16xf32>
        %parallel_loop3A_754 = vector.shape_cast %parallel_loop3A_745 : vector<16xf32> to vector<1x1x1x1x16xf32>
        tpu.vector_store %arg6[%parallel_loop3A_747, %parallel_loop3A_748, %parallel_loop3A_749, %parallel_loop3A_750, %parallel_loop3A_751], %parallel_loop3A_754 {strides = array<i32>} : memref<2x2x16x8x128xf32, #tpu.memory_space<vmem>>, vector<1x1x1x1x16xf32>,
        %parallel_loop3A_755 = arith.constant 4 : i32
        %parallel_loop3A_756 = arith.subi %parallel_loop3A_242, %parallel_loop3A_755 : i32
        %parallel_loop3A_757 = arith.constant 0 : i32
        %parallel_loop3A_758 = arith.addi %parallel_loop3A_756, %parallel_loop3A_757 : i32
        %parallel_loop3A_759 = arith.index_cast %parallel_loop3A_758 : i32 to index
        %parallel_loop3A_760 = tpu.vector_load %arg5[%parallel_loop3A_759] {strides = array<i32>} : memref<8192xf32, #tpu.memory_space<vmem>>, vector<16xf32>,
        %parallel_loop3A_761 = vector.shape_cast %parallel_loop3A_760 : vector<16xf32> to vector<16xf32>
        %parallel_loop3A_762 = arith.constant 4 : i32
        %parallel_loop3A_763 = arith.index_cast %rem3A_183 : i32 to index
        %parallel_loop3A_764 = arith.index_cast %parallel_loop3A_233 : i32 to index
        %parallel_loop3A_765 = arith.index_cast %parallel_loop3A_236 : i32 to index
        %parallel_loop3A_766 = arith.index_cast %parallel_loop3A_762 : i32 to index
        %parallel_loop3A_767 = arith.constant 0 : index
        %parallel_loop3A_768 = tpu.vector_load %arg6[%parallel_loop3A_763, %parallel_loop3A_764, %parallel_loop3A_765, %parallel_loop3A_766, %parallel_loop3A_767] {strides = array<i32>} : memref<2x2x16x8x128xf32, #tpu.memory_space<vmem>>, vector<1x1x1x1x16xf32>,
        %parallel_loop3A_769 = vector.shape_cast %parallel_loop3A_768 : vector<1x1x1x1x16xf32> to vector<16xf32>
        %parallel_loop3A_770 = vector.shape_cast %parallel_loop3A_761 : vector<16xf32> to vector<1x1x1x1x16xf32>
        tpu.vector_store %arg6[%parallel_loop3A_763, %parallel_loop3A_764, %parallel_loop3A_765, %parallel_loop3A_766, %parallel_loop3A_767], %parallel_loop3A_770 {strides = array<i32>} : memref<2x2x16x8x128xf32, #tpu.memory_space<vmem>>, vector<1x1x1x1x16xf32>,
        %parallel_loop3A_771 = arith.constant 4 : i32
        %parallel_loop3A_772 = arith.subi %parallel_loop3A_242, %parallel_loop3A_771 : i32
        %parallel_loop3A_773 = arith.constant 16 : i32
        %parallel_loop3A_774 = arith.addi %parallel_loop3A_772, %parallel_loop3A_773 : i32
        %parallel_loop3A_775 = arith.index_cast %parallel_loop3A_774 : i32 to index
        %parallel_loop3A_776 = tpu.vector_load %arg5[%parallel_loop3A_775] {strides = array<i32>} : memref<8192xf32, #tpu.memory_space<vmem>>, vector<16xf32>,
        %parallel_loop3A_777 = vector.shape_cast %parallel_loop3A_776 : vector<16xf32> to vector<16xf32>
        %parallel_loop3A_778 = arith.constant 4 : i32
        %parallel_loop3A_779 = arith.index_cast %rem3A_183 : i32 to index
        %parallel_loop3A_780 = arith.index_cast %parallel_loop3A_233 : i32 to index
        %parallel_loop3A_781 = arith.index_cast %parallel_loop3A_236 : i32 to index
        %parallel_loop3A_782 = arith.index_cast %parallel_loop3A_778 : i32 to index
        %parallel_loop3A_783 = arith.constant 16 : index
        %parallel_loop3A_784 = tpu.vector_load %arg6[%parallel_loop3A_779, %parallel_loop3A_780, %parallel_loop3A_781, %parallel_loop3A_782, %parallel_loop3A_783] {strides = array<i32>} : memref<2x2x16x8x128xf32, #tpu.memory_space<vmem>>, vector<1x1x1x1x16xf32>,
        %parallel_loop3A_785 = vector.shape_cast %parallel_loop3A_784 : vector<1x1x1x1x16xf32> to vector<16xf32>
        %parallel_loop3A_786 = vector.shape_cast %parallel_loop3A_777 : vector<16xf32> to vector<1x1x1x1x16xf32>
        tpu.vector_store %arg6[%parallel_loop3A_779, %parallel_loop3A_780, %parallel_loop3A_781, %parallel_loop3A_782, %parallel_loop3A_783], %parallel_loop3A_786 {strides = array<i32>} : memref<2x2x16x8x128xf32, #tpu.memory_space<vmem>>, vector<1x1x1x1x16xf32>,
        %parallel_loop3A_787 = arith.constant 4 : i32
        %parallel_loop3A_788 = arith.subi %parallel_loop3A_242, %parallel_loop3A_787 : i32
        %parallel_loop3A_789 = arith.constant 32 : i32
        %parallel_loop3A_790 = arith.addi %parallel_loop3A_788, %parallel_loop3A_789 : i32
        %parallel_loop3A_791 = arith.index_cast %parallel_loop3A_790 : i32 to index
        %parallel_loop3A_792 = tpu.vector_load %arg5[%parallel_loop3A_791] {strides = array<i32>} : memref<8192xf32, #tpu.memory_space<vmem>>, vector<16xf32>,
        %parallel_loop3A_793 = vector.shape_cast %parallel_loop3A_792 : vector<16xf32> to vector<16xf32>
        %parallel_loop3A_794 = arith.constant 4 : i32
        %parallel_loop3A_795 = arith.index_cast %rem3A_183 : i32 to index
        %parallel_loop3A_796 = arith.index_cast %parallel_loop3A_233 : i32 to index
        %parallel_loop3A_797 = arith.index_cast %parallel_loop3A_236 : i32 to index
        %parallel_loop3A_798 = arith.index_cast %parallel_loop3A_794 : i32 to index
        %parallel_loop3A_799 = arith.constant 32 : index
        %parallel_loop3A_800 = tpu.vector_load %arg6[%parallel_loop3A_795, %parallel_loop3A_796, %parallel_loop3A_797, %parallel_loop3A_798, %parallel_loop3A_799] {strides = array<i32>} : memref<2x2x16x8x128xf32, #tpu.memory_space<vmem>>, vector<1x1x1x1x16xf32>,
        %parallel_loop3A_801 = vector.shape_cast %parallel_loop3A_800 : vector<1x1x1x1x16xf32> to vector<16xf32>
        %parallel_loop3A_802 = vector.shape_cast %parallel_loop3A_793 : vector<16xf32> to vector<1x1x1x1x16xf32>
        tpu.vector_store %arg6[%parallel_loop3A_795, %parallel_loop3A_796, %parallel_loop3A_797, %parallel_loop3A_798, %parallel_loop3A_799], %parallel_loop3A_802 {strides = array<i32>} : memref<2x2x16x8x128xf32, #tpu.memory_space<vmem>>, vector<1x1x1x1x16xf32>,
        %parallel_loop3A_803 = arith.constant 4 : i32
        %parallel_loop3A_804 = arith.subi %parallel_loop3A_242, %parallel_loop3A_803 : i32
        %parallel_loop3A_805 = arith.constant 48 : i32
        %parallel_loop3A_806 = arith.addi %parallel_loop3A_804, %parallel_loop3A_805 : i32
        %parallel_loop3A_807 = arith.index_cast %parallel_loop3A_806 : i32 to index
        %parallel_loop3A_808 = tpu.vector_load %arg5[%parallel_loop3A_807] {strides = array<i32>} : memref<8192xf32, #tpu.memory_space<vmem>>, vector<16xf32>,
        %parallel_loop3A_809 = vector.shape_cast %parallel_loop3A_808 : vector<16xf32> to vector<16xf32>
        %parallel_loop3A_810 = arith.constant 4 : i32
        %parallel_loop3A_811 = arith.index_cast %rem3A_183 : i32 to index
        %parallel_loop3A_812 = arith.index_cast %parallel_loop3A_233 : i32 to index
        %parallel_loop3A_813 = arith.index_cast %parallel_loop3A_236 : i32 to index
        %parallel_loop3A_814 = arith.index_cast %parallel_loop3A_810 : i32 to index
        %parallel_loop3A_815 = arith.constant 48 : index
        %parallel_loop3A_816 = tpu.vector_load %arg6[%parallel_loop3A_811, %parallel_loop3A_812, %parallel_loop3A_813, %parallel_loop3A_814, %parallel_loop3A_815] {strides = array<i32>} : memref<2x2x16x8x128xf32, #tpu.memory_space<vmem>>, vector<1x1x1x1x16xf32>,
        %parallel_loop3A_817 = vector.shape_cast %parallel_loop3A_816 : vector<1x1x1x1x16xf32> to vector<16xf32>
        %parallel_loop3A_818 = vector.shape_cast %parallel_loop3A_809 : vector<16xf32> to vector<1x1x1x1x16xf32>
        tpu.vector_store %arg6[%parallel_loop3A_811, %parallel_loop3A_812, %parallel_loop3A_813, %parallel_loop3A_814, %parallel_loop3A_815], %parallel_loop3A_818 {strides = array<i32>} : memref<2x2x16x8x128xf32, #tpu.memory_space<vmem>>, vector<1x1x1x1x16xf32>,
        %parallel_loop3A_819 = arith.constant 4 : i32
        %parallel_loop3A_820 = arith.subi %parallel_loop3A_242, %parallel_loop3A_819 : i32
        %parallel_loop3A_821 = arith.constant 64 : i32
        %parallel_loop3A_822 = arith.addi %parallel_loop3A_820, %parallel_loop3A_821 : i32
        %parallel_loop3A_823 = arith.index_cast %parallel_loop3A_822 : i32 to index
        %parallel_loop3A_824 = tpu.vector_load %arg5[%parallel_loop3A_823] {strides = array<i32>} : memref<8192xf32, #tpu.memory_space<vmem>>, vector<16xf32>,
        %parallel_loop3A_825 = vector.shape_cast %parallel_loop3A_824 : vector<16xf32> to vector<16xf32>
        %parallel_loop3A_826 = arith.constant 4 : i32
        %parallel_loop3A_827 = arith.index_cast %rem3A_183 : i32 to index
        %parallel_loop3A_828 = arith.index_cast %parallel_loop3A_233 : i32 to index
        %parallel_loop3A_829 = arith.index_cast %parallel_loop3A_236 : i32 to index
        %parallel_loop3A_830 = arith.index_cast %parallel_loop3A_826 : i32 to index
        %parallel_loop3A_831 = arith.constant 64 : index
        %parallel_loop3A_832 = tpu.vector_load %arg6[%parallel_loop3A_827, %parallel_loop3A_828, %parallel_loop3A_829, %parallel_loop3A_830, %parallel_loop3A_831] {strides = array<i32>} : memref<2x2x16x8x128xf32, #tpu.memory_space<vmem>>, vector<1x1x1x1x16xf32>,
        %parallel_loop3A_833 = vector.shape_cast %parallel_loop3A_832 : vector<1x1x1x1x16xf32> to vector<16xf32>
        %parallel_loop3A_834 = vector.shape_cast %parallel_loop3A_825 : vector<16xf32> to vector<1x1x1x1x16xf32>
        tpu.vector_store %arg6[%parallel_loop3A_827, %parallel_loop3A_828, %parallel_loop3A_829, %parallel_loop3A_830, %parallel_loop3A_831], %parallel_loop3A_834 {strides = array<i32>} : memref<2x2x16x8x128xf32, #tpu.memory_space<vmem>>, vector<1x1x1x1x16xf32>,
        %parallel_loop3A_835 = arith.constant 4 : i32
        %parallel_loop3A_836 = arith.subi %parallel_loop3A_242, %parallel_loop3A_835 : i32
        %parallel_loop3A_837 = arith.constant 80 : i32
        %parallel_loop3A_838 = arith.addi %parallel_loop3A_836, %parallel_loop3A_837 : i32
        %parallel_loop3A_839 = arith.index_cast %parallel_loop3A_838 : i32 to index
        %parallel_loop3A_840 = tpu.vector_load %arg5[%parallel_loop3A_839] {strides = array<i32>} : memref<8192xf32, #tpu.memory_space<vmem>>, vector<16xf32>,
        %parallel_loop3A_841 = vector.shape_cast %parallel_loop3A_840 : vector<16xf32> to vector<16xf32>
        %parallel_loop3A_842 = arith.constant 4 : i32
        %parallel_loop3A_843 = arith.index_cast %rem3A_183 : i32 to index
        %parallel_loop3A_844 = arith.index_cast %parallel_loop3A_233 : i32 to index
        %parallel_loop3A_845 = arith.index_cast %parallel_loop3A_236 : i32 to index
        %parallel_loop3A_846 = arith.index_cast %parallel_loop3A_842 : i32 to index
        %parallel_loop3A_847 = arith.constant 80 : index
        %parallel_loop3A_848 = tpu.vector_load %arg6[%parallel_loop3A_843, %parallel_loop3A_844, %parallel_loop3A_845, %parallel_loop3A_846, %parallel_loop3A_847] {strides = array<i32>} : memref<2x2x16x8x128xf32, #tpu.memory_space<vmem>>, vector<1x1x1x1x16xf32>,
        %parallel_loop3A_849 = vector.shape_cast %parallel_loop3A_848 : vector<1x1x1x1x16xf32> to vector<16xf32>
        %parallel_loop3A_850 = vector.shape_cast %parallel_loop3A_841 : vector<16xf32> to vector<1x1x1x1x16xf32>
        tpu.vector_store %arg6[%parallel_loop3A_843, %parallel_loop3A_844, %parallel_loop3A_845, %parallel_loop3A_846, %parallel_loop3A_847], %parallel_loop3A_850 {strides = array<i32>} : memref<2x2x16x8x128xf32, #tpu.memory_space<vmem>>, vector<1x1x1x1x16xf32>,
        %parallel_loop3A_851 = arith.constant 4 : i32
        %parallel_loop3A_852 = arith.subi %parallel_loop3A_242, %parallel_loop3A_851 : i32
        %parallel_loop3A_853 = arith.constant 96 : i32
        %parallel_loop3A_854 = arith.addi %parallel_loop3A_852, %parallel_loop3A_853 : i32
        %parallel_loop3A_855 = arith.index_cast %parallel_loop3A_854 : i32 to index
        %parallel_loop3A_856 = tpu.vector_load %arg5[%parallel_loop3A_855] {strides = array<i32>} : memref<8192xf32, #tpu.memory_space<vmem>>, vector<16xf32>,
        %parallel_loop3A_857 = vector.shape_cast %parallel_loop3A_856 : vector<16xf32> to vector<16xf32>
        %parallel_loop3A_858 = arith.constant 4 : i32
        %parallel_loop3A_859 = arith.index_cast %rem3A_183 : i32 to index
        %parallel_loop3A_860 = arith.index_cast %parallel_loop3A_233 : i32 to index
        %parallel_loop3A_861 = arith.index_cast %parallel_loop3A_236 : i32 to index
        %parallel_loop3A_862 = arith.index_cast %parallel_loop3A_858 : i32 to index
        %parallel_loop3A_863 = arith.constant 96 : index
        %parallel_loop3A_864 = tpu.vector_load %arg6[%parallel_loop3A_859, %parallel_loop3A_860, %parallel_loop3A_861, %parallel_loop3A_862, %parallel_loop3A_863] {strides = array<i32>} : memref<2x2x16x8x128xf32, #tpu.memory_space<vmem>>, vector<1x1x1x1x16xf32>,
        %parallel_loop3A_865 = vector.shape_cast %parallel_loop3A_864 : vector<1x1x1x1x16xf32> to vector<16xf32>
        %parallel_loop3A_866 = vector.shape_cast %parallel_loop3A_857 : vector<16xf32> to vector<1x1x1x1x16xf32>
        tpu.vector_store %arg6[%parallel_loop3A_859, %parallel_loop3A_860, %parallel_loop3A_861, %parallel_loop3A_862, %parallel_loop3A_863], %parallel_loop3A_866 {strides = array<i32>} : memref<2x2x16x8x128xf32, #tpu.memory_space<vmem>>, vector<1x1x1x1x16xf32>,
        %parallel_loop3A_867 = arith.constant 4 : i32
        %parallel_loop3A_868 = arith.subi %parallel_loop3A_242, %parallel_loop3A_867 : i32
        %parallel_loop3A_869 = arith.constant 112 : i32
        %parallel_loop3A_870 = arith.addi %parallel_loop3A_868, %parallel_loop3A_869 : i32
        %parallel_loop3A_871 = arith.index_cast %parallel_loop3A_870 : i32 to index
        %parallel_loop3A_872 = tpu.vector_load %arg5[%parallel_loop3A_871] {strides = array<i32>} : memref<8192xf32, #tpu.memory_space<vmem>>, vector<16xf32>,
        %parallel_loop3A_873 = vector.shape_cast %parallel_loop3A_872 : vector<16xf32> to vector<16xf32>
        %parallel_loop3A_874 = arith.constant 4 : i32
        %parallel_loop3A_875 = arith.index_cast %rem3A_183 : i32 to index
        %parallel_loop3A_876 = arith.index_cast %parallel_loop3A_233 : i32 to index
        %parallel_loop3A_877 = arith.index_cast %parallel_loop3A_236 : i32 to index
        %parallel_loop3A_878 = arith.index_cast %parallel_loop3A_874 : i32 to index
        %parallel_loop3A_879 = arith.constant 112 : index
        %parallel_loop3A_880 = tpu.vector_load %arg6[%parallel_loop3A_875, %parallel_loop3A_876, %parallel_loop3A_877, %parallel_loop3A_878, %parallel_loop3A_879] {strides = array<i32>} : memref<2x2x16x8x128xf32, #tpu.memory_space<vmem>>, vector<1x1x1x1x16xf32>,
        %parallel_loop3A_881 = vector.shape_cast %parallel_loop3A_880 : vector<1x1x1x1x16xf32> to vector<16xf32>
        %parallel_loop3A_882 = vector.shape_cast %parallel_loop3A_873 : vector<16xf32> to vector<1x1x1x1x16xf32>
        tpu.vector_store %arg6[%parallel_loop3A_875, %parallel_loop3A_876, %parallel_loop3A_877, %parallel_loop3A_878, %parallel_loop3A_879], %parallel_loop3A_882 {strides = array<i32>} : memref<2x2x16x8x128xf32, #tpu.memory_space<vmem>>, vector<1x1x1x1x16xf32>,
        %parallel_loop3A_883 = arith.constant 5 : i32
        %parallel_loop3A_884 = arith.subi %parallel_loop3A_242, %parallel_loop3A_883 : i32
        %parallel_loop3A_885 = arith.constant 0 : i32
        %parallel_loop3A_886 = arith.addi %parallel_loop3A_884, %parallel_loop3A_885 : i32
        %parallel_loop3A_887 = arith.index_cast %parallel_loop3A_886 : i32 to index
        %parallel_loop3A_888 = tpu.vector_load %arg5[%parallel_loop3A_887] {strides = array<i32>} : memref<8192xf32, #tpu.memory_space<vmem>>, vector<16xf32>,
        %parallel_loop3A_889 = vector.shape_cast %parallel_loop3A_888 : vector<16xf32> to vector<16xf32>
        %parallel_loop3A_890 = arith.constant 5 : i32
        %parallel_loop3A_891 = arith.index_cast %rem3A_183 : i32 to index
        %parallel_loop3A_892 = arith.index_cast %parallel_loop3A_233 : i32 to index
        %parallel_loop3A_893 = arith.index_cast %parallel_loop3A_236 : i32 to index
        %parallel_loop3A_894 = arith.index_cast %parallel_loop3A_890 : i32 to index
        %parallel_loop3A_895 = arith.constant 0 : index
        %parallel_loop3A_896 = tpu.vector_load %arg6[%parallel_loop3A_891, %parallel_loop3A_892, %parallel_loop3A_893, %parallel_loop3A_894, %parallel_loop3A_895] {strides = array<i32>} : memref<2x2x16x8x128xf32, #tpu.memory_space<vmem>>, vector<1x1x1x1x16xf32>,
        %parallel_loop3A_897 = vector.shape_cast %parallel_loop3A_896 : vector<1x1x1x1x16xf32> to vector<16xf32>
        %parallel_loop3A_898 = vector.shape_cast %parallel_loop3A_889 : vector<16xf32> to vector<1x1x1x1x16xf32>
        tpu.vector_store %arg6[%parallel_loop3A_891, %parallel_loop3A_892, %parallel_loop3A_893, %parallel_loop3A_894, %parallel_loop3A_895], %parallel_loop3A_898 {strides = array<i32>} : memref<2x2x16x8x128xf32, #tpu.memory_space<vmem>>, vector<1x1x1x1x16xf32>,
        %parallel_loop3A_899 = arith.constant 5 : i32
        %parallel_loop3A_900 = arith.subi %parallel_loop3A_242, %parallel_loop3A_899 : i32
        %parallel_loop3A_901 = arith.constant 16 : i32
        %parallel_loop3A_902 = arith.addi %parallel_loop3A_900, %parallel_loop3A_901 : i32
        %parallel_loop3A_903 = arith.index_cast %parallel_loop3A_902 : i32 to index
        %parallel_loop3A_904 = tpu.vector_load %arg5[%parallel_loop3A_903] {strides = array<i32>} : memref<8192xf32, #tpu.memory_space<vmem>>, vector<16xf32>,
        %parallel_loop3A_905 = vector.shape_cast %parallel_loop3A_904 : vector<16xf32> to vector<16xf32>
        %parallel_loop3A_906 = arith.constant 5 : i32
        %parallel_loop3A_907 = arith.index_cast %rem3A_183 : i32 to index
        %parallel_loop3A_908 = arith.index_cast %parallel_loop3A_233 : i32 to index
        %parallel_loop3A_909 = arith.index_cast %parallel_loop3A_236 : i32 to index
        %parallel_loop3A_910 = arith.index_cast %parallel_loop3A_906 : i32 to index
        %parallel_loop3A_911 = arith.constant 16 : index
        %parallel_loop3A_912 = tpu.vector_load %arg6[%parallel_loop3A_907, %parallel_loop3A_908, %parallel_loop3A_909, %parallel_loop3A_910, %parallel_loop3A_911] {strides = array<i32>} : memref<2x2x16x8x128xf32, #tpu.memory_space<vmem>>, vector<1x1x1x1x16xf32>,
        %parallel_loop3A_913 = vector.shape_cast %parallel_loop3A_912 : vector<1x1x1x1x16xf32> to vector<16xf32>
        %parallel_loop3A_914 = vector.shape_cast %parallel_loop3A_905 : vector<16xf32> to vector<1x1x1x1x16xf32>
        tpu.vector_store %arg6[%parallel_loop3A_907, %parallel_loop3A_908, %parallel_loop3A_909, %parallel_loop3A_910, %parallel_loop3A_911], %parallel_loop3A_914 {strides = array<i32>} : memref<2x2x16x8x128xf32, #tpu.memory_space<vmem>>, vector<1x1x1x1x16xf32>,
        %parallel_loop3A_915 = arith.constant 5 : i32
        %parallel_loop3A_916 = arith.subi %parallel_loop3A_242, %parallel_loop3A_915 : i32
        %parallel_loop3A_917 = arith.constant 32 : i32
        %parallel_loop3A_918 = arith.addi %parallel_loop3A_916, %parallel_loop3A_917 : i32
        %parallel_loop3A_919 = arith.index_cast %parallel_loop3A_918 : i32 to index
        %parallel_loop3A_920 = tpu.vector_load %arg5[%parallel_loop3A_919] {strides = array<i32>} : memref<8192xf32, #tpu.memory_space<vmem>>, vector<16xf32>,
        %parallel_loop3A_921 = vector.shape_cast %parallel_loop3A_920 : vector<16xf32> to vector<16xf32>
        %parallel_loop3A_922 = arith.constant 5 : i32
        %parallel_loop3A_923 = arith.index_cast %rem3A_183 : i32 to index
        %parallel_loop3A_924 = arith.index_cast %parallel_loop3A_233 : i32 to index
        %parallel_loop3A_925 = arith.index_cast %parallel_loop3A_236 : i32 to index
        %parallel_loop3A_926 = arith.index_cast %parallel_loop3A_922 : i32 to index
        %parallel_loop3A_927 = arith.constant 32 : index
        %parallel_loop3A_928 = tpu.vector_load %arg6[%parallel_loop3A_923, %parallel_loop3A_924, %parallel_loop3A_925, %parallel_loop3A_926, %parallel_loop3A_927] {strides = array<i32>} : memref<2x2x16x8x128xf32, #tpu.memory_space<vmem>>, vector<1x1x1x1x16xf32>,
        %parallel_loop3A_929 = vector.shape_cast %parallel_loop3A_928 : vector<1x1x1x1x16xf32> to vector<16xf32>
        %parallel_loop3A_930 = vector.shape_cast %parallel_loop3A_921 : vector<16xf32> to vector<1x1x1x1x16xf32>
        tpu.vector_store %arg6[%parallel_loop3A_923, %parallel_loop3A_924, %parallel_loop3A_925, %parallel_loop3A_926, %parallel_loop3A_927], %parallel_loop3A_930 {strides = array<i32>} : memref<2x2x16x8x128xf32, #tpu.memory_space<vmem>>, vector<1x1x1x1x16xf32>,
        %parallel_loop3A_931 = arith.constant 5 : i32
        %parallel_loop3A_932 = arith.subi %parallel_loop3A_242, %parallel_loop3A_931 : i32
        %parallel_loop3A_933 = arith.constant 48 : i32
        %parallel_loop3A_934 = arith.addi %parallel_loop3A_932, %parallel_loop3A_933 : i32
        %parallel_loop3A_935 = arith.index_cast %parallel_loop3A_934 : i32 to index
        %parallel_loop3A_936 = tpu.vector_load %arg5[%parallel_loop3A_935] {strides = array<i32>} : memref<8192xf32, #tpu.memory_space<vmem>>, vector<16xf32>,
        %parallel_loop3A_937 = vector.shape_cast %parallel_loop3A_936 : vector<16xf32> to vector<16xf32>
        %parallel_loop3A_938 = arith.constant 5 : i32
        %parallel_loop3A_939 = arith.index_cast %rem3A_183 : i32 to index
        %parallel_loop3A_940 = arith.index_cast %parallel_loop3A_233 : i32 to index
        %parallel_loop3A_941 = arith.index_cast %parallel_loop3A_236 : i32 to index
        %parallel_loop3A_942 = arith.index_cast %parallel_loop3A_938 : i32 to index
        %parallel_loop3A_943 = arith.constant 48 : index
        %parallel_loop3A_944 = tpu.vector_load %arg6[%parallel_loop3A_939, %parallel_loop3A_940, %parallel_loop3A_941, %parallel_loop3A_942, %parallel_loop3A_943] {strides = array<i32>} : memref<2x2x16x8x128xf32, #tpu.memory_space<vmem>>, vector<1x1x1x1x16xf32>,
        %parallel_loop3A_945 = vector.shape_cast %parallel_loop3A_944 : vector<1x1x1x1x16xf32> to vector<16xf32>
        %parallel_loop3A_946 = vector.shape_cast %parallel_loop3A_937 : vector<16xf32> to vector<1x1x1x1x16xf32>
        tpu.vector_store %arg6[%parallel_loop3A_939, %parallel_loop3A_940, %parallel_loop3A_941, %parallel_loop3A_942, %parallel_loop3A_943], %parallel_loop3A_946 {strides = array<i32>} : memref<2x2x16x8x128xf32, #tpu.memory_space<vmem>>, vector<1x1x1x1x16xf32>,
        %parallel_loop3A_947 = arith.constant 5 : i32
        %parallel_loop3A_948 = arith.subi %parallel_loop3A_242, %parallel_loop3A_947 : i32
        %parallel_loop3A_949 = arith.constant 64 : i32
        %parallel_loop3A_950 = arith.addi %parallel_loop3A_948, %parallel_loop3A_949 : i32
        %parallel_loop3A_951 = arith.index_cast %parallel_loop3A_950 : i32 to index
        %parallel_loop3A_952 = tpu.vector_load %arg5[%parallel_loop3A_951] {strides = array<i32>} : memref<8192xf32, #tpu.memory_space<vmem>>, vector<16xf32>,
        %parallel_loop3A_953 = vector.shape_cast %parallel_loop3A_952 : vector<16xf32> to vector<16xf32>
        %parallel_loop3A_954 = arith.constant 5 : i32
        %parallel_loop3A_955 = arith.index_cast %rem3A_183 : i32 to index
        %parallel_loop3A_956 = arith.index_cast %parallel_loop3A_233 : i32 to index
        %parallel_loop3A_957 = arith.index_cast %parallel_loop3A_236 : i32 to index
        %parallel_loop3A_958 = arith.index_cast %parallel_loop3A_954 : i32 to index
        %parallel_loop3A_959 = arith.constant 64 : index
        %parallel_loop3A_960 = tpu.vector_load %arg6[%parallel_loop3A_955, %parallel_loop3A_956, %parallel_loop3A_957, %parallel_loop3A_958, %parallel_loop3A_959] {strides = array<i32>} : memref<2x2x16x8x128xf32, #tpu.memory_space<vmem>>, vector<1x1x1x1x16xf32>,
        %parallel_loop3A_961 = vector.shape_cast %parallel_loop3A_960 : vector<1x1x1x1x16xf32> to vector<16xf32>
        %parallel_loop3A_962 = vector.shape_cast %parallel_loop3A_953 : vector<16xf32> to vector<1x1x1x1x16xf32>
        tpu.vector_store %arg6[%parallel_loop3A_955, %parallel_loop3A_956, %parallel_loop3A_957, %parallel_loop3A_958, %parallel_loop3A_959], %parallel_loop3A_962 {strides = array<i32>} : memref<2x2x16x8x128xf32, #tpu.memory_space<vmem>>, vector<1x1x1x1x16xf32>,
        %parallel_loop3A_963 = arith.constant 5 : i32
        %parallel_loop3A_964 = arith.subi %parallel_loop3A_242, %parallel_loop3A_963 : i32
        %parallel_loop3A_965 = arith.constant 80 : i32
        %parallel_loop3A_966 = arith.addi %parallel_loop3A_964, %parallel_loop3A_965 : i32
        %parallel_loop3A_967 = arith.index_cast %parallel_loop3A_966 : i32 to index
        %parallel_loop3A_968 = tpu.vector_load %arg5[%parallel_loop3A_967] {strides = array<i32>} : memref<8192xf32, #tpu.memory_space<vmem>>, vector<16xf32>,
        %parallel_loop3A_969 = vector.shape_cast %parallel_loop3A_968 : vector<16xf32> to vector<16xf32>
        %parallel_loop3A_970 = arith.constant 5 : i32
        %parallel_loop3A_971 = arith.index_cast %rem3A_183 : i32 to index
        %parallel_loop3A_972 = arith.index_cast %parallel_loop3A_233 : i32 to index
        %parallel_loop3A_973 = arith.index_cast %parallel_loop3A_236 : i32 to index
        %parallel_loop3A_974 = arith.index_cast %parallel_loop3A_970 : i32 to index
        %parallel_loop3A_975 = arith.constant 80 : index
        %parallel_loop3A_976 = tpu.vector_load %arg6[%parallel_loop3A_971, %parallel_loop3A_972, %parallel_loop3A_973, %parallel_loop3A_974, %parallel_loop3A_975] {strides = array<i32>} : memref<2x2x16x8x128xf32, #tpu.memory_space<vmem>>, vector<1x1x1x1x16xf32>,
        %parallel_loop3A_977 = vector.shape_cast %parallel_loop3A_976 : vector<1x1x1x1x16xf32> to vector<16xf32>
        %parallel_loop3A_978 = vector.shape_cast %parallel_loop3A_969 : vector<16xf32> to vector<1x1x1x1x16xf32>
        tpu.vector_store %arg6[%parallel_loop3A_971, %parallel_loop3A_972, %parallel_loop3A_973, %parallel_loop3A_974, %parallel_loop3A_975], %parallel_loop3A_978 {strides = array<i32>} : memref<2x2x16x8x128xf32, #tpu.memory_space<vmem>>, vector<1x1x1x1x16xf32>,
        %parallel_loop3A_979 = arith.constant 5 : i32
        %parallel_loop3A_980 = arith.subi %parallel_loop3A_242, %parallel_loop3A_979 : i32
        %parallel_loop3A_981 = arith.constant 96 : i32
        %parallel_loop3A_982 = arith.addi %parallel_loop3A_980, %parallel_loop3A_981 : i32
        %parallel_loop3A_983 = arith.index_cast %parallel_loop3A_982 : i32 to index
        %parallel_loop3A_984 = tpu.vector_load %arg5[%parallel_loop3A_983] {strides = array<i32>} : memref<8192xf32, #tpu.memory_space<vmem>>, vector<16xf32>,
        %parallel_loop3A_985 = vector.shape_cast %parallel_loop3A_984 : vector<16xf32> to vector<16xf32>
        %parallel_loop3A_986 = arith.constant 5 : i32
        %parallel_loop3A_987 = arith.index_cast %rem3A_183 : i32 to index
        %parallel_loop3A_988 = arith.index_cast %parallel_loop3A_233 : i32 to index
        %parallel_loop3A_989 = arith.index_cast %parallel_loop3A_236 : i32 to index
        %parallel_loop3A_990 = arith.index_cast %parallel_loop3A_986 : i32 to index
        %parallel_loop3A_991 = arith.constant 96 : index
        %parallel_loop3A_992 = tpu.vector_load %arg6[%parallel_loop3A_987, %parallel_loop3A_988, %parallel_loop3A_989, %parallel_loop3A_990, %parallel_loop3A_991] {strides = array<i32>} : memref<2x2x16x8x128xf32, #tpu.memory_space<vmem>>, vector<1x1x1x1x16xf32>,
        %parallel_loop3A_993 = vector.shape_cast %parallel_loop3A_992 : vector<1x1x1x1x16xf32> to vector<16xf32>
        %parallel_loop3A_994 = vector.shape_cast %parallel_loop3A_985 : vector<16xf32> to vector<1x1x1x1x16xf32>
        tpu.vector_store %arg6[%parallel_loop3A_987, %parallel_loop3A_988, %parallel_loop3A_989, %parallel_loop3A_990, %parallel_loop3A_991], %parallel_loop3A_994 {strides = array<i32>} : memref<2x2x16x8x128xf32, #tpu.memory_space<vmem>>, vector<1x1x1x1x16xf32>,
        %parallel_loop3A_995 = arith.constant 5 : i32
        %parallel_loop3A_996 = arith.subi %parallel_loop3A_242, %parallel_loop3A_995 : i32
        %parallel_loop3A_997 = arith.constant 112 : i32
        %parallel_loop3A_998 = arith.addi %parallel_loop3A_996, %parallel_loop3A_997 : i32
        %parallel_loop3A_999 = arith.index_cast %parallel_loop3A_998 : i32 to index
        %parallel_loop3A_1000 = tpu.vector_load %arg5[%parallel_loop3A_999] {strides = array<i32>} : memref<8192xf32, #tpu.memory_space<vmem>>, vector<16xf32>,
        %parallel_loop3A_1001 = vector.shape_cast %parallel_loop3A_1000 : vector<16xf32> to vector<16xf32>
        %parallel_loop3A_1002 = arith.constant 5 : i32
        %parallel_loop3A_1003 = arith.index_cast %rem3A_183 : i32 to index
        %parallel_loop3A_1004 = arith.index_cast %parallel_loop3A_233 : i32 to index
        %parallel_loop3A_1005 = arith.index_cast %parallel_loop3A_236 : i32 to index
        %parallel_loop3A_1006 = arith.index_cast %parallel_loop3A_1002 : i32 to index
        %parallel_loop3A_1007 = arith.constant 112 : index
        %parallel_loop3A_1008 = tpu.vector_load %arg6[%parallel_loop3A_1003, %parallel_loop3A_1004, %parallel_loop3A_1005, %parallel_loop3A_1006, %parallel_loop3A_1007] {strides = array<i32>} : memref<2x2x16x8x128xf32, #tpu.memory_space<vmem>>, vector<1x1x1x1x16xf32>,
        %parallel_loop3A_1009 = vector.shape_cast %parallel_loop3A_1008 : vector<1x1x1x1x16xf32> to vector<16xf32>
        %parallel_loop3A_1010 = vector.shape_cast %parallel_loop3A_1001 : vector<16xf32> to vector<1x1x1x1x16xf32>
        tpu.vector_store %arg6[%parallel_loop3A_1003, %parallel_loop3A_1004, %parallel_loop3A_1005, %parallel_loop3A_1006, %parallel_loop3A_1007], %parallel_loop3A_1010 {strides = array<i32>} : memref<2x2x16x8x128xf32, #tpu.memory_space<vmem>>, vector<1x1x1x1x16xf32>,
        %parallel_loop3A_1011 = arith.constant 6 : i32
        %parallel_loop3A_1012 = arith.subi %parallel_loop3A_242, %parallel_loop3A_1011 : i32
        %parallel_loop3A_1013 = arith.constant 0 : i32
        %parallel_loop3A_1014 = arith.addi %parallel_loop3A_1012, %parallel_loop3A_1013 : i32
        %parallel_loop3A_1015 = arith.index_cast %parallel_loop3A_1014 : i32 to index
        %parallel_loop3A_1016 = tpu.vector_load %arg5[%parallel_loop3A_1015] {strides = array<i32>} : memref<8192xf32, #tpu.memory_space<vmem>>, vector<16xf32>,
        %parallel_loop3A_1017 = vector.shape_cast %parallel_loop3A_1016 : vector<16xf32> to vector<16xf32>
        %parallel_loop3A_1018 = arith.constant 6 : i32
        %parallel_loop3A_1019 = arith.index_cast %rem3A_183 : i32 to index
        %parallel_loop3A_1020 = arith.index_cast %parallel_loop3A_233 : i32 to index
        %parallel_loop3A_1021 = arith.index_cast %parallel_loop3A_236 : i32 to index
        %parallel_loop3A_1022 = arith.index_cast %parallel_loop3A_1018 : i32 to index
        %parallel_loop3A_1023 = arith.constant 0 : index
        %parallel_loop3A_1024 = tpu.vector_load %arg6[%parallel_loop3A_1019, %parallel_loop3A_1020, %parallel_loop3A_1021, %parallel_loop3A_1022, %parallel_loop3A_1023] {strides = array<i32>} : memref<2x2x16x8x128xf32, #tpu.memory_space<vmem>>, vector<1x1x1x1x16xf32>,
        %parallel_loop3A_1025 = vector.shape_cast %parallel_loop3A_1024 : vector<1x1x1x1x16xf32> to vector<16xf32>
        %parallel_loop3A_1026 = vector.shape_cast %parallel_loop3A_1017 : vector<16xf32> to vector<1x1x1x1x16xf32>
        tpu.vector_store %arg6[%parallel_loop3A_1019, %parallel_loop3A_1020, %parallel_loop3A_1021, %parallel_loop3A_1022, %parallel_loop3A_1023], %parallel_loop3A_1026 {strides = array<i32>} : memref<2x2x16x8x128xf32, #tpu.memory_space<vmem>>, vector<1x1x1x1x16xf32>,
        %parallel_loop3A_1027 = arith.constant 6 : i32
        %parallel_loop3A_1028 = arith.subi %parallel_loop3A_242, %parallel_loop3A_1027 : i32
        %parallel_loop3A_1029 = arith.constant 16 : i32
        %parallel_loop3A_1030 = arith.addi %parallel_loop3A_1028, %parallel_loop3A_1029 : i32
        %parallel_loop3A_1031 = arith.index_cast %parallel_loop3A_1030 : i32 to index
        %parallel_loop3A_1032 = tpu.vector_load %arg5[%parallel_loop3A_1031] {strides = array<i32>} : memref<8192xf32, #tpu.memory_space<vmem>>, vector<16xf32>,
        %parallel_loop3A_1033 = vector.shape_cast %parallel_loop3A_1032 : vector<16xf32> to vector<16xf32>
        %parallel_loop3A_1034 = arith.constant 6 : i32
        %parallel_loop3A_1035 = arith.index_cast %rem3A_183 : i32 to index
        %parallel_loop3A_1036 = arith.index_cast %parallel_loop3A_233 : i32 to index
        %parallel_loop3A_1037 = arith.index_cast %parallel_loop3A_236 : i32 to index
        %parallel_loop3A_1038 = arith.index_cast %parallel_loop3A_1034 : i32 to index
        %parallel_loop3A_1039 = arith.constant 16 : index
        %parallel_loop3A_1040 = tpu.vector_load %arg6[%parallel_loop3A_1035, %parallel_loop3A_1036, %parallel_loop3A_1037, %parallel_loop3A_1038, %parallel_loop3A_1039] {strides = array<i32>} : memref<2x2x16x8x128xf32, #tpu.memory_space<vmem>>, vector<1x1x1x1x16xf32>,
        %parallel_loop3A_1041 = vector.shape_cast %parallel_loop3A_1040 : vector<1x1x1x1x16xf32> to vector<16xf32>
        %parallel_loop3A_1042 = vector.shape_cast %parallel_loop3A_1033 : vector<16xf32> to vector<1x1x1x1x16xf32>
        tpu.vector_store %arg6[%parallel_loop3A_1035, %parallel_loop3A_1036, %parallel_loop3A_1037, %parallel_loop3A_1038, %parallel_loop3A_1039], %parallel_loop3A_1042 {strides = array<i32>} : memref<2x2x16x8x128xf32, #tpu.memory_space<vmem>>, vector<1x1x1x1x16xf32>,
        %parallel_loop3A_1043 = arith.constant 6 : i32
        %parallel_loop3A_1044 = arith.subi %parallel_loop3A_242, %parallel_loop3A_1043 : i32
        %parallel_loop3A_1045 = arith.constant 32 : i32
        %parallel_loop3A_1046 = arith.addi %parallel_loop3A_1044, %parallel_loop3A_1045 : i32
        %parallel_loop3A_1047 = arith.index_cast %parallel_loop3A_1046 : i32 to index
        %parallel_loop3A_1048 = tpu.vector_load %arg5[%parallel_loop3A_1047] {strides = array<i32>} : memref<8192xf32, #tpu.memory_space<vmem>>, vector<16xf32>,
        %parallel_loop3A_1049 = vector.shape_cast %parallel_loop3A_1048 : vector<16xf32> to vector<16xf32>
        %parallel_loop3A_1050 = arith.constant 6 : i32
        %parallel_loop3A_1051 = arith.index_cast %rem3A_183 : i32 to index
        %parallel_loop3A_1052 = arith.index_cast %parallel_loop3A_233 : i32 to index
        %parallel_loop3A_1053 = arith.index_cast %parallel_loop3A_236 : i32 to index
        %parallel_loop3A_1054 = arith.index_cast %parallel_loop3A_1050 : i32 to index
        %parallel_loop3A_1055 = arith.constant 32 : index
        %parallel_loop3A_1056 = tpu.vector_load %arg6[%parallel_loop3A_1051, %parallel_loop3A_1052, %parallel_loop3A_1053, %parallel_loop3A_1054, %parallel_loop3A_1055] {strides = array<i32>} : memref<2x2x16x8x128xf32, #tpu.memory_space<vmem>>, vector<1x1x1x1x16xf32>,
        %parallel_loop3A_1057 = vector.shape_cast %parallel_loop3A_1056 : vector<1x1x1x1x16xf32> to vector<16xf32>
        %parallel_loop3A_1058 = vector.shape_cast %parallel_loop3A_1049 : vector<16xf32> to vector<1x1x1x1x16xf32>
        tpu.vector_store %arg6[%parallel_loop3A_1051, %parallel_loop3A_1052, %parallel_loop3A_1053, %parallel_loop3A_1054, %parallel_loop3A_1055], %parallel_loop3A_1058 {strides = array<i32>} : memref<2x2x16x8x128xf32, #tpu.memory_space<vmem>>, vector<1x1x1x1x16xf32>,
        %parallel_loop3A_1059 = arith.constant 6 : i32
        %parallel_loop3A_1060 = arith.subi %parallel_loop3A_242, %parallel_loop3A_1059 : i32
        %parallel_loop3A_1061 = arith.constant 48 : i32
        %parallel_loop3A_1062 = arith.addi %parallel_loop3A_1060, %parallel_loop3A_1061 : i32
        %parallel_loop3A_1063 = arith.index_cast %parallel_loop3A_1062 : i32 to index
        %parallel_loop3A_1064 = tpu.vector_load %arg5[%parallel_loop3A_1063] {strides = array<i32>} : memref<8192xf32, #tpu.memory_space<vmem>>, vector<16xf32>,
        %parallel_loop3A_1065 = vector.shape_cast %parallel_loop3A_1064 : vector<16xf32> to vector<16xf32>
        %parallel_loop3A_1066 = arith.constant 6 : i32
        %parallel_loop3A_1067 = arith.index_cast %rem3A_183 : i32 to index
        %parallel_loop3A_1068 = arith.index_cast %parallel_loop3A_233 : i32 to index
        %parallel_loop3A_1069 = arith.index_cast %parallel_loop3A_236 : i32 to index
        %parallel_loop3A_1070 = arith.index_cast %parallel_loop3A_1066 : i32 to index
        %parallel_loop3A_1071 = arith.constant 48 : index
        %parallel_loop3A_1072 = tpu.vector_load %arg6[%parallel_loop3A_1067, %parallel_loop3A_1068, %parallel_loop3A_1069, %parallel_loop3A_1070, %parallel_loop3A_1071] {strides = array<i32>} : memref<2x2x16x8x128xf32, #tpu.memory_space<vmem>>, vector<1x1x1x1x16xf32>,
        %parallel_loop3A_1073 = vector.shape_cast %parallel_loop3A_1072 : vector<1x1x1x1x16xf32> to vector<16xf32>
        %parallel_loop3A_1074 = vector.shape_cast %parallel_loop3A_1065 : vector<16xf32> to vector<1x1x1x1x16xf32>
        tpu.vector_store %arg6[%parallel_loop3A_1067, %parallel_loop3A_1068, %parallel_loop3A_1069, %parallel_loop3A_1070, %parallel_loop3A_1071], %parallel_loop3A_1074 {strides = array<i32>} : memref<2x2x16x8x128xf32, #tpu.memory_space<vmem>>, vector<1x1x1x1x16xf32>,
        %parallel_loop3A_1075 = arith.constant 6 : i32
        %parallel_loop3A_1076 = arith.subi %parallel_loop3A_242, %parallel_loop3A_1075 : i32
        %parallel_loop3A_1077 = arith.constant 64 : i32
        %parallel_loop3A_1078 = arith.addi %parallel_loop3A_1076, %parallel_loop3A_1077 : i32
        %parallel_loop3A_1079 = arith.index_cast %parallel_loop3A_1078 : i32 to index
        %parallel_loop3A_1080 = tpu.vector_load %arg5[%parallel_loop3A_1079] {strides = array<i32>} : memref<8192xf32, #tpu.memory_space<vmem>>, vector<16xf32>,
        %parallel_loop3A_1081 = vector.shape_cast %parallel_loop3A_1080 : vector<16xf32> to vector<16xf32>
        %parallel_loop3A_1082 = arith.constant 6 : i32
        %parallel_loop3A_1083 = arith.index_cast %rem3A_183 : i32 to index
        %parallel_loop3A_1084 = arith.index_cast %parallel_loop3A_233 : i32 to index
        %parallel_loop3A_1085 = arith.index_cast %parallel_loop3A_236 : i32 to index
        %parallel_loop3A_1086 = arith.index_cast %parallel_loop3A_1082 : i32 to index
        %parallel_loop3A_1087 = arith.constant 64 : index
        %parallel_loop3A_1088 = tpu.vector_load %arg6[%parallel_loop3A_1083, %parallel_loop3A_1084, %parallel_loop3A_1085, %parallel_loop3A_1086, %parallel_loop3A_1087] {strides = array<i32>} : memref<2x2x16x8x128xf32, #tpu.memory_space<vmem>>, vector<1x1x1x1x16xf32>,
        %parallel_loop3A_1089 = vector.shape_cast %parallel_loop3A_1088 : vector<1x1x1x1x16xf32> to vector<16xf32>
        %parallel_loop3A_1090 = vector.shape_cast %parallel_loop3A_1081 : vector<16xf32> to vector<1x1x1x1x16xf32>
        tpu.vector_store %arg6[%parallel_loop3A_1083, %parallel_loop3A_1084, %parallel_loop3A_1085, %parallel_loop3A_1086, %parallel_loop3A_1087], %parallel_loop3A_1090 {strides = array<i32>} : memref<2x2x16x8x128xf32, #tpu.memory_space<vmem>>, vector<1x1x1x1x16xf32>,
        %parallel_loop3A_1091 = arith.constant 6 : i32
        %parallel_loop3A_1092 = arith.subi %parallel_loop3A_242, %parallel_loop3A_1091 : i32
        %parallel_loop3A_1093 = arith.constant 80 : i32
        %parallel_loop3A_1094 = arith.addi %parallel_loop3A_1092, %parallel_loop3A_1093 : i32
        %parallel_loop3A_1095 = arith.index_cast %parallel_loop3A_1094 : i32 to index
        %parallel_loop3A_1096 = tpu.vector_load %arg5[%parallel_loop3A_1095] {strides = array<i32>} : memref<8192xf32, #tpu.memory_space<vmem>>, vector<16xf32>,
        %parallel_loop3A_1097 = vector.shape_cast %parallel_loop3A_1096 : vector<16xf32> to vector<16xf32>
        %parallel_loop3A_1098 = arith.constant 6 : i32
        %parallel_loop3A_1099 = arith.index_cast %rem3A_183 : i32 to index
        %parallel_loop3A_1100 = arith.index_cast %parallel_loop3A_233 : i32 to index
        %parallel_loop3A_1101 = arith.index_cast %parallel_loop3A_236 : i32 to index
        %parallel_loop3A_1102 = arith.index_cast %parallel_loop3A_1098 : i32 to index
        %parallel_loop3A_1103 = arith.constant 80 : index
        %parallel_loop3A_1104 = tpu.vector_load %arg6[%parallel_loop3A_1099, %parallel_loop3A_1100, %parallel_loop3A_1101, %parallel_loop3A_1102, %parallel_loop3A_1103] {strides = array<i32>} : memref<2x2x16x8x128xf32, #tpu.memory_space<vmem>>, vector<1x1x1x1x16xf32>,
        %parallel_loop3A_1105 = vector.shape_cast %parallel_loop3A_1104 : vector<1x1x1x1x16xf32> to vector<16xf32>
        %parallel_loop3A_1106 = vector.shape_cast %parallel_loop3A_1097 : vector<16xf32> to vector<1x1x1x1x16xf32>
        tpu.vector_store %arg6[%parallel_loop3A_1099, %parallel_loop3A_1100, %parallel_loop3A_1101, %parallel_loop3A_1102, %parallel_loop3A_1103], %parallel_loop3A_1106 {strides = array<i32>} : memref<2x2x16x8x128xf32, #tpu.memory_space<vmem>>, vector<1x1x1x1x16xf32>,
        %parallel_loop3A_1107 = arith.constant 6 : i32
        %parallel_loop3A_1108 = arith.subi %parallel_loop3A_242, %parallel_loop3A_1107 : i32
        %parallel_loop3A_1109 = arith.constant 96 : i32
        %parallel_loop3A_1110 = arith.addi %parallel_loop3A_1108, %parallel_loop3A_1109 : i32
        %parallel_loop3A_1111 = arith.index_cast %parallel_loop3A_1110 : i32 to index
        %parallel_loop3A_1112 = tpu.vector_load %arg5[%parallel_loop3A_1111] {strides = array<i32>} : memref<8192xf32, #tpu.memory_space<vmem>>, vector<16xf32>,
        %parallel_loop3A_1113 = vector.shape_cast %parallel_loop3A_1112 : vector<16xf32> to vector<16xf32>
        %parallel_loop3A_1114 = arith.constant 6 : i32
        %parallel_loop3A_1115 = arith.index_cast %rem3A_183 : i32 to index
        %parallel_loop3A_1116 = arith.index_cast %parallel_loop3A_233 : i32 to index
        %parallel_loop3A_1117 = arith.index_cast %parallel_loop3A_236 : i32 to index
        %parallel_loop3A_1118 = arith.index_cast %parallel_loop3A_1114 : i32 to index
        %parallel_loop3A_1119 = arith.constant 96 : index
        %parallel_loop3A_1120 = tpu.vector_load %arg6[%parallel_loop3A_1115, %parallel_loop3A_1116, %parallel_loop3A_1117, %parallel_loop3A_1118, %parallel_loop3A_1119] {strides = array<i32>} : memref<2x2x16x8x128xf32, #tpu.memory_space<vmem>>, vector<1x1x1x1x16xf32>,
        %parallel_loop3A_1121 = vector.shape_cast %parallel_loop3A_1120 : vector<1x1x1x1x16xf32> to vector<16xf32>
        %parallel_loop3A_1122 = vector.shape_cast %parallel_loop3A_1113 : vector<16xf32> to vector<1x1x1x1x16xf32>
        tpu.vector_store %arg6[%parallel_loop3A_1115, %parallel_loop3A_1116, %parallel_loop3A_1117, %parallel_loop3A_1118, %parallel_loop3A_1119], %parallel_loop3A_1122 {strides = array<i32>} : memref<2x2x16x8x128xf32, #tpu.memory_space<vmem>>, vector<1x1x1x1x16xf32>,
        %parallel_loop3A_1123 = arith.constant 6 : i32
        %parallel_loop3A_1124 = arith.subi %parallel_loop3A_242, %parallel_loop3A_1123 : i32
        %parallel_loop3A_1125 = arith.constant 112 : i32
        %parallel_loop3A_1126 = arith.addi %parallel_loop3A_1124, %parallel_loop3A_1125 : i32
        %parallel_loop3A_1127 = arith.index_cast %parallel_loop3A_1126 : i32 to index
        %parallel_loop3A_1128 = tpu.vector_load %arg5[%parallel_loop3A_1127] {strides = array<i32>} : memref<8192xf32, #tpu.memory_space<vmem>>, vector<16xf32>,
        %parallel_loop3A_1129 = vector.shape_cast %parallel_loop3A_1128 : vector<16xf32> to vector<16xf32>
        %parallel_loop3A_1130 = arith.constant 6 : i32
        %parallel_loop3A_1131 = arith.index_cast %rem3A_183 : i32 to index
        %parallel_loop3A_1132 = arith.index_cast %parallel_loop3A_233 : i32 to index
        %parallel_loop3A_1133 = arith.index_cast %parallel_loop3A_236 : i32 to index
        %parallel_loop3A_1134 = arith.index_cast %parallel_loop3A_1130 : i32 to index
        %parallel_loop3A_1135 = arith.constant 112 : index
        %parallel_loop3A_1136 = tpu.vector_load %arg6[%parallel_loop3A_1131, %parallel_loop3A_1132, %parallel_loop3A_1133, %parallel_loop3A_1134, %parallel_loop3A_1135] {strides = array<i32>} : memref<2x2x16x8x128xf32, #tpu.memory_space<vmem>>, vector<1x1x1x1x16xf32>,
        %parallel_loop3A_1137 = vector.shape_cast %parallel_loop3A_1136 : vector<1x1x1x1x16xf32> to vector<16xf32>
        %parallel_loop3A_1138 = vector.shape_cast %parallel_loop3A_1129 : vector<16xf32> to vector<1x1x1x1x16xf32>
        tpu.vector_store %arg6[%parallel_loop3A_1131, %parallel_loop3A_1132, %parallel_loop3A_1133, %parallel_loop3A_1134, %parallel_loop3A_1135], %parallel_loop3A_1138 {strides = array<i32>} : memref<2x2x16x8x128xf32, #tpu.memory_space<vmem>>, vector<1x1x1x1x16xf32>,
        %parallel_loop3A_1139 = arith.constant 7 : i32
        %parallel_loop3A_1140 = arith.subi %parallel_loop3A_242, %parallel_loop3A_1139 : i32
        %parallel_loop3A_1141 = arith.constant 0 : i32
        %parallel_loop3A_1142 = arith.addi %parallel_loop3A_1140, %parallel_loop3A_1141 : i32
        %parallel_loop3A_1143 = arith.index_cast %parallel_loop3A_1142 : i32 to index
        %parallel_loop3A_1144 = tpu.vector_load %arg5[%parallel_loop3A_1143] {strides = array<i32>} : memref<8192xf32, #tpu.memory_space<vmem>>, vector<16xf32>,
        %parallel_loop3A_1145 = vector.shape_cast %parallel_loop3A_1144 : vector<16xf32> to vector<16xf32>
        %parallel_loop3A_1146 = arith.constant 7 : i32
        %parallel_loop3A_1147 = arith.index_cast %rem3A_183 : i32 to index
        %parallel_loop3A_1148 = arith.index_cast %parallel_loop3A_233 : i32 to index
        %parallel_loop3A_1149 = arith.index_cast %parallel_loop3A_236 : i32 to index
        %parallel_loop3A_1150 = arith.index_cast %parallel_loop3A_1146 : i32 to index
        %parallel_loop3A_1151 = arith.constant 0 : index
        %parallel_loop3A_1152 = tpu.vector_load %arg6[%parallel_loop3A_1147, %parallel_loop3A_1148, %parallel_loop3A_1149, %parallel_loop3A_1150, %parallel_loop3A_1151] {strides = array<i32>} : memref<2x2x16x8x128xf32, #tpu.memory_space<vmem>>, vector<1x1x1x1x16xf32>,
        %parallel_loop3A_1153 = vector.shape_cast %parallel_loop3A_1152 : vector<1x1x1x1x16xf32> to vector<16xf32>
        %parallel_loop3A_1154 = vector.shape_cast %parallel_loop3A_1145 : vector<16xf32> to vector<1x1x1x1x16xf32>
        tpu.vector_store %arg6[%parallel_loop3A_1147, %parallel_loop3A_1148, %parallel_loop3A_1149, %parallel_loop3A_1150, %parallel_loop3A_1151], %parallel_loop3A_1154 {strides = array<i32>} : memref<2x2x16x8x128xf32, #tpu.memory_space<vmem>>, vector<1x1x1x1x16xf32>,
        %parallel_loop3A_1155 = arith.constant 7 : i32
        %parallel_loop3A_1156 = arith.subi %parallel_loop3A_242, %parallel_loop3A_1155 : i32
        %parallel_loop3A_1157 = arith.constant 16 : i32
        %parallel_loop3A_1158 = arith.addi %parallel_loop3A_1156, %parallel_loop3A_1157 : i32
        %parallel_loop3A_1159 = arith.index_cast %parallel_loop3A_1158 : i32 to index
        %parallel_loop3A_1160 = tpu.vector_load %arg5[%parallel_loop3A_1159] {strides = array<i32>} : memref<8192xf32, #tpu.memory_space<vmem>>, vector<16xf32>,
        %parallel_loop3A_1161 = vector.shape_cast %parallel_loop3A_1160 : vector<16xf32> to vector<16xf32>
        %parallel_loop3A_1162 = arith.constant 7 : i32
        %parallel_loop3A_1163 = arith.index_cast %rem3A_183 : i32 to index
        %parallel_loop3A_1164 = arith.index_cast %parallel_loop3A_233 : i32 to index
        %parallel_loop3A_1165 = arith.index_cast %parallel_loop3A_236 : i32 to index
        %parallel_loop3A_1166 = arith.index_cast %parallel_loop3A_1162 : i32 to index
        %parallel_loop3A_1167 = arith.constant 16 : index
        %parallel_loop3A_1168 = tpu.vector_load %arg6[%parallel_loop3A_1163, %parallel_loop3A_1164, %parallel_loop3A_1165, %parallel_loop3A_1166, %parallel_loop3A_1167] {strides = array<i32>} : memref<2x2x16x8x128xf32, #tpu.memory_space<vmem>>, vector<1x1x1x1x16xf32>,
        %parallel_loop3A_1169 = vector.shape_cast %parallel_loop3A_1168 : vector<1x1x1x1x16xf32> to vector<16xf32>
        %parallel_loop3A_1170 = vector.shape_cast %parallel_loop3A_1161 : vector<16xf32> to vector<1x1x1x1x16xf32>
        tpu.vector_store %arg6[%parallel_loop3A_1163, %parallel_loop3A_1164, %parallel_loop3A_1165, %parallel_loop3A_1166, %parallel_loop3A_1167], %parallel_loop3A_1170 {strides = array<i32>} : memref<2x2x16x8x128xf32, #tpu.memory_space<vmem>>, vector<1x1x1x1x16xf32>,
        %parallel_loop3A_1171 = arith.constant 7 : i32
        %parallel_loop3A_1172 = arith.subi %parallel_loop3A_242, %parallel_loop3A_1171 : i32
        %parallel_loop3A_1173 = arith.constant 32 : i32
        %parallel_loop3A_1174 = arith.addi %parallel_loop3A_1172, %parallel_loop3A_1173 : i32
        %parallel_loop3A_1175 = arith.index_cast %parallel_loop3A_1174 : i32 to index
        %parallel_loop3A_1176 = tpu.vector_load %arg5[%parallel_loop3A_1175] {strides = array<i32>} : memref<8192xf32, #tpu.memory_space<vmem>>, vector<16xf32>,
        %parallel_loop3A_1177 = vector.shape_cast %parallel_loop3A_1176 : vector<16xf32> to vector<16xf32>
        %parallel_loop3A_1178 = arith.constant 7 : i32
        %parallel_loop3A_1179 = arith.index_cast %rem3A_183 : i32 to index
        %parallel_loop3A_1180 = arith.index_cast %parallel_loop3A_233 : i32 to index
        %parallel_loop3A_1181 = arith.index_cast %parallel_loop3A_236 : i32 to index
        %parallel_loop3A_1182 = arith.index_cast %parallel_loop3A_1178 : i32 to index
        %parallel_loop3A_1183 = arith.constant 32 : index
        %parallel_loop3A_1184 = tpu.vector_load %arg6[%parallel_loop3A_1179, %parallel_loop3A_1180, %parallel_loop3A_1181, %parallel_loop3A_1182, %parallel_loop3A_1183] {strides = array<i32>} : memref<2x2x16x8x128xf32, #tpu.memory_space<vmem>>, vector<1x1x1x1x16xf32>,
        %parallel_loop3A_1185 = vector.shape_cast %parallel_loop3A_1184 : vector<1x1x1x1x16xf32> to vector<16xf32>
        %parallel_loop3A_1186 = vector.shape_cast %parallel_loop3A_1177 : vector<16xf32> to vector<1x1x1x1x16xf32>
        tpu.vector_store %arg6[%parallel_loop3A_1179, %parallel_loop3A_1180, %parallel_loop3A_1181, %parallel_loop3A_1182, %parallel_loop3A_1183], %parallel_loop3A_1186 {strides = array<i32>} : memref<2x2x16x8x128xf32, #tpu.memory_space<vmem>>, vector<1x1x1x1x16xf32>,
        %parallel_loop3A_1187 = arith.constant 7 : i32
        %parallel_loop3A_1188 = arith.subi %parallel_loop3A_242, %parallel_loop3A_1187 : i32
        %parallel_loop3A_1189 = arith.constant 48 : i32
        %parallel_loop3A_1190 = arith.addi %parallel_loop3A_1188, %parallel_loop3A_1189 : i32
        %parallel_loop3A_1191 = arith.index_cast %parallel_loop3A_1190 : i32 to index
        %parallel_loop3A_1192 = tpu.vector_load %arg5[%parallel_loop3A_1191] {strides = array<i32>} : memref<8192xf32, #tpu.memory_space<vmem>>, vector<16xf32>,
        %parallel_loop3A_1193 = vector.shape_cast %parallel_loop3A_1192 : vector<16xf32> to vector<16xf32>
        %parallel_loop3A_1194 = arith.constant 7 : i32
        %parallel_loop3A_1195 = arith.index_cast %rem3A_183 : i32 to index
        %parallel_loop3A_1196 = arith.index_cast %parallel_loop3A_233 : i32 to index
        %parallel_loop3A_1197 = arith.index_cast %parallel_loop3A_236 : i32 to index
        %parallel_loop3A_1198 = arith.index_cast %parallel_loop3A_1194 : i32 to index
        %parallel_loop3A_1199 = arith.constant 48 : index
        %parallel_loop3A_1200 = tpu.vector_load %arg6[%parallel_loop3A_1195, %parallel_loop3A_1196, %parallel_loop3A_1197, %parallel_loop3A_1198, %parallel_loop3A_1199] {strides = array<i32>} : memref<2x2x16x8x128xf32, #tpu.memory_space<vmem>>, vector<1x1x1x1x16xf32>,
        %parallel_loop3A_1201 = vector.shape_cast %parallel_loop3A_1200 : vector<1x1x1x1x16xf32> to vector<16xf32>
        %parallel_loop3A_1202 = vector.shape_cast %parallel_loop3A_1193 : vector<16xf32> to vector<1x1x1x1x16xf32>
        tpu.vector_store %arg6[%parallel_loop3A_1195, %parallel_loop3A_1196, %parallel_loop3A_1197, %parallel_loop3A_1198, %parallel_loop3A_1199], %parallel_loop3A_1202 {strides = array<i32>} : memref<2x2x16x8x128xf32, #tpu.memory_space<vmem>>, vector<1x1x1x1x16xf32>,
        %parallel_loop3A_1203 = arith.constant 7 : i32
        %parallel_loop3A_1204 = arith.subi %parallel_loop3A_242, %parallel_loop3A_1203 : i32
        %parallel_loop3A_1205 = arith.constant 64 : i32
        %parallel_loop3A_1206 = arith.addi %parallel_loop3A_1204, %parallel_loop3A_1205 : i32
        %parallel_loop3A_1207 = arith.index_cast %parallel_loop3A_1206 : i32 to index
        %parallel_loop3A_1208 = tpu.vector_load %arg5[%parallel_loop3A_1207] {strides = array<i32>} : memref<8192xf32, #tpu.memory_space<vmem>>, vector<16xf32>,
        %parallel_loop3A_1209 = vector.shape_cast %parallel_loop3A_1208 : vector<16xf32> to vector<16xf32>
        %parallel_loop3A_1210 = arith.constant 7 : i32
        %parallel_loop3A_1211 = arith.index_cast %rem3A_183 : i32 to index
        %parallel_loop3A_1212 = arith.index_cast %parallel_loop3A_233 : i32 to index
        %parallel_loop3A_1213 = arith.index_cast %parallel_loop3A_236 : i32 to index
        %parallel_loop3A_1214 = arith.index_cast %parallel_loop3A_1210 : i32 to index
        %parallel_loop3A_1215 = arith.constant 64 : index
        %parallel_loop3A_1216 = tpu.vector_load %arg6[%parallel_loop3A_1211, %parallel_loop3A_1212, %parallel_loop3A_1213, %parallel_loop3A_1214, %parallel_loop3A_1215] {strides = array<i32>} : memref<2x2x16x8x128xf32, #tpu.memory_space<vmem>>, vector<1x1x1x1x16xf32>,
        %parallel_loop3A_1217 = vector.shape_cast %parallel_loop3A_1216 : vector<1x1x1x1x16xf32> to vector<16xf32>
        %parallel_loop3A_1218 = vector.shape_cast %parallel_loop3A_1209 : vector<16xf32> to vector<1x1x1x1x16xf32>
        tpu.vector_store %arg6[%parallel_loop3A_1211, %parallel_loop3A_1212, %parallel_loop3A_1213, %parallel_loop3A_1214, %parallel_loop3A_1215], %parallel_loop3A_1218 {strides = array<i32>} : memref<2x2x16x8x128xf32, #tpu.memory_space<vmem>>, vector<1x1x1x1x16xf32>,
        %parallel_loop3A_1219 = arith.constant 7 : i32
        %parallel_loop3A_1220 = arith.subi %parallel_loop3A_242, %parallel_loop3A_1219 : i32
        %parallel_loop3A_1221 = arith.constant 80 : i32
        %parallel_loop3A_1222 = arith.addi %parallel_loop3A_1220, %parallel_loop3A_1221 : i32
        %parallel_loop3A_1223 = arith.index_cast %parallel_loop3A_1222 : i32 to index
        %parallel_loop3A_1224 = tpu.vector_load %arg5[%parallel_loop3A_1223] {strides = array<i32>} : memref<8192xf32, #tpu.memory_space<vmem>>, vector<16xf32>,
        %parallel_loop3A_1225 = vector.shape_cast %parallel_loop3A_1224 : vector<16xf32> to vector<16xf32>
        %parallel_loop3A_1226 = arith.constant 7 : i32
        %parallel_loop3A_1227 = arith.index_cast %rem3A_183 : i32 to index
        %parallel_loop3A_1228 = arith.index_cast %parallel_loop3A_233 : i32 to index
        %parallel_loop3A_1229 = arith.index_cast %parallel_loop3A_236 : i32 to index
        %parallel_loop3A_1230 = arith.index_cast %parallel_loop3A_1226 : i32 to index
        %parallel_loop3A_1231 = arith.constant 80 : index
        %parallel_loop3A_1232 = tpu.vector_load %arg6[%parallel_loop3A_1227, %parallel_loop3A_1228, %parallel_loop3A_1229, %parallel_loop3A_1230, %parallel_loop3A_1231] {strides = array<i32>} : memref<2x2x16x8x128xf32, #tpu.memory_space<vmem>>, vector<1x1x1x1x16xf32>,
        %parallel_loop3A_1233 = vector.shape_cast %parallel_loop3A_1232 : vector<1x1x1x1x16xf32> to vector<16xf32>
        %parallel_loop3A_1234 = vector.shape_cast %parallel_loop3A_1225 : vector<16xf32> to vector<1x1x1x1x16xf32>
        tpu.vector_store %arg6[%parallel_loop3A_1227, %parallel_loop3A_1228, %parallel_loop3A_1229, %parallel_loop3A_1230, %parallel_loop3A_1231], %parallel_loop3A_1234 {strides = array<i32>} : memref<2x2x16x8x128xf32, #tpu.memory_space<vmem>>, vector<1x1x1x1x16xf32>,
        %parallel_loop3A_1235 = arith.constant 7 : i32
        %parallel_loop3A_1236 = arith.subi %parallel_loop3A_242, %parallel_loop3A_1235 : i32
        %parallel_loop3A_1237 = arith.constant 96 : i32
        %parallel_loop3A_1238 = arith.addi %parallel_loop3A_1236, %parallel_loop3A_1237 : i32
        %parallel_loop3A_1239 = arith.index_cast %parallel_loop3A_1238 : i32 to index
        %parallel_loop3A_1240 = tpu.vector_load %arg5[%parallel_loop3A_1239] {strides = array<i32>} : memref<8192xf32, #tpu.memory_space<vmem>>, vector<16xf32>,
        %parallel_loop3A_1241 = vector.shape_cast %parallel_loop3A_1240 : vector<16xf32> to vector<16xf32>
        %parallel_loop3A_1242 = arith.constant 7 : i32
        %parallel_loop3A_1243 = arith.index_cast %rem3A_183 : i32 to index
        %parallel_loop3A_1244 = arith.index_cast %parallel_loop3A_233 : i32 to index
        %parallel_loop3A_1245 = arith.index_cast %parallel_loop3A_236 : i32 to index
        %parallel_loop3A_1246 = arith.index_cast %parallel_loop3A_1242 : i32 to index
        %parallel_loop3A_1247 = arith.constant 96 : index
        %parallel_loop3A_1248 = tpu.vector_load %arg6[%parallel_loop3A_1243, %parallel_loop3A_1244, %parallel_loop3A_1245, %parallel_loop3A_1246, %parallel_loop3A_1247] {strides = array<i32>} : memref<2x2x16x8x128xf32, #tpu.memory_space<vmem>>, vector<1x1x1x1x16xf32>,
        %parallel_loop3A_1249 = vector.shape_cast %parallel_loop3A_1248 : vector<1x1x1x1x16xf32> to vector<16xf32>
        %parallel_loop3A_1250 = vector.shape_cast %parallel_loop3A_1241 : vector<16xf32> to vector<1x1x1x1x16xf32>
        tpu.vector_store %arg6[%parallel_loop3A_1243, %parallel_loop3A_1244, %parallel_loop3A_1245, %parallel_loop3A_1246, %parallel_loop3A_1247], %parallel_loop3A_1250 {strides = array<i32>} : memref<2x2x16x8x128xf32, #tpu.memory_space<vmem>>, vector<1x1x1x1x16xf32>,
        %parallel_loop3A_1251 = arith.constant 7 : i32
        %parallel_loop3A_1252 = arith.subi %parallel_loop3A_242, %parallel_loop3A_1251 : i32
        %parallel_loop3A_1253 = arith.constant 112 : i32
        %parallel_loop3A_1254 = arith.addi %parallel_loop3A_1252, %parallel_loop3A_1253 : i32
        %parallel_loop3A_1255 = arith.index_cast %parallel_loop3A_1254 : i32 to index
        %parallel_loop3A_1256 = tpu.vector_load %arg5[%parallel_loop3A_1255] {strides = array<i32>} : memref<8192xf32, #tpu.memory_space<vmem>>, vector<16xf32>,
        %parallel_loop3A_1257 = vector.shape_cast %parallel_loop3A_1256 : vector<16xf32> to vector<16xf32>
        %parallel_loop3A_1258 = arith.constant 7 : i32
        %parallel_loop3A_1259 = arith.index_cast %rem3A_183 : i32 to index
        %parallel_loop3A_1260 = arith.index_cast %parallel_loop3A_233 : i32 to index
        %parallel_loop3A_1261 = arith.index_cast %parallel_loop3A_236 : i32 to index
        %parallel_loop3A_1262 = arith.index_cast %parallel_loop3A_1258 : i32 to index
        %parallel_loop3A_1263 = arith.constant 112 : index
        %parallel_loop3A_1264 = tpu.vector_load %arg6[%parallel_loop3A_1259, %parallel_loop3A_1260, %parallel_loop3A_1261, %parallel_loop3A_1262, %parallel_loop3A_1263] {strides = array<i32>} : memref<2x2x16x8x128xf32, #tpu.memory_space<vmem>>, vector<1x1x1x1x16xf32>,
        %parallel_loop3A_1265 = vector.shape_cast %parallel_loop3A_1264 : vector<1x1x1x1x16xf32> to vector<16xf32>
        %parallel_loop3A_1266 = vector.shape_cast %parallel_loop3A_1257 : vector<16xf32> to vector<1x1x1x1x16xf32>
        tpu.vector_store %arg6[%parallel_loop3A_1259, %parallel_loop3A_1260, %parallel_loop3A_1261, %parallel_loop3A_1262, %parallel_loop3A_1263], %parallel_loop3A_1266 {strides = array<i32>} : memref<2x2x16x8x128xf32, #tpu.memory_space<vmem>>, vector<1x1x1x1x16xf32>,
      } {sc.loop_unroll_factor = 2 : i64, sc.parallel_access}
      %dma_start3A_187 = arith.constant 0 : i32
      %dma_start3A_188 = arith.constant 0 : i32
      %dma_start3A_189 = arith.constant 0 : i32
      %dma_start3A_190 = arith.constant 0 : i32
      %dma_start3A_191 = tpu.memref_slice %arg6[%rem3A_183, %dma_start3A_187, %dma_start3A_188, %dma_start3A_189, %dma_start3A_190] : memref<2x2x16x8x128xf32, #tpu.memory_space<vmem>> -> memref<1x2x16x8x128xf32, #tpu.memory_space<vmem>>
      %dma_start3A_192 = tpu.memref_squeeze %dma_start3A_191 : memref<1x2x16x8x128xf32, #tpu.memory_space<vmem>> -> memref<2x16x8x128xf32, #tpu.memory_space<vmem>>
      %dma_start3A_193 = arith.constant 0 : i32
      %dma_start3A_194 = arith.constant 0 : i32
      %dma_start3A_195 = arith.constant 0 : i32
      %dma_start3A_196 = tpu.memref_slice %arg3[%select_n3A_170, %sub3A_173, %dma_start3A_193, %dma_start3A_194, %dma_start3A_195] : memref<12x256x16x8x128xf32, #tpu.memory_space<hbm>> -> memref<1x2x16x8x128xf32, #tpu.memory_space<hbm>>
      %dma_start3A_197 = tpu.memref_squeeze %dma_start3A_196 : memref<1x2x16x8x128xf32, #tpu.memory_space<hbm>> -> memref<2x16x8x128xf32, #tpu.memory_space<hbm>>
      %dma_start3A_198 = arith.constant 0 : i32
      %dma_start3A_199 = arith.constant 0 : i32
      %dma_start3A_200 = arith.constant 0 : i32
      %dma_start3A_201 = tpu.memref_slice %arg3[%select_n3A_170, %sub3A_173, %dma_start3A_198, %dma_start3A_199, %dma_start3A_200] : memref<12x256x16x8x128xf32, #tpu.memory_space<hbm>> -> memref<1x2x16x8x128xf32, #tpu.memory_space<hbm>>
      %dma_start3A_202 = tpu.memref_squeeze %dma_start3A_201 : memref<1x2x16x8x128xf32, #tpu.memory_space<hbm>> -> memref<2x16x8x128xf32, #tpu.memory_space<hbm>>
      %dma_start3A_203 = arith.constant 0 : i32
      %dma_start3A_204 = arith.constant 0 : i32
      %dma_start3A_205 = arith.constant 0 : i32
      %dma_start3A_206 = arith.constant 0 : i32
      %dma_start3A_207 = tpu.memref_slice %arg6[%rem3A_183, %dma_start3A_203, %dma_start3A_204, %dma_start3A_205, %dma_start3A_206] : memref<2x2x16x8x128xf32, #tpu.memory_space<vmem>> -> memref<1x2x16x8x128xf32, #tpu.memory_space<vmem>>
      %dma_start3A_208 = tpu.memref_squeeze %dma_start3A_207 : memref<1x2x16x8x128xf32, #tpu.memory_space<vmem>> -> memref<2x16x8x128xf32, #tpu.memory_space<vmem>>
      tpu.enqueue_dma source(%dma_start3A_208 : memref<2x16x8x128xf32, #tpu.memory_space<vmem>>) target(%dma_start3A_202 : memref<2x16x8x128xf32, #tpu.memory_space<hbm>>) target_semaphore(%arg7 : memref<!tpu.dma_semaphore, #tpu.memory_space<semaphore_mem>>)
    }
    %scan3A_88 = arith.constant 48 : i32
    %dma_wait3A_89 = arith.constant 0 : i32
    %dma_wait3A_90 = arith.constant 0 : i32
    %dma_wait3A_91 = arith.constant 0 : i32
    %dma_wait3A_92 = arith.constant 0 : i32
    %dma_wait3A_93 = arith.constant 0 : i32
    %dma_wait3A_94 = arith.constant 0 : i32
    %dma_wait3A_95 = tpu.memref_slice %arg6[%dma_wait3A_90, %dma_wait3A_91, %dma_wait3A_92, %dma_wait3A_93, %dma_wait3A_94] : memref<2x2x16x8x128xf32, #tpu.memory_space<vmem>> -> memref<1x2x16x8x128xf32, #tpu.memory_space<vmem>>
    %dma_wait3A_96 = tpu.memref_squeeze %dma_wait3A_95 : memref<1x2x16x8x128xf32, #tpu.memory_space<vmem>> -> memref<2x16x8x128xf32, #tpu.memory_space<vmem>>
    %dma_wait3A_97 = arith.constant 0 : i32
    %dma_wait3A_98 = arith.constant 0 : i32
    %dma_wait3A_99 = arith.constant 0 : i32
    %dma_wait3A_100 = arith.constant 0 : i32
    %dma_wait3A_101 = tpu.memref_slice %arg3[%dma_wait3A_89, %dma_wait3A_97, %dma_wait3A_98, %dma_wait3A_99, %dma_wait3A_100] : memref<12x256x16x8x128xf32, #tpu.memory_space<hbm>> -> memref<1x2x16x8x128xf32, #tpu.memory_space<hbm>>
    %dma_wait3A_102 = tpu.memref_squeeze %dma_wait3A_101 : memref<1x2x16x8x128xf32, #tpu.memory_space<hbm>> -> memref<2x16x8x128xf32, #tpu.memory_space<hbm>>
    %dma_wait3A_103 = arith.constant 0 : i32
    %dma_wait3A_104 = arith.constant 0 : i32
    %dma_wait3A_105 = arith.constant 0 : i32
    %dma_wait3A_106 = arith.constant 0 : i32
    %dma_wait3A_107 = tpu.memref_slice %arg6[%dma_wait3A_90, %dma_wait3A_103, %dma_wait3A_104, %dma_wait3A_105, %dma_wait3A_106] : memref<2x2x16x8x128xf32, #tpu.memory_space<vmem>> -> memref<1x2x16x8x128xf32, #tpu.memory_space<vmem>>
    %dma_wait3A_108 = tpu.memref_squeeze %dma_wait3A_107 : memref<1x2x16x8x128xf32, #tpu.memory_space<vmem>> -> memref<2x16x8x128xf32, #tpu.memory_space<vmem>>
    %dma_wait3A_109 = arith.constant 0 : i32
    %dma_wait3A_110 = arith.constant 0 : i32
    %dma_wait3A_111 = arith.constant 0 : i32
    %dma_wait3A_112 = arith.constant 0 : i32
    %dma_wait3A_113 = tpu.memref_slice %arg3[%dma_wait3A_89, %dma_wait3A_109, %dma_wait3A_110, %dma_wait3A_111, %dma_wait3A_112] : memref<12x256x16x8x128xf32, #tpu.memory_space<hbm>> -> memref<1x2x16x8x128xf32, #tpu.memory_space<hbm>>
    %dma_wait3A_114 = tpu.memref_squeeze %dma_wait3A_113 : memref<1x2x16x8x128xf32, #tpu.memory_space<hbm>> -> memref<2x16x8x128xf32, #tpu.memory_space<hbm>>
    tpu.wait_dma2 semaphore(%arg7 : memref<!tpu.dma_semaphore, #tpu.memory_space<semaphore_mem>>) src(%dma_wait3A_114 : memref<2x16x8x128xf32, #tpu.memory_space<hbm>>) dst(%dma_wait3A_108 : memref<2x16x8x128xf32, #tpu.memory_space<vmem>>)
    %dma_wait3A_115 = arith.constant 0 : i32
    %dma_wait3A_116 = arith.constant 0 : i32
    %dma_wait3A_117 = arith.constant 0 : i32
    %dma_wait3A_118 = arith.constant 0 : i32
    %dma_wait3A_119 = arith.constant 0 : i32
    %dma_wait3A_120 = arith.constant 0 : i32
    %dma_wait3A_121 = tpu.memref_slice %arg6[%dma_wait3A_116, %dma_wait3A_117, %dma_wait3A_118, %dma_wait3A_119, %dma_wait3A_120] : memref<2x2x16x8x128xf32, #tpu.memory_space<vmem>> -> memref<1x2x16x8x128xf32, #tpu.memory_space<vmem>>
    %dma_wait3A_122 = tpu.memref_squeeze %dma_wait3A_121 : memref<1x2x16x8x128xf32, #tpu.memory_space<vmem>> -> memref<2x16x8x128xf32, #tpu.memory_space<vmem>>
    %dma_wait3A_123 = arith.constant 0 : i32
    %dma_wait3A_124 = arith.constant 0 : i32
    %dma_wait3A_125 = arith.constant 0 : i32
    %dma_wait3A_126 = arith.constant 0 : i32
    %dma_wait3A_127 = tpu.memref_slice %arg3[%dma_wait3A_115, %dma_wait3A_123, %dma_wait3A_124, %dma_wait3A_125, %dma_wait3A_126] : memref<12x256x16x8x128xf32, #tpu.memory_space<hbm>> -> memref<1x2x16x8x128xf32, #tpu.memory_space<hbm>>
    %dma_wait3A_128 = tpu.memref_squeeze %dma_wait3A_127 : memref<1x2x16x8x128xf32, #tpu.memory_space<hbm>> -> memref<2x16x8x128xf32, #tpu.memory_space<hbm>>
    %dma_wait3A_129 = arith.constant 0 : i32
    %dma_wait3A_130 = arith.constant 0 : i32
    %dma_wait3A_131 = arith.constant 0 : i32
    %dma_wait3A_132 = arith.constant 0 : i32
    %dma_wait3A_133 = tpu.memref_slice %arg6[%dma_wait3A_116, %dma_wait3A_129, %dma_wait3A_130, %dma_wait3A_131, %dma_wait3A_132] : memref<2x2x16x8x128xf32, #tpu.memory_space<vmem>> -> memref<1x2x16x8x128xf32, #tpu.memory_space<vmem>>
    %dma_wait3A_134 = tpu.memref_squeeze %dma_wait3A_133 : memref<1x2x16x8x128xf32, #tpu.memory_space<vmem>> -> memref<2x16x8x128xf32, #tpu.memory_space<vmem>>
    %dma_wait3A_135 = arith.constant 0 : i32
    %dma_wait3A_136 = arith.constant 0 : i32
    %dma_wait3A_137 = arith.constant 0 : i32
    %dma_wait3A_138 = arith.constant 0 : i32
    %dma_wait3A_139 = tpu.memref_slice %arg3[%dma_wait3A_115, %dma_wait3A_135, %dma_wait3A_136, %dma_wait3A_137, %dma_wait3A_138] : memref<12x256x16x8x128xf32, #tpu.memory_space<hbm>> -> memref<1x2x16x8x128xf32, #tpu.memory_space<hbm>>
    %dma_wait3A_140 = tpu.memref_squeeze %dma_wait3A_139 : memref<1x2x16x8x128xf32, #tpu.memory_space<hbm>> -> memref<2x16x8x128xf32, #tpu.memory_space<hbm>>
    tpu.wait_dma2 semaphore(%arg7 : memref<!tpu.dma_semaphore, #tpu.memory_space<semaphore_mem>>) src(%dma_wait3A_140 : memref<2x16x8x128xf32, #tpu.memory_space<hbm>>) dst(%dma_wait3A_134 : memref<2x16x8x128xf32, #tpu.memory_space<vmem>>)
    return
  }
}

</mosaic_0001>

<sc_bundles>
// kernel: kernel.3.cloned.1.call-start
scs
__scs_entry_jumppad:
0x0: {  	(pc) =	sbr.rel $0x88, $3  }
0x1: {  	(tag) =	ssettag $0x0;
	lr =	simm.s32 $0x1  }
0x2: {  	[smem:$0x3FA0] =	sst lr;
	_ =	strace $0xD0000000  }
0x3: {  	_ = 	snop  }
0x4: {  	_ = 	snop  }
0x5: {  	_ = 	snop  }
0x6: {  	_ = 	snop  }
0x7: {  	_ = 	snop  }
__scs_overlays_trampoline_lowered:
0x8: {  	[smem:$0x3FAF] =	sst s0  }
0x9: {  	[smem:$0x3FB0] =	sst s1  }
0xa: {  	[smem:$0x3FB1] =	sst s2  }
0xb: {  	[smem:$0x3FB2] =	sst s3  }
0xc: {  	[smem:$0x3FB3] =	sst s4  }
0xd: {  	[smem:$0x3FB4] =	sst s5  }
0xe: {  	[smem:$0x3FB5] =	sst s6  }
0xf: {  	[smem:$0x3FB6] =	sst s7  }
0x10: {  	[smem:$0x3FB7] =	sst s8  }
0x11: {  	[smem:$0x3FB8] =	sst s9;
	s0 =	simm.s32 @!p0 $0x0  }
0x12: {  	s1 =	sld [smem:$0x3F9E];
	s0 =	simm.s32 @p0 $0x1  }
0x13: {  	[smem:$0x3FB9] =	sst s0;
	s0 =	simm.s32 @!p1 $0x0  }
0x14: {  	s2 =	sld [smem:$0x3F9D];
	s0 =	simm.s32 @p1 $0x1  }
0x15: {  	[smem:$0x3FBA] =	sst s0;
	s0 =	simm.s32 @!p2 $0x0  }
0x16: {  	s3 =	sld [smem:$0x3FDB];
	s0 =	simm.s32 @p2 $0x1  }
0x17: {  	s4 =	simm.s32 $0x1BF5;
	[smem:$0x3FBC] =	sst s0  }
0x18: {  	s0 =	sld [smem:$0x3F9F];
	_ =	swait.ge [sflag:s4], $0x0  }
0x19: {  	s7 =	sld [smem:$0x3FA0]  }
0x1a: {  	s8 =	sadd.s32 $0xFFFFE003, lr  }
0x1b: {  	s9 =	sadd.s32 $0xFFFFFEF7, lr;
	s5 =	simm.s32 $0xFFFFFFFF;
	p2 =	slt.u32 s8, $0xFFFFF086  }
0x1c: {  	p1 =	slt.u32 s9, $0xF7A;
	s5 =	simm.s32 @!p2 $0x0  }
0x1d: {  	s5 =	simm.s32 @p1 $0x1;
	p0 =	seq.s32 s7, s2  }
0x1e: {  	s7 =	smul.u32 @!p0 $0xF7A, s2;
	p2 =	seq.s32 @!p0 s5, $0x0  }
0x1f: {  	s9 =	smul.u32 $0xF7A, s1;
	s8 =	simm.s32 @!p0 $0x1BF5;
	p2 =	por !p2, p0  }
0x20: {  	[sflag:s8] =	ssyncset.s32 @!p0 $0xFFFFF086;
	s6 =	sadd.s32 @!p0 s3, s7;
	s7 =	simm.s32 @!p0 $0x108  }
0x21: {  	s3 =	sadd.s32 s3, s9;
	s6 =	sadd.s32 @!p0 $0x88, s6;
	s7 =	simm.s32 @p2 $0x1082  }
0x22: {  	[simem:s7], [sflag:s8] =	dma.local @!p0 [hbm:s6], $0xF7A  }
0x23: {  	s9 =	sor.u32 $0xD0000000, s2;
	s6 =	simm.s32 $0x108;
	_ =	swait.ge @!p0 [sflag:s8], $0x0  }
0x24: {  	s3 =	sadd.s32 $0x88, s3;
	s6 =	simm.s32 @!p1 $0x1082;
	[sflag:s4] =	ssyncset.s32 $0xFFFFF086  }
0x25: {  	[simem:s6], [sflag:s4] =	dma.local [hbm:s3], $0xF7A  }
0x26: {  	[smem:$0x3FA0] =	sst s1;
	(tag) =	ssettag s2;
	_ =	strace s9  }
0x27: {  	s1 =	sld [smem:$0x3FB0]  }
0x28: {  	s2 =	sld [smem:$0x3FB1]  }
0x29: {  	s4 =	sld [smem:$0x3FB3]  }
0x2a: {  	p0 =	seq.s32 s5, $0x0;
	s5 =	sld [smem:$0x3FB4]  }
0x2b: {  	s6 =	sld [smem:$0x3FB5]  }
0x2c: {  	s7 =	sld [smem:$0x3FB6]  }
0x2d: {  	s3 =	simm.s32 $0x108;
	s8 =	sld [smem:$0x3FB7]  }
0x2e: {  	s3 =	simm.s32 @!p0 $0x1082;
	s9 =	sld [smem:$0x3FB8]  }
0x2f: {  	lr =	sadd.s32 s0, s3;
	s0 =	sld [smem:$0x3FAF]  }
0x30: {  	s3 =	sld [smem:$0x3FB2]  }
0x31: {  	[smem:$0x3FBB] =	sst s10  }
0x32: {  	s10 =	sld [smem:$0x3FB9];
	_ =	sdelay $0x3  }
0x33: {  	p0 =	seq.s32 s10, $0x1;
	s10 =	sld [smem:$0x3FBB];
	_ =	sdelay $0x3  }
0x34: {  	[smem:$0x3FBB] =	sst s10  }
0x35: {  	s10 =	sld [smem:$0x3FBA];
	_ =	sdelay $0x3  }
0x36: {  	p1 =	seq.s32 s10, $0x1;
	s10 =	sld [smem:$0x3FBB];
	_ =	sdelay $0x3  }
0x37: {  	[smem:$0x3FBB] =	sst s10  }
0x38: {  	s10 =	sld [smem:$0x3FBC]  }
0x39: {  	_ = 	snop;
	(pc) =	sbr.ind lr, $3  }
0x3a: {  	_ = 	snop  }
0x3b: {  	_ = 	snop  }
0x3c: {  	p2 =	seq.s32 s10, $0x1;
	s10 =	sld [smem:$0x3FBB]  }
0x3d: {  	_ =	shalt  }
0x3e: {  	_ =	shalt  }
0x3f: {  	_ =	shalt  }
0x40: {  	_ =	shalt  }
0x41: {  	_ =	shalt  }
0x42: {  	_ =	shalt  }
0x43: {  	_ =	shalt  }
0x44: {  	_ =	shalt  }
0x45: {  	_ =	shalt  }
0x46: {  	_ =	shalt  }
0x47: {  	_ =	shalt  }
0x48: {  	_ =	shalt  }
0x49: {  	_ =	shalt  }
0x4a: {  	_ =	shalt  }
0x4b: {  	_ =	shalt  }
0x4c: {  	_ =	shalt  }
0x4d: {  	_ =	shalt  }
0x4e: {  	_ =	shalt  }
0x4f: {  	_ =	shalt  }
0x50: {  	_ =	shalt  }
0x51: {  	_ =	shalt  }
0x52: {  	_ =	shalt  }
0x53: {  	_ =	shalt  }
0x54: {  	_ =	shalt  }
0x55: {  	_ =	shalt  }
0x56: {  	_ =	shalt  }
0x57: {  	_ =	shalt  }
0x58: {  	_ =	shalt  }
0x59: {  	_ =	shalt  }
0x5a: {  	_ =	shalt  }
0x5b: {  	_ =	shalt  }
0x5c: {  	_ =	shalt  }
0x5d: {  	_ =	shalt  }
0x5e: {  	_ =	shalt  }
0x5f: {  	_ =	shalt  }
0x60: {  	_ =	shalt  }
0x61: {  	_ =	shalt  }
0x62: {  	_ =	shalt  }
0x63: {  	_ =	shalt  }
0x64: {  	_ =	shalt  }
0x65: {  	_ =	shalt  }
0x66: {  	_ =	shalt  }
0x67: {  	_ =	shalt  }
0x68: {  	_ =	shalt  }
0x69: {  	_ =	shalt  }
0x6a: {  	_ =	shalt  }
0x6b: {  	_ =	shalt  }
0x6c: {  	_ =	shalt  }
0x6d: {  	_ =	shalt  }
0x6e: {  	_ =	shalt  }
0x6f: {  	_ =	shalt  }
0x70: {  	_ =	shalt  }
0x71: {  	_ =	shalt  }
0x72: {  	_ =	shalt  }
0x73: {  	_ =	shalt  }
0x74: {  	_ =	shalt  }
0x75: {  	_ =	shalt  }
0x76: {  	_ =	shalt  }
0x77: {  	_ =	shalt  }
0x78: {  	_ =	shalt  }
0x79: {  	_ =	shalt  }
0x7a: {  	_ =	shalt  }
0x7b: {  	_ =	shalt  }
0x7c: {  	_ =	shalt  }
0x7d: {  	_ =	shalt  }
0x7e: {  	_ =	shalt  }
0x7f: {  	_ =	shalt  }
0x80: {  	_ =	shalt  }
0x81: {  	_ =	shalt  }
0x82: {  	_ =	shalt  }
0x83: {  	_ =	shalt  }
0x84: {  	_ =	shalt  }
0x85: {  	_ =	shalt  }
0x86: {  	_ =	shalt  }
0x87: {  	_ =	shalt  }
.Lfunc_end0:
.L_simem_size_0:
called_computation_lowered:
.L_overlay_start_0:
0x88: {  	s2 =	sld [smem:$0x3FD9]  }
0x89: {  	s3 =	sld [smem:$0x3FFE];
	_ =	sdelay $0x1  }
0x8a: {  	s1 =	srdreg.scid  }
0x8b: {  	s0 =	sand.u32 $0x1, s1  }
0x8c: {  	s17 =	sshll.u32 s0, $0xA;
	s2 =	sadd.s32 s3, s2  }
0x8d: {  	s2 =	sadd.s32 s2, s17  }
0x8e: {  	[smem:$0x3FC7] =	sst s2  }
0x8f: {  	_ = 	snop  }
0x90: {  	s2 =	sld [smem:$0x3FD0];
	(tm) =	ssettm $0x1  }
0x91: {  	s18 =	sld [smem:$0x3FFB];
	_ =	sdelay $0x3  }
0x92: {  	_ =	strace s18  }
0x93: {  	s3 =	sld [smem:$0x3FFC];
	_ =	sdelay $0x3  }
0x94: {  	_ =	strace s3  }
0x95: {  	s3 =	sld [smem:$0x3FFD];
	_ =	sdelay $0x3  }
0x96: {  	_ =	strace s3  }
0x97: {  	_ =	strace $0x8FFFFFFF  }
0x98: {  	s19 =	sld [smem:$0x3FDB];
	_ =	sdelay $0x1  }
0x99: {  	s4 =	simm.s32 $_scs_section_size  }
0x9a: {  	s5 =	simm.s32 $_size__tile_overlayer_lowered;
	s6 =	simm.s32 $_tile_overlayer_lowered  }
0x9b: {  	s22 =	simm.s32 $0x1BFF;
	s21 =	sshll.u32 s6, $0x1;
	s3 =	sadd.s32 s4, s19  }
0x9c: {  	s7 =	simm.s32 $0x0;
	s20 =	sshll.u32 s5, $0x1;
	s5 =	sadd.s32 s21, s3  }
0x9d: {  	[timem:s7], [sflag:s22] =	dma.local [hbm:s5], s20  }
0x9e: {  	_ =	swait.ge [sflag:s22], s20  }
0x9f: {  	s4 =	ssub.s32 $0x0, s20;
	[sflag:s22] =	ssyncset.done $0x0  }
0xa0: {  	[sflag:s22] =	ssyncadd.s32 s4;
	_ =	sdelay $0x1  }
0xa1: {  	s23 =	simm.s32 $0x1B8B  }
0xa2: {  	_ =	swait.ge [sflag:s23], $0x1  }
0xa3: {  	[sflag:s23] =	ssyncset.done $0x0  }
0xa4: {  	s25 =	simm.s32 $0x1B8E;
	s24 =	sld [smem:$0x3FFE];
	[sflag:s23] =	ssyncadd.s32 $0xFFFFFFFF  }
0xa5: {  	s26 =	simm.s32 $execute0_lowered;
	[smem:$0x3FD2] =	sst s25  }
0xa6: {  	s5 =	sshll.u32 s26, $0x1;
	_ =	strace $0x80000046;
	[dreg:$0x1] =	wrdreg $0xFFFFFFFF  }
0xa7: {  	s28 =	simm.s32 $_size_execute0_lowered;
	s3 =	sadd.s32 s3, s5;
	[dreg:$0x0] =	wrdreg $0x0  }
0xa8: {  	s5 =	sshll.u32 s28, $0x1;
	[dreg:$0x2] =	wrdreg s3  }
0xa9: {  	[dreg:$0x3] =	wrdreg s5  }
0xaa: {  	[dreg:$0x4] =	wrdreg $0xC0  }
0xab: {  	_ =	task [dreg:s7], $0x5FFFF  }
0xac: {  	[dreg:$0x1] =	wrdreg $0xFFFFFFFF  }
0xad: {  	[dreg:$0x0] =	wrdreg $0x60  }
0xae: {  	[dreg:$0x2] =	wrdreg s24  }
0xaf: {  	[dreg:$0x3] =	wrdreg s2  }
0xb0: {  	[dreg:$0x4] =	wrdreg $0x9  }
0xb1: {  	_ =	task.clear_ibuf [dreg:s7], $0x5FFFF;
	_ =	strace $0x90000046  }
0xb2: {  	s29 =	simm.s32 $0x9;
	_ =	strace $0x80000048  }
0xb3: {  	_ =	swait.ge [sflag:s29], $0x1  }
0xb4: {  	[sflag:s29] =	ssyncadd.s32 $0xFFFFFFFF  }
0xb5: {  	_ =	strace $0x90000048  }
0xb6: {  	_ =	sfence  }
0xb7: {  	s30 =	sld [smem:$0x0];
	_ =	sdelay $0x2  }
0xb8: {  	s31 =	sshll.u32 s1, $0xD;
	s1 =	sshrl.u32 s1, $0x2  }
0xb9: {  	s3 =	sand.u32 $0x4000, s31;
	s1 =	sadd.s32 s1, s30  }
0xba: {  	s0 =	sor.u32 s3, s0;
	s1 =	sshll.u32 s1, $0x11  }
0xbb: {  	s0 =	sor.u32 s1, s0  }
0xbc: {  	s0 =	sadd.s32 $0x8F2B, s0  }
0xbd: {  	[sflag:s0] =	ssyncadd.remote.s32 $0x1  }
0xbe: {  	_ =	sfence.sel $0xFFFF  }
0xbf: {  	[dreg:$0x0] =	wrdreg $0xFFFFFFFF;
	(pc) =	sbr.abs _section_cstart, $3  }
0xc0: {  	[dreg:$0x1] =	wrdreg $0xFFFFFFFF  }
0xc1: {  	_ =	task.clear_ibuf [dreg:s7], $0x2FFFF;
	_ =	strace $0x9FFFFFFF  }
0xc2: {  	(tm) =	ssettm $0x7FFFFFFF  }
0xc3: {  	_ =	shalt  }
tec
execute0_lowered:
.L_overlay_start_1:
0x0: {  	(tag) =	ssettag $0x1  }
0x1: {  	s11 =	stileid.u32  }
0x2: {  	s0 =	srdreg.scid;
	s7 =	smul.u32 $0x6, s11  }
0x3: {  	s1 =	rddreg [dreg:$0x0];
	s0 =	sand.u32 $0x1, s0;
	s30 =	smul.u32 $0xC0, s11  }
0x4: {  	s2 =	rddreg [dreg:$0x1];
	s3 =	sshll.u32 s11, $0x1;
	s8 =	smul.u32 $0x3, s0  }
0x5: {  	s4 =	sor.u32 s0, s3;
	s26 =	ssub.s32 $0x2, s0;
	s0 =	smul.u32 $0x60, s0  }
0x6: {  	s16 =	simm.s32 $0x0;
	s3 =	simm.s32 $0x0;
	s6 =	smul.u32 $0x3, s4  }
0x7: {  	s1 =	sadd.s32 $0x400, s1;
	[smem:$0x7FF] =	sst s3;
	s5 =	smul.u32 $0x60, s4  }
0x8: {  	s28 =	sshrl.u32 s26, $0x1;
	_ =	strace $0x80000047;
	[dreg:$0x3] =	wrdreg s1  }
0x9: {  	s25 =	sadd.s32 s8, s7;
	s7 =	ssub.s32 s26, s28;
	s0 =	sadd.s32 s0, s30  }
0xa: {  	s6 =	sshrl.u32 s6, $0x3;
	s4 =	sshrl.u32 s25, $0x3;
	s7 =	smax.u32 s7, $0x1  }
0xb: {  	[dreg:$0x9] =	wrdreg s0;
	s0 =	sshrl.u32 s0, $0x1;
	s13 =	smul.u32 $0x101, s6  }
0xc: {  	s24 =	smin.u32 s6, $0xA;
	s9 =	smul.u32 $0x404, s4;
	s10 =	smin.u32 s4, $0xA  }
0xd: {  	[dreg:$0x6] =	wrdreg s7;
	s4 =	sshll.u32 s4, $0xE;
	s1 =	smul.u32 $0x404, s24  }
0xe: {  	[dreg:$0xa] =	wrdreg s0;
	s29 =	smul.u32 $0x404, s10;
	s31 =	sshrl.u32 s9, $0x2  }
0xf: {  	s4 =	ssub.s32 $0x0, s4;
	[dreg:$0x4] =	wrdreg s13;
	s8 =	sadd.s32 $0x20, s31  }
0x10: {  	s14 =	sshrl.u32 s1, $0x2;
	s1 =	sadd.s32 $0x4C4, s29;
	[dreg:$0x7] =	wrdreg s8  }
0x11: {  	s4 =	sshra.s32 s4, $0x2;
	s1 =	sshrl.u32 s1, $0x2;
	[dreg:$0x5] =	wrdreg s14  }
0x12: {  	s12 =	sor.u32 $0xC80, s4;
	[dreg:$0x8] =	wrdreg s1;
	s1 =	simm.s32 $0x1  }
.LBB2_1:
0x13: {  	s0 =	rddreg [dreg:$0x3]  }
0x14: {  	[tilespmem:s3], [sflag:$0x1] =	stream.linear.gather [hbm4b:s0+s3], $0xC0C, $0x38;
	[tilespmem:$0x12C80] =	vst v63  }
0x15: {  	_ =	swait.ge [sflag:s1], $0xC0C  }
0x16: {  	[sflag:s1] =	ssyncset.done $0x0  }
0x17: {  	[sflag:s1] =	ssyncadd.s32 $0xFFFFF3F4  }
0x18: {  	v1 =	vld.msk [tilespmem:s13+$0x0 ss:$0x0], $0xffff;
	_ =	sdelay $0x1  }
0x19: {  	v0 =	vld [tilespmem:s13+$0xF1];
	_ =	sdelay $0x1  }
0x1a: {  	s1 =	simm.s32 $0xC80  }
0x1b: {  	[tilespmem:s1+$0x30] =	vst v1  }
0x1c: {  	[tilespmem:s1+$0x20] =	vst v1  }
0x1d: {  	v0 =	vbroadcast v0, $0xF;
	[tilespmem:s1+$0x10] =	vst v1  }
0x1e: {  	[tilespmem:s1+$0x0] =	vst v1  }
0x1f: {  	[tilespmem:s1+$0x8B0] =	vst v0  }
0x20: {  	s4 =	simm.s32 $0x0;
	[tilespmem:s1+$0x8A0] =	vst v0  }
0x21: {  	s8 =	sand.u32 $0x7C0, s3;
	s7 =	simm.s32 $0x0;
	s0 =	simm.s32 $0x142F;
	[tilespmem:s1+$0x890] =	vst v0  }
.LBB2_2:
0x22: {  	s4 =	sadd.s32 $0x4, s4;
	[tilespmem:s8+$0x1500] =	vst v0;
	s7 =	sadd.s32 $0x40, s7;
	s1 =	sadd.s32 $0x40, s1  }
0x23: {  	[tilespmem:s1+$0x8B0] =	vst v0;
	p0 =	slt.u32 s4, $0x74  }
0x24: {  	[tilespmem:s1+$0x30] =	vst v1  }
.Ltmp0:
0x25: {  	[tilespmem:s1+$0x8A0] =	vst v0;
	(pc) =	sbr.rel @p0 .LBB2_2-.Ltmp0, $4  }
0x26: {  	[tilespmem:s1+$0x20] =	vst v1  }
0x27: {  	[tilespmem:s1+$0x890] =	vst v0  }
0x28: {  	[tilespmem:s1+$0x10] =	vst v1  }
0x29: {  	s8 =	sand.u32 $0x7C0, s7;
	[tilespmem:s1+$0x0] =	vst v1  }
0x2a: {  	[tilespmem:s8+$0x1500] =	vst v0  }
0x2b: {  	s4 =	rddreg [dreg:$0x7]  }
0x2c: {  	v4 =	vld [tilespmem:s4+$0x0];
	_ =	sdelay $0x1  }
0x2d: {  	v2 =	vld [tilespmem:s4+$0xFFFFFFE0]  }
0x2e: {  	v1 =	vld [tilespmem:s4+$0xFFFFFFF0]  }
0x2f: {  	v3 =	vld [tilespmem:s4+$0x10]  }
0x30: {  	s1 =	simm.s32 $0x0;
	s7 =	simm.s32 $0x142F;
	s4 =	sadd.s32 $0x40, s4;
	[tilespmem:s0+$0xFFFFFFF0] =	vst v4  }
.LBB2_4:
0x31: {  	s1 =	sadd.s32 $0x4, s1  }
0x32: {  	v4 =	vld [tilespmem:s4+$0x0];
	[tilespmem:s0+$0xFFFFFFD0] =	vst v2;
	s7 =	sadd.s32 $0x40, s7;
	p0 =	slt.u32 s1, $0xC  }
.Ltmp1:
0x33: {  	v2 =	vld [tilespmem:s4+$0xFFFFFFE0];
	[tilespmem:s0+$0xFFFFFFE0] =	vst v1;
	(pc) =	sbr.rel @p0 .LBB2_4-.Ltmp1, $3  }
0x34: {  	v1 =	vld [tilespmem:s4+$0xFFFFFFF0];
	[tilespmem:s0+$0x0] =	vst v3;
	s0 =	smov.u32 s7  }
0x35: {  	v3 =	vld [tilespmem:s4+$0x10];
	_ =	sdelay $0x1  }
0x36: {  	s4 =	sadd.s32 $0x40, s4;
	[tilespmem:s7+$0xFFFFFFF0] =	vst v4  }
0x37: {  	[tilespmem:s0+$0xFFFFFFD0] =	vst v2  }
0x38: {  	[tilespmem:s0+$0xFFFFFFE0] =	vst v1  }
0x39: {  	[tilespmem:s0+$0x0] =	vst v3  }
0x3a: {  	v1 =	vld [tilespmem:s13+$0x100];
	_ =	sdelay $0x4  }
0x3b: {  	[tilespmem:$0x14FF] =	vst v1  }
0x3c: {  	[tilespmem:$0x1500] =	vst v0  }
0x3d: {  	v1 =	vld.msk [tilespmem:s14+$0x101 ss:$0x0], $0xffff;
	_ =	sdelay $0x1  }
0x3e: {  	v0 =	vld [tilespmem:s14+$0x1F2];
	_ =	sdelay $0x1  }
0x3f: {  	s31 =	simm.s32 $0x2530  }
0x40: {  	[tilespmem:s31+$0xFFFFF760] =	vst v1  }
0x41: {  	s1 =	simm.s32 $0x0;
	[tilespmem:s31+$0xFFFFF770] =	vst v1  }
0x42: {  	s8 =	sand.u32 $0x7C0, s1;
	v0 =	vbroadcast v0, $0xF;
	[tilespmem:s31+$0xFFFFF780] =	vst v1  }
0x43: {  	[tilespmem:s8+$0x1C80] =	vst v1  }
0x44: {  	[tilespmem:s31+$0xFFFFFFE0] =	vst v0  }
0x45: {  	[tilespmem:s31+$0xFFFFFFF0] =	vst v0  }
0x46: {  	[tilespmem:s31+$0x0] =	vst v0  }
0x47: {  	s4 =	simm.s32 $0x0;
	s7 =	simm.s32 $0x2570;
	s0 =	simm.s32 $0x242F;
	[tilespmem:s8+$0x2500] =	vst v0  }
.LBB2_6:
0x48: {  	[tilespmem:s7+$0xFFFFF760] =	vst v1  }
0x49: {  	s4 =	sadd.s32 $0x4, s4;
	[tilespmem:s7+$0xFFFFFFE0] =	vst v0  }
0x4a: {  	p0 =	slt.u32 s4, $0x74;
	[tilespmem:s7+$0xFFFFF770] =	vst v1  }
.Ltmp2:
0x4b: {  	[tilespmem:s7+$0xFFFFFFF0] =	vst v0;
	(pc) =	sbr.rel @p0 .LBB2_6-.Ltmp2, $4  }
0x4c: {  	s1 =	sadd.s32 $0x40, s1;
	[tilespmem:s7+$0xFFFFF780] =	vst v1  }
0x4d: {  	s8 =	sand.u32 $0x7C0, s1;
	[tilespmem:s7+$0x0] =	vst v0  }
0x4e: {  	s7 =	sadd.s32 $0x40, s7;
	[tilespmem:s8+$0x2500] =	vst v0  }
0x4f: {  	[tilespmem:s8+$0x1C80] =	vst v1  }
0x50: {  	s4 =	rddreg [dreg:$0x8]  }
0x51: {  	v4 =	vld [tilespmem:s4+$0xFFFFFFF0];
	_ =	sdelay $0x1  }
0x52: {  	v2 =	vld [tilespmem:s4+$0xFFFFFFD0]  }
0x53: {  	v1 =	vld [tilespmem:s4+$0xFFFFFFE0]  }
0x54: {  	v3 =	vld [tilespmem:s4+$0x0]  }
0x55: {  	s1 =	simm.s32 $0x0;
	s7 =	simm.s32 $0x242F;
	s4 =	sadd.s32 $0x40, s4;
	[tilespmem:s0+$0xFFFFFFF0] =	vst v4  }
.LBB2_8:
0x56: {  	s1 =	sadd.s32 $0x4, s1  }
0x57: {  	v4 =	vld [tilespmem:s4+$0xFFFFFFF0];
	[tilespmem:s0+$0xFFFFFFD0] =	vst v2;
	s7 =	sadd.s32 $0x40, s7;
	p0 =	slt.u32 s1, $0xC  }
.Ltmp3:
0x58: {  	v2 =	vld [tilespmem:s4+$0xFFFFFFD0];
	[tilespmem:s0+$0xFFFFFFE0] =	vst v1;
	(pc) =	sbr.rel @p0 .LBB2_8-.Ltmp3, $3  }
0x59: {  	v1 =	vld [tilespmem:s4+$0xFFFFFFE0];
	[tilespmem:s0+$0x0] =	vst v3;
	s0 =	smov.u32 s7  }
0x5a: {  	v3 =	vld [tilespmem:s4+$0x0];
	_ =	sdelay $0x1  }
0x5b: {  	s4 =	sadd.s32 $0x40, s4;
	[tilespmem:s7+$0xFFFFFFF0] =	vst v4  }
0x5c: {  	[tilespmem:s0+$0xFFFFFFD0] =	vst v2  }
0x5d: {  	[tilespmem:s0+$0xFFFFFFE0] =	vst v1  }
0x5e: {  	[tilespmem:s0+$0x0] =	vst v3  }
0x5f: {  	v1 =	vld [tilespmem:s14+$0x201];
	_ =	sdelay $0x4  }
0x60: {  	s18 =	rddreg [dreg:$0xa];
	[tilespmem:$0x24FF] =	vst v1  }
0x61: {  	s17 =	simm.s32 $0x0;
	p0 =	por $0x0, $0x0;
	s19 =	rddreg [dreg:$0x9];
	[tilespmem:$0x2500] =	vst v0  }
.LBB2_10:
0x62: {  	s0 =	sshll.u32 s19, $0x6;
	s1 =	sand.u32 $0x7F, s18;
	p1 =	slt.u32 s17, $0x2  }
0x63: {  	s4 =	sshll.u32 s17, $0x1;
	s22 =	simm.s32 $0x0;
	s24 =	sand.u32 $0x1, s17  }
0x64: {  	s25 =	simm.s32 $0x0;
	s0 =	sand.u32 $0xFFFFC000, s0;
	s1 =	sshll.u32 s1, $0x6  }
0x65: {  	s4 =	sadd.s32 s5, s4;
	s23 =	smul.u32 $0xFFFFDFE0, s22;
	s9 =	sand.u32 $0xE, s25  }
0x66: {  	s0 =	ssub.s32 s0, s1;
	s1 =	simm.s32 @!p1 $0x1;
	s20 =	sshrl.u32 s4, $0x8  }
0x67: {  	s21 =	sand.u32 $0xFE, s4;
	s0 =	sshra.s32 s0, $0x2;
	_ =	swait.ge @!p1 [sflag:s1], $0x8000  }
0x68: {  	s7 =	ssub.s32 s20, s6;
	s8 =	sadd.s32 $0x0, s21;
	s0 =	sadd.s32 s0, s12  }
0x69: {  	[sflag:s1] =	ssyncset.done @!p1 $0x0;
	s15 =	sshll.u32 s7, $0xC;
	s26 =	sshll.u32 s8, $0x3  }
0x6a: {  	[sflag:s1] =	ssyncadd.s32 @!p1 $0xFFFF8000;
	s31 =	sor.u32 $0x7FF, s15;
	s1 =	sshra.s32 s23, $0x2  }
0x6b: {  	s13 =	sshll.u32 s9, $0x7;
	s8 =	ssub.s32 s31, s26;
	s7 =	sadd.s32 s1, s0  }
0x6c: {  	s22 =	sshll.u32 s24, $0xF;
	s23 =	sadd.s32 s13, s8;
	v1 =	vld [tilespmem:s7+$0x87F]  }
0x6d: {  	v0 =	vmov s22;
	s1 =	simm.s32 $0x1;
	v2 =	vld [tilespmem:s23+$0xC80]  }
0x6e: {  	s1 =	simm.s32 @!p0 $0x0  }
0x6f: {  	s1 =	sshll.u32 s1, $0xF  }
0x70: {  	s9 =	sshll.u32 s9, $0xA;
	s8 =	simm.s32 $0x0;
	s24 =	sor.u32 $0x3470, s1  }
0x71: {  	s25 =	sor.u32 s9, s8;
	[tilespmem:s24+$0xFFFFFC10] =	vst v1  }
0x72: {  	[tilespmem:v0+s25+$0x2C80 ss:$0x1] =	vst.idx.msk $0xffff, v2;
	v1 =	vld [tilespmem:s7+$0x88F]  }
0x73: {  	v2 =	vld [tilespmem:s23+$0xC90];
	_ =	sdelay $0x3  }
0x74: {  	[tilespmem:s24+$0xFFFFFC20] =	vst v1  }
0x75: {  	[tilespmem:v0+s25+$0x2C90 ss:$0x1] =	vst.idx.msk $0xffff, v2;
	v1 =	vld [tilespmem:s7+$0x89F]  }
0x76: {  	v2 =	vld [tilespmem:s23+$0xCA0];
	_ =	sdelay $0x3  }
0x77: {  	[tilespmem:s24+$0xFFFFFC30] =	vst v1  }
0x78: {  	[tilespmem:v0+s25+$0x2CA0 ss:$0x1] =	vst.idx.msk $0xffff, v2;
	v1 =	vld [tilespmem:s7+$0x8AF]  }
0x79: {  	v2 =	vld [tilespmem:s23+$0xCB0];
	_ =	sdelay $0x3  }
0x7a: {  	[tilespmem:s24+$0xFFFFFC40] =	vst v1  }
0x7b: {  	[tilespmem:v0+s25+$0x2CB0 ss:$0x1] =	vst.idx.msk $0xffff, v2;
	v1 =	vld [tilespmem:s7+$0x8BF]  }
0x7c: {  	v2 =	vld [tilespmem:s23+$0xCC0];
	_ =	sdelay $0x3  }
0x7d: {  	[tilespmem:s24+$0xFFFFFC50] =	vst v1  }
0x7e: {  	[tilespmem:v0+s25+$0x2CC0 ss:$0x1] =	vst.idx.msk $0xffff, v2;
	v1 =	vld [tilespmem:s7+$0x8CF]  }
0x7f: {  	v2 =	vld [tilespmem:s23+$0xCD0];
	_ =	sdelay $0x3  }
0x80: {  	[tilespmem:s24+$0xFFFFFC60] =	vst v1  }
0x81: {  	[tilespmem:v0+s25+$0x2CD0 ss:$0x1] =	vst.idx.msk $0xffff, v2;
	v1 =	vld [tilespmem:s7+$0x8DF]  }
0x82: {  	v2 =	vld [tilespmem:s23+$0xCE0];
	_ =	sdelay $0x3  }
0x83: {  	[tilespmem:s24+$0xFFFFFC70] =	vst v1  }
0x84: {  	[tilespmem:v0+s25+$0x2CE0 ss:$0x1] =	vst.idx.msk $0xffff, v2;
	v1 =	vld [tilespmem:s7+$0x8EF]  }
0x85: {  	v2 =	vld [tilespmem:s23+$0xCF0];
	_ =	sdelay $0x3  }
0x86: {  	[tilespmem:s24+$0xFFFFFC80] =	vst v1  }
0x87: {  	[tilespmem:v0+s25+$0x2CF0 ss:$0x1] =	vst.idx.msk $0xffff, v2;
	v1 =	vld [tilespmem:s7+$0x87E]  }
0x88: {  	v2 =	vld [tilespmem:s23+$0xC7F];
	_ =	sdelay $0x3  }
0x89: {  	[tilespmem:s24+$0xFFFFFC90] =	vst v1  }
0x8a: {  	[tilespmem:v0+s25+$0x2D00 ss:$0x1] =	vst.idx.msk $0xffff, v2;
	v1 =	vld [tilespmem:s7+$0x88E]  }
0x8b: {  	v2 =	vld [tilespmem:s23+$0xC8F];
	_ =	sdelay $0x3  }
0x8c: {  	[tilespmem:s24+$0xFFFFFCA0] =	vst v1  }
0x8d: {  	[tilespmem:v0+s25+$0x2D10 ss:$0x1] =	vst.idx.msk $0xffff, v2;
	v1 =	vld [tilespmem:s7+$0x89E]  }
0x8e: {  	v2 =	vld [tilespmem:s23+$0xC9F];
	_ =	sdelay $0x3  }
0x8f: {  	[tilespmem:s24+$0xFFFFFCB0] =	vst v1  }
0x90: {  	[tilespmem:v0+s25+$0x2D20 ss:$0x1] =	vst.idx.msk $0xffff, v2;
	v1 =	vld [tilespmem:s7+$0x8AE]  }
0x91: {  	v2 =	vld [tilespmem:s23+$0xCAF];
	_ =	sdelay $0x3  }
0x92: {  	[tilespmem:s24+$0xFFFFFCC0] =	vst v1  }
0x93: {  	[tilespmem:v0+s25+$0x2D30 ss:$0x1] =	vst.idx.msk $0xffff, v2;
	v1 =	vld [tilespmem:s7+$0x8BE]  }
0x94: {  	v2 =	vld [tilespmem:s23+$0xCBF];
	_ =	sdelay $0x3  }
0x95: {  	[tilespmem:s24+$0xFFFFFCD0] =	vst v1  }
0x96: {  	[tilespmem:v0+s25+$0x2D40 ss:$0x1] =	vst.idx.msk $0xffff, v2;
	v1 =	vld [tilespmem:s7+$0x8CE]  }
0x97: {  	v2 =	vld [tilespmem:s23+$0xCCF];
	_ =	sdelay $0x3  }
0x98: {  	[tilespmem:s24+$0xFFFFFCE0] =	vst v1  }
0x99: {  	[tilespmem:v0+s25+$0x2D50 ss:$0x1] =	vst.idx.msk $0xffff, v2;
	v1 =	vld [tilespmem:s7+$0x8DE]  }
0x9a: {  	v2 =	vld [tilespmem:s23+$0xCDF];
	_ =	sdelay $0x3  }
0x9b: {  	[tilespmem:s24+$0xFFFFFCF0] =	vst v1  }
0x9c: {  	[tilespmem:v0+s25+$0x2D60 ss:$0x1] =	vst.idx.msk $0xffff, v2;
	v1 =	vld [tilespmem:s7+$0x8EE]  }
0x9d: {  	v2 =	vld [tilespmem:s23+$0xCEF];
	_ =	sdelay $0x3  }
0x9e: {  	[tilespmem:s24+$0xFFFFFD00] =	vst v1  }
0x9f: {  	[tilespmem:v0+s25+$0x2D70 ss:$0x1] =	vst.idx.msk $0xffff, v2;
	v1 =	vld [tilespmem:s7+$0x87D]  }
0xa0: {  	v2 =	vld [tilespmem:s23+$0xC7E];
	_ =	sdelay $0x3  }
0xa1: {  	[tilespmem:s24+$0xFFFFFD10] =	vst v1  }
0xa2: {  	[tilespmem:v0+s25+$0x2D80 ss:$0x1] =	vst.idx.msk $0xffff, v2;
	v1 =	vld [tilespmem:s7+$0x88D]  }
0xa3: {  	v2 =	vld [tilespmem:s23+$0xC8E];
	_ =	sdelay $0x3  }
0xa4: {  	[tilespmem:s24+$0xFFFFFD20] =	vst v1  }
0xa5: {  	[tilespmem:v0+s25+$0x2D90 ss:$0x1] =	vst.idx.msk $0xffff, v2;
	v1 =	vld [tilespmem:s7+$0x89D]  }
0xa6: {  	v2 =	vld [tilespmem:s23+$0xC9E];
	_ =	sdelay $0x3  }
0xa7: {  	[tilespmem:s24+$0xFFFFFD30] =	vst v1  }
0xa8: {  	[tilespmem:v0+s25+$0x2DA0 ss:$0x1] =	vst.idx.msk $0xffff, v2;
	v1 =	vld [tilespmem:s7+$0x8AD]  }
0xa9: {  	v2 =	vld [tilespmem:s23+$0xCAE];
	_ =	sdelay $0x3  }
0xaa: {  	[tilespmem:s24+$0xFFFFFD40] =	vst v1  }
0xab: {  	[tilespmem:v0+s25+$0x2DB0 ss:$0x1] =	vst.idx.msk $0xffff, v2;
	v1 =	vld [tilespmem:s7+$0x8BD]  }
0xac: {  	v2 =	vld [tilespmem:s23+$0xCBE];
	_ =	sdelay $0x1  }
0xad: {  	s10 =	simm.s32 $0x0  }
0xae: {  	s11 =	simm.s32 $0x2;
	s1 =	smul.u32 $0xFFFFDFE0, s10  }
0xaf: {  	s4 =	sand.u32 $0xE, s11;
	s13 =	sadd.s32 $0x0, s21;
	[tilespmem:s24+$0xFFFFFD50] =	vst v1  }
0xb0: {  	s0 =	sadd.s32 $0x100, s0;
	s8 =	sshll.u32 s13, $0x3;
	s1 =	sshra.s32 s1, $0x2;
	[tilespmem:v0+s25+$0x2DC0 ss:$0x1] =	vst.idx.msk $0xffff, v2;
	v1 =	vld [tilespmem:s7+$0x8CD]  }
0xb1: {  	s14 =	sshll.u32 s4, $0x7;
	s8 =	ssub.s32 s31, s8;
	s26 =	sadd.s32 s1, s0;
	v2 =	vld [tilespmem:s23+$0xCCE]  }
0xb2: {  	s30 =	sadd.s32 s14, s8;
	v3 =	vld [tilespmem:s26+$0x87F]  }
0xb3: {  	v4 =	vld [tilespmem:s30+$0xC80];
	_ =	sdelay $0x1  }
0xb4: {  	[tilespmem:s24+$0xFFFFFD60] =	vst v1  }
0xb5: {  	s4 =	sshll.u32 s4, $0xA;
	s15 =	simm.s32 $0x0;
	s28 =	sadd.s32 $0x800, s24;
	[tilespmem:v0+s25+$0x2DD0 ss:$0x1] =	vst.idx.msk $0xffff, v2;
	v1 =	vld [tilespmem:s7+$0x8DD]  }
0xb6: {  	s29 =	sor.u32 s4, s15;
	[tilespmem:s28+$0xFFFFFC10] =	vst v3;
	v2 =	vld [tilespmem:s23+$0xCDE]  }
0xb7: {  	[tilespmem:v0+s29+$0x2C80 ss:$0x1] =	vst.idx.msk $0xffff, v4;
	v3 =	vld [tilespmem:s26+$0x88F]  }
0xb8: {  	v4 =	vld [tilespmem:s30+$0xC90];
	_ =	sdelay $0x1  }
0xb9: {  	[tilespmem:s24+$0xFFFFFD70] =	vst v1  }
0xba: {  	[tilespmem:v0+s25+$0x2DE0 ss:$0x1] =	vst.idx.msk $0xffff, v2;
	v1 =	vld [tilespmem:s7+$0x8ED]  }
0xbb: {  	[tilespmem:s28+$0xFFFFFC20] =	vst v3;
	v2 =	vld [tilespmem:s23+$0xCEE]  }
0xbc: {  	[tilespmem:v0+s29+$0x2C90 ss:$0x1] =	vst.idx.msk $0xffff, v4;
	v3 =	vld [tilespmem:s26+$0x89F]  }
0xbd: {  	v4 =	vld [tilespmem:s30+$0xCA0];
	_ =	sdelay $0x1  }
0xbe: {  	[tilespmem:s24+$0xFFFFFD80] =	vst v1  }
0xbf: {  	[tilespmem:v0+s25+$0x2DF0 ss:$0x1] =	vst.idx.msk $0xffff, v2;
	v1 =	vld [tilespmem:s7+$0x87C]  }
0xc0: {  	[tilespmem:s28+$0xFFFFFC30] =	vst v3;
	v2 =	vld [tilespmem:s23+$0xC7D]  }
0xc1: {  	[tilespmem:v0+s29+$0x2CA0 ss:$0x1] =	vst.idx.msk $0xffff, v4;
	v3 =	vld [tilespmem:s26+$0x8AF]  }
0xc2: {  	v4 =	vld [tilespmem:s30+$0xCB0];
	_ =	sdelay $0x1  }
0xc3: {  	[tilespmem:s24+$0xFFFFFD90] =	vst v1  }
0xc4: {  	[tilespmem:v0+s25+$0x2E00 ss:$0x1] =	vst.idx.msk $0xffff, v2;
	v1 =	vld [tilespmem:s7+$0x88C]  }
0xc5: {  	[tilespmem:s28+$0xFFFFFC40] =	vst v3;
	v2 =	vld [tilespmem:s23+$0xC8D]  }
0xc6: {  	[tilespmem:v0+s29+$0x2CB0 ss:$0x1] =	vst.idx.msk $0xffff, v4;
	v3 =	vld [tilespmem:s26+$0x8BF]  }
0xc7: {  	v4 =	vld [tilespmem:s30+$0xCC0];
	_ =	sdelay $0x1  }
0xc8: {  	[tilespmem:s24+$0xFFFFFDA0] =	vst v1  }
0xc9: {  	[tilespmem:v0+s25+$0x2E10 ss:$0x1] =	vst.idx.msk $0xffff, v2;
	v1 =	vld [tilespmem:s7+$0x89C]  }
0xca: {  	[tilespmem:s28+$0xFFFFFC50] =	vst v3;
	v2 =	vld [tilespmem:s23+$0xC9D]  }
0xcb: {  	[tilespmem:v0+s29+$0x2CC0 ss:$0x1] =	vst.idx.msk $0xffff, v4;
	v3 =	vld [tilespmem:s26+$0x8CF]  }
0xcc: {  	v4 =	vld [tilespmem:s30+$0xCD0];
	_ =	sdelay $0x1  }
0xcd: {  	[tilespmem:s24+$0xFFFFFDB0] =	vst v1  }
0xce: {  	[tilespmem:v0+s25+$0x2E20 ss:$0x1] =	vst.idx.msk $0xffff, v2;
	v1 =	vld [tilespmem:s7+$0x8AC]  }
0xcf: {  	[tilespmem:s28+$0xFFFFFC60] =	vst v3;
	v2 =	vld [tilespmem:s23+$0xCAD]  }
0xd0: {  	[tilespmem:v0+s29+$0x2CD0 ss:$0x1] =	vst.idx.msk $0xffff, v4;
	v3 =	vld [tilespmem:s26+$0x8DF]  }
0xd1: {  	v4 =	vld [tilespmem:s30+$0xCE0];
	_ =	sdelay $0x1  }
0xd2: {  	[tilespmem:s24+$0xFFFFFDC0] =	vst v1  }
0xd3: {  	[tilespmem:v0+s25+$0x2E30 ss:$0x1] =	vst.idx.msk $0xffff, v2;
	v1 =	vld [tilespmem:s7+$0x8BC]  }
0xd4: {  	[tilespmem:s28+$0xFFFFFC70] =	vst v3;
	v2 =	vld [tilespmem:s23+$0xCBD]  }
0xd5: {  	[tilespmem:v0+s29+$0x2CE0 ss:$0x1] =	vst.idx.msk $0xffff, v4;
	v3 =	vld [tilespmem:s26+$0x8EF]  }
0xd6: {  	v4 =	vld [tilespmem:s30+$0xCF0];
	_ =	sdelay $0x1  }
0xd7: {  	[tilespmem:s24+$0xFFFFFDD0] =	vst v1  }
0xd8: {  	[tilespmem:v0+s25+$0x2E40 ss:$0x1] =	vst.idx.msk $0xffff, v2;
	v1 =	vld [tilespmem:s7+$0x8CC]  }
0xd9: {  	[tilespmem:s28+$0xFFFFFC80] =	vst v3;
	v2 =	vld [tilespmem:s23+$0xCCD]  }
0xda: {  	[tilespmem:v0+s29+$0x2CF0 ss:$0x1] =	vst.idx.msk $0xffff, v4;
	v3 =	vld [tilespmem:s26+$0x87E]  }
0xdb: {  	v4 =	vld [tilespmem:s30+$0xC7F];
	_ =	sdelay $0x1  }
0xdc: {  	[tilespmem:s24+$0xFFFFFDE0] =	vst v1  }
0xdd: {  	[tilespmem:v0+s25+$0x2E50 ss:$0x1] =	vst.idx.msk $0xffff, v2;
	v1 =	vld [tilespmem:s7+$0x8DC]  }
0xde: {  	[tilespmem:s28+$0xFFFFFC90] =	vst v3;
	v2 =	vld [tilespmem:s23+$0xCDD]  }
0xdf: {  	[tilespmem:v0+s29+$0x2D00 ss:$0x1] =	vst.idx.msk $0xffff, v4;
	v3 =	vld [tilespmem:s26+$0x88E]  }
0xe0: {  	v4 =	vld [tilespmem:s30+$0xC8F];
	_ =	sdelay $0x1  }
0xe1: {  	[tilespmem:s24+$0xFFFFFDF0] =	vst v1  }
0xe2: {  	[tilespmem:v0+s25+$0x2E60 ss:$0x1] =	vst.idx.msk $0xffff, v2;
	v1 =	vld [tilespmem:s7+$0x8EC]  }
0xe3: {  	[tilespmem:s28+$0xFFFFFCA0] =	vst v3;
	v2 =	vld [tilespmem:s23+$0xCED]  }
0xe4: {  	[tilespmem:v0+s29+$0x2D10 ss:$0x1] =	vst.idx.msk $0xffff, v4;
	v3 =	vld [tilespmem:s26+$0x89E]  }
0xe5: {  	v4 =	vld [tilespmem:s30+$0xC9F];
	_ =	sdelay $0x1  }
0xe6: {  	[tilespmem:s24+$0xFFFFFE00] =	vst v1  }
0xe7: {  	[tilespmem:v0+s25+$0x2E70 ss:$0x1] =	vst.idx.msk $0xffff, v2;
	v1 =	vld [tilespmem:s7+$0x87B]  }
0xe8: {  	[tilespmem:s28+$0xFFFFFCB0] =	vst v3;
	v2 =	vld [tilespmem:s23+$0xC7C]  }
0xe9: {  	[tilespmem:v0+s29+$0x2D20 ss:$0x1] =	vst.idx.msk $0xffff, v4;
	v3 =	vld [tilespmem:s26+$0x8AE]  }
0xea: {  	v4 =	vld [tilespmem:s30+$0xCAF];
	_ =	sdelay $0x1  }
0xeb: {  	[tilespmem:s24+$0xFFFFFE10] =	vst v1  }
0xec: {  	[tilespmem:v0+s25+$0x2E80 ss:$0x1] =	vst.idx.msk $0xffff, v2;
	v1 =	vld [tilespmem:s7+$0x88B]  }
0xed: {  	[tilespmem:s28+$0xFFFFFCC0] =	vst v3;
	v2 =	vld [tilespmem:s23+$0xC8C]  }
0xee: {  	[tilespmem:v0+s29+$0x2D30 ss:$0x1] =	vst.idx.msk $0xffff, v4;
	v3 =	vld [tilespmem:s26+$0x8BE]  }
0xef: {  	v4 =	vld [tilespmem:s30+$0xCBF];
	_ =	sdelay $0x1  }
0xf0: {  	[tilespmem:s24+$0xFFFFFE20] =	vst v1  }
0xf1: {  	[tilespmem:v0+s25+$0x2E90 ss:$0x1] =	vst.idx.msk $0xffff, v2;
	v1 =	vld [tilespmem:s7+$0x89B]  }
0xf2: {  	[tilespmem:s28+$0xFFFFFCD0] =	vst v3;
	v2 =	vld [tilespmem:s23+$0xC9C]  }
0xf3: {  	[tilespmem:v0+s29+$0x2D40 ss:$0x1] =	vst.idx.msk $0xffff, v4;
	v3 =	vld [tilespmem:s26+$0x8CE]  }
0xf4: {  	v4 =	vld [tilespmem:s30+$0xCCF];
	_ =	sdelay $0x1  }
0xf5: {  	[tilespmem:s24+$0xFFFFFE30] =	vst v1  }
0xf6: {  	[tilespmem:v0+s25+$0x2EA0 ss:$0x1] =	vst.idx.msk $0xffff, v2;
	v1 =	vld [tilespmem:s7+$0x8AB]  }
0xf7: {  	[tilespmem:s28+$0xFFFFFCE0] =	vst v3;
	v2 =	vld [tilespmem:s23+$0xCAC]  }
0xf8: {  	[tilespmem:v0+s29+$0x2D50 ss:$0x1] =	vst.idx.msk $0xffff, v4;
	v3 =	vld [tilespmem:s26+$0x8DE]  }
0xf9: {  	v4 =	vld [tilespmem:s30+$0xCDF];
	_ =	sdelay $0x1  }
0xfa: {  	[tilespmem:s24+$0xFFFFFE40] =	vst v1  }
0xfb: {  	[tilespmem:v0+s25+$0x2EB0 ss:$0x1] =	vst.idx.msk $0xffff, v2;
	v1 =	vld [tilespmem:s7+$0x8BB]  }
0xfc: {  	[tilespmem:s28+$0xFFFFFCF0] =	vst v3;
	v2 =	vld [tilespmem:s23+$0xCBC]  }
0xfd: {  	[tilespmem:v0+s29+$0x2D60 ss:$0x1] =	vst.idx.msk $0xffff, v4;
	v3 =	vld [tilespmem:s26+$0x8EE]  }
0xfe: {  	v4 =	vld [tilespmem:s30+$0xCEF];
	_ =	sdelay $0x1  }
0xff: {  	[tilespmem:s24+$0xFFFFFE50] =	vst v1  }
0x100: {  	[tilespmem:v0+s25+$0x2EC0 ss:$0x1] =	vst.idx.msk $0xffff, v2;
	v1 =	vld [tilespmem:s7+$0x8CB]  }
0x101: {  	[tilespmem:s28+$0xFFFFFD00] =	vst v3;
	v2 =	vld [tilespmem:s23+$0xCCC]  }
0x102: {  	[tilespmem:v0+s29+$0x2D70 ss:$0x1] =	vst.idx.msk $0xffff, v4;
	v3 =	vld [tilespmem:s26+$0x87D]  }
0x103: {  	v4 =	vld [tilespmem:s30+$0xC7E];
	_ =	sdelay $0x1  }
0x104: {  	[tilespmem:s24+$0xFFFFFE60] =	vst v1  }
0x105: {  	[tilespmem:v0+s25+$0x2ED0 ss:$0x1] =	vst.idx.msk $0xffff, v2;
	v1 =	vld [tilespmem:s7+$0x8DB]  }
0x106: {  	[tilespmem:s28+$0xFFFFFD10] =	vst v3;
	v2 =	vld [tilespmem:s23+$0xCDC]  }
0x107: {  	[tilespmem:v0+s29+$0x2D80 ss:$0x1] =	vst.idx.msk $0xffff, v4;
	v3 =	vld [tilespmem:s26+$0x88D]  }
0x108: {  	v4 =	vld [tilespmem:s30+$0xC8E];
	_ =	sdelay $0x1  }
0x109: {  	[tilespmem:s24+$0xFFFFFE70] =	vst v1  }
0x10a: {  	[tilespmem:v0+s25+$0x2EE0 ss:$0x1] =	vst.idx.msk $0xffff, v2;
	v1 =	vld [tilespmem:s7+$0x8EB]  }
0x10b: {  	[tilespmem:s28+$0xFFFFFD20] =	vst v3;
	v2 =	vld [tilespmem:s23+$0xCEC]  }
0x10c: {  	[tilespmem:v0+s29+$0x2D90 ss:$0x1] =	vst.idx.msk $0xffff, v4;
	v3 =	vld [tilespmem:s26+$0x89D]  }
0x10d: {  	v4 =	vld [tilespmem:s30+$0xC9E];
	_ =	sdelay $0x1  }
0x10e: {  	[tilespmem:s24+$0xFFFFFE80] =	vst v1  }
0x10f: {  	[tilespmem:v0+s25+$0x2EF0 ss:$0x1] =	vst.idx.msk $0xffff, v2;
	v1 =	vld [tilespmem:s7+$0x87A]  }
0x110: {  	[tilespmem:s28+$0xFFFFFD30] =	vst v3;
	v2 =	vld [tilespmem:s23+$0xC7B]  }
0x111: {  	[tilespmem:v0+s29+$0x2DA0 ss:$0x1] =	vst.idx.msk $0xffff, v4;
	v3 =	vld [tilespmem:s26+$0x8AD]  }
0x112: {  	v4 =	vld [tilespmem:s30+$0xCAE];
	_ =	sdelay $0x1  }
0x113: {  	[tilespmem:s24+$0xFFFFFE90] =	vst v1  }
0x114: {  	[tilespmem:v0+s25+$0x2F00 ss:$0x1] =	vst.idx.msk $0xffff, v2;
	v1 =	vld [tilespmem:s7+$0x88A]  }
0x115: {  	[tilespmem:s28+$0xFFFFFD40] =	vst v3;
	v2 =	vld [tilespmem:s23+$0xC8B]  }
0x116: {  	[tilespmem:v0+s29+$0x2DB0 ss:$0x1] =	vst.idx.msk $0xffff, v4;
	v3 =	vld [tilespmem:s26+$0x8BD]  }
0x117: {  	v4 =	vld [tilespmem:s30+$0xCBE];
	_ =	sdelay $0x1  }
0x118: {  	s4 =	simm.s32 $0x0;
	[tilespmem:s24+$0xFFFFFEA0] =	vst v1  }
0x119: {  	s1 =	smul.u32 $0xFFFFDFE0, s4;
	[tilespmem:v0+s25+$0x2F10 ss:$0x1] =	vst.idx.msk $0xffff, v2;
	v1 =	vld [tilespmem:s7+$0x89A]  }
0x11a: {  	s13 =	sadd.s32 $0x100, s0;
	s14 =	simm.s32 $0x4;
	s8 =	sadd.s32 $0x0, s21;
	[tilespmem:s28+$0xFFFFFD50] =	vst v3;
	v2 =	vld [tilespmem:s23+$0xC9B]  }
0x11b: {  	s9 =	sand.u32 $0xE, s14;
	s4 =	sshll.u32 s8, $0x3;
	s1 =	sshra.s32 s1, $0x2;
	[tilespmem:v0+s29+$0x2DC0 ss:$0x1] =	vst.idx.msk $0xffff, v4;
	v3 =	vld [tilespmem:s26+$0x8CD]  }
0x11c: {  	s10 =	sshll.u32 s9, $0x7;
	s4 =	ssub.s32 s31, s4;
	s1 =	sadd.s32 s1, s13;
	v4 =	vld [tilespmem:s30+$0xCCE]  }
0x11d: {  	s4 =	sadd.s32 s10, s4;
	v5 =	vld [tilespmem:s1+$0x87F]  }
0x11e: {  	v6 =	vld [tilespmem:s4+$0xC80];
	[tilespmem:s24+$0xFFFFFEB0] =	vst v1  }
0x11f: {  	[tilespmem:v0+s25+$0x2F20 ss:$0x1] =	vst.idx.msk $0xffff, v2;
	v1 =	vld [tilespmem:s7+$0x8AA]  }
0x120: {  	[tilespmem:s28+$0xFFFFFD60] =	vst v3;
	v2 =	vld [tilespmem:s23+$0xCAB]  }
0x121: {  	s11 =	simm.s32 $0x0;
	s15 =	sshll.u32 s9, $0xA;
	s0 =	sadd.s32 $0x800, s28;
	[tilespmem:v0+s29+$0x2DD0 ss:$0x1] =	vst.idx.msk $0xffff, v4;
	v3 =	vld [tilespmem:s26+$0x8DD]  }
0x122: {  	s9 =	sor.u32 s15, s11;
	[tilespmem:s0+$0xFFFFFC10] =	vst v5;
	v4 =	vld [tilespmem:s30+$0xCDE]  }
0x123: {  	[tilespmem:v0+s9+$0x2C80 ss:$0x1] =	vst.idx.msk $0xffff, v6;
	v5 =	vld [tilespmem:s1+$0x88F]  }
0x124: {  	v6 =	vld [tilespmem:s4+$0xC90];
	[tilespmem:s24+$0xFFFFFEC0] =	vst v1  }
0x125: {  	[tilespmem:v0+s25+$0x2F30 ss:$0x1] =	vst.idx.msk $0xffff, v2;
	v1 =	vld [tilespmem:s7+$0x8BA]  }
0x126: {  	[tilespmem:s28+$0xFFFFFD70] =	vst v3;
	v2 =	vld [tilespmem:s23+$0xCBB]  }
0x127: {  	[tilespmem:v0+s29+$0x2DE0 ss:$0x1] =	vst.idx.msk $0xffff, v4;
	v3 =	vld [tilespmem:s26+$0x8ED]  }
0x128: {  	[tilespmem:s0+$0xFFFFFC20] =	vst v5;
	v4 =	vld [tilespmem:s30+$0xCEE]  }
0x129: {  	[tilespmem:v0+s9+$0x2C90 ss:$0x1] =	vst.idx.msk $0xffff, v6;
	v5 =	vld [tilespmem:s1+$0x89F]  }
0x12a: {  	v6 =	vld [tilespmem:s4+$0xCA0];
	[tilespmem:s24+$0xFFFFFED0] =	vst v1  }
0x12b: {  	[tilespmem:v0+s25+$0x2F40 ss:$0x1] =	vst.idx.msk $0xffff, v2;
	v1 =	vld [tilespmem:s7+$0x8CA]  }
0x12c: {  	[tilespmem:s28+$0xFFFFFD80] =	vst v3;
	v2 =	vld [tilespmem:s23+$0xCCB]  }
0x12d: {  	[tilespmem:v0+s29+$0x2DF0 ss:$0x1] =	vst.idx.msk $0xffff, v4;
	v3 =	vld [tilespmem:s26+$0x87C]  }
0x12e: {  	[tilespmem:s0+$0xFFFFFC30] =	vst v5;
	v4 =	vld [tilespmem:s30+$0xC7D]  }
0x12f: {  	[tilespmem:v0+s9+$0x2CA0 ss:$0x1] =	vst.idx.msk $0xffff, v6;
	v5 =	vld [tilespmem:s1+$0x8AF]  }
0x130: {  	v6 =	vld [tilespmem:s4+$0xCB0];
	[tilespmem:s24+$0xFFFFFEE0] =	vst v1  }
0x131: {  	[tilespmem:v0+s25+$0x2F50 ss:$0x1] =	vst.idx.msk $0xffff, v2;
	v1 =	vld [tilespmem:s7+$0x8DA]  }
0x132: {  	[tilespmem:s28+$0xFFFFFD90] =	vst v3;
	v2 =	vld [tilespmem:s23+$0xCDB]  }
0x133: {  	[tilespmem:v0+s29+$0x2E00 ss:$0x1] =	vst.idx.msk $0xffff, v4;
	v3 =	vld [tilespmem:s26+$0x88C]  }
0x134: {  	[tilespmem:s0+$0xFFFFFC40] =	vst v5;
	v4 =	vld [tilespmem:s30+$0xC8D]  }
0x135: {  	[tilespmem:v0+s9+$0x2CB0 ss:$0x1] =	vst.idx.msk $0xffff, v6;
	v5 =	vld [tilespmem:s1+$0x8BF]  }
0x136: {  	v6 =	vld [tilespmem:s4+$0xCC0];
	[tilespmem:s24+$0xFFFFFEF0] =	vst v1  }
0x137: {  	[tilespmem:v0+s25+$0x2F60 ss:$0x1] =	vst.idx.msk $0xffff, v2;
	v1 =	vld [tilespmem:s7+$0x8EA]  }
0x138: {  	[tilespmem:s28+$0xFFFFFDA0] =	vst v3;
	v2 =	vld [tilespmem:s23+$0xCEB]  }
0x139: {  	[tilespmem:v0+s29+$0x2E10 ss:$0x1] =	vst.idx.msk $0xffff, v4;
	v3 =	vld [tilespmem:s26+$0x89C]  }
0x13a: {  	[tilespmem:s0+$0xFFFFFC50] =	vst v5;
	v4 =	vld [tilespmem:s30+$0xC9D]  }
0x13b: {  	[tilespmem:v0+s9+$0x2CC0 ss:$0x1] =	vst.idx.msk $0xffff, v6;
	v5 =	vld [tilespmem:s1+$0x8CF]  }
0x13c: {  	v6 =	vld [tilespmem:s4+$0xCD0];
	[tilespmem:s24+$0xFFFFFF00] =	vst v1  }
0x13d: {  	[tilespmem:v0+s25+$0x2F70 ss:$0x1] =	vst.idx.msk $0xffff, v2;
	v1 =	vld [tilespmem:s7+$0x879]  }
0x13e: {  	[tilespmem:s28+$0xFFFFFDB0] =	vst v3;
	v2 =	vld [tilespmem:s23+$0xC7A]  }
0x13f: {  	[tilespmem:v0+s29+$0x2E20 ss:$0x1] =	vst.idx.msk $0xffff, v4;
	v3 =	vld [tilespmem:s26+$0x8AC]  }
0x140: {  	[tilespmem:s0+$0xFFFFFC60] =	vst v5;
	v4 =	vld [tilespmem:s30+$0xCAD]  }
0x141: {  	[tilespmem:v0+s9+$0x2CD0 ss:$0x1] =	vst.idx.msk $0xffff, v6;
	v5 =	vld [tilespmem:s1+$0x8DF]  }
0x142: {  	v6 =	vld [tilespmem:s4+$0xCE0];
	[tilespmem:s24+$0xFFFFFF10] =	vst v1  }
0x143: {  	[tilespmem:v0+s25+$0x2F80 ss:$0x1] =	vst.idx.msk $0xffff, v2;
	v1 =	vld [tilespmem:s7+$0x889]  }
0x144: {  	[tilespmem:s28+$0xFFFFFDC0] =	vst v3;
	v2 =	vld [tilespmem:s23+$0xC8A]  }
0x145: {  	[tilespmem:v0+s29+$0x2E30 ss:$0x1] =	vst.idx.msk $0xffff, v4;
	v3 =	vld [tilespmem:s26+$0x8BC]  }
0x146: {  	[tilespmem:s0+$0xFFFFFC70] =	vst v5;
	v4 =	vld [tilespmem:s30+$0xCBD]  }
0x147: {  	[tilespmem:v0+s9+$0x2CE0 ss:$0x1] =	vst.idx.msk $0xffff, v6;
	v5 =	vld [tilespmem:s1+$0x8EF]  }
0x148: {  	v6 =	vld [tilespmem:s4+$0xCF0];
	[tilespmem:s24+$0xFFFFFF20] =	vst v1  }
0x149: {  	[tilespmem:v0+s25+$0x2F90 ss:$0x1] =	vst.idx.msk $0xffff, v2;
	v1 =	vld [tilespmem:s7+$0x899]  }
0x14a: {  	[tilespmem:s28+$0xFFFFFDD0] =	vst v3;
	v2 =	vld [tilespmem:s23+$0xC9A]  }
0x14b: {  	[tilespmem:v0+s29+$0x2E40 ss:$0x1] =	vst.idx.msk $0xffff, v4;
	v3 =	vld [tilespmem:s26+$0x8CC]  }
0x14c: {  	[tilespmem:s0+$0xFFFFFC80] =	vst v5;
	v4 =	vld [tilespmem:s30+$0xCCD]  }
0x14d: {  	[tilespmem:v0+s9+$0x2CF0 ss:$0x1] =	vst.idx.msk $0xffff, v6;
	v5 =	vld [tilespmem:s1+$0x87E]  }
0x14e: {  	v6 =	vld [tilespmem:s4+$0xC7F];
	[tilespmem:s24+$0xFFFFFF30] =	vst v1  }
0x14f: {  	[tilespmem:v0+s25+$0x2FA0 ss:$0x1] =	vst.idx.msk $0xffff, v2;
	v1 =	vld [tilespmem:s7+$0x8A9]  }
0x150: {  	[tilespmem:s28+$0xFFFFFDE0] =	vst v3;
	v2 =	vld [tilespmem:s23+$0xCAA]  }
0x151: {  	[tilespmem:v0+s29+$0x2E50 ss:$0x1] =	vst.idx.msk $0xffff, v4;
	v3 =	vld [tilespmem:s26+$0x8DC]  }
0x152: {  	[tilespmem:s0+$0xFFFFFC90] =	vst v5;
	v4 =	vld [tilespmem:s30+$0xCDD]  }
0x153: {  	[tilespmem:v0+s9+$0x2D00 ss:$0x1] =	vst.idx.msk $0xffff, v6;
	v5 =	vld [tilespmem:s1+$0x88E]  }
0x154: {  	v6 =	vld [tilespmem:s4+$0xC8F];
	[tilespmem:s24+$0xFFFFFF40] =	vst v1  }
0x155: {  	[tilespmem:v0+s25+$0x2FB0 ss:$0x1] =	vst.idx.msk $0xffff, v2;
	v1 =	vld [tilespmem:s7+$0x8B9]  }
0x156: {  	[tilespmem:s28+$0xFFFFFDF0] =	vst v3;
	v2 =	vld [tilespmem:s23+$0xCBA]  }
0x157: {  	[tilespmem:v0+s29+$0x2E60 ss:$0x1] =	vst.idx.msk $0xffff, v4;
	v3 =	vld [tilespmem:s26+$0x8EC]  }
0x158: {  	[tilespmem:s0+$0xFFFFFCA0] =	vst v5;
	v4 =	vld [tilespmem:s30+$0xCED]  }
0x159: {  	[tilespmem:v0+s9+$0x2D10 ss:$0x1] =	vst.idx.msk $0xffff, v6;
	v5 =	vld [tilespmem:s1+$0x89E]  }
0x15a: {  	v6 =	vld [tilespmem:s4+$0xC9F];
	[tilespmem:s24+$0xFFFFFF50] =	vst v1  }
0x15b: {  	[tilespmem:v0+s25+$0x2FC0 ss:$0x1] =	vst.idx.msk $0xffff, v2;
	v1 =	vld [tilespmem:s7+$0x8C9]  }
0x15c: {  	[tilespmem:s28+$0xFFFFFE00] =	vst v3;
	v2 =	vld [tilespmem:s23+$0xCCA]  }
0x15d: {  	[tilespmem:v0+s29+$0x2E70 ss:$0x1] =	vst.idx.msk $0xffff, v4;
	v3 =	vld [tilespmem:s26+$0x87B]  }
0x15e: {  	[tilespmem:s0+$0xFFFFFCB0] =	vst v5;
	v4 =	vld [tilespmem:s30+$0xC7C]  }
0x15f: {  	[tilespmem:v0+s9+$0x2D20 ss:$0x1] =	vst.idx.msk $0xffff, v6;
	v5 =	vld [tilespmem:s1+$0x8AE]  }
0x160: {  	v6 =	vld [tilespmem:s4+$0xCAF];
	[tilespmem:s24+$0xFFFFFF60] =	vst v1  }
0x161: {  	[tilespmem:v0+s25+$0x2FD0 ss:$0x1] =	vst.idx.msk $0xffff, v2;
	v1 =	vld [tilespmem:s7+$0x8D9]  }
0x162: {  	[tilespmem:s28+$0xFFFFFE10] =	vst v3;
	v2 =	vld [tilespmem:s23+$0xCDA]  }
0x163: {  	[tilespmem:v0+s29+$0x2E80 ss:$0x1] =	vst.idx.msk $0xffff, v4;
	v3 =	vld [tilespmem:s26+$0x88B]  }
0x164: {  	[tilespmem:s0+$0xFFFFFCC0] =	vst v5;
	v4 =	vld [tilespmem:s30+$0xC8C]  }
0x165: {  	[tilespmem:v0+s9+$0x2D30 ss:$0x1] =	vst.idx.msk $0xffff, v6;
	v5 =	vld [tilespmem:s1+$0x8BE]  }
0x166: {  	v6 =	vld [tilespmem:s4+$0xCBF];
	[tilespmem:s24+$0xFFFFFF70] =	vst v1  }
0x167: {  	[tilespmem:v0+s25+$0x2FE0 ss:$0x1] =	vst.idx.msk $0xffff, v2;
	v1 =	vld [tilespmem:s7+$0x8E9]  }
0x168: {  	[tilespmem:s28+$0xFFFFFE20] =	vst v3;
	v2 =	vld [tilespmem:s23+$0xCEA]  }
0x169: {  	[tilespmem:v0+s29+$0x2E90 ss:$0x1] =	vst.idx.msk $0xffff, v4;
	v3 =	vld [tilespmem:s26+$0x89B]  }
0x16a: {  	[tilespmem:s0+$0xFFFFFCD0] =	vst v5;
	v4 =	vld [tilespmem:s30+$0xC9C]  }
0x16b: {  	[tilespmem:v0+s9+$0x2D40 ss:$0x1] =	vst.idx.msk $0xffff, v6;
	v5 =	vld [tilespmem:s1+$0x8CE]  }
0x16c: {  	v6 =	vld [tilespmem:s4+$0xCCF];
	[tilespmem:s24+$0xFFFFFF80] =	vst v1  }
0x16d: {  	[tilespmem:v0+s25+$0x2FF0 ss:$0x1] =	vst.idx.msk $0xffff, v2;
	v1 =	vld [tilespmem:s7+$0x878]  }
0x16e: {  	[tilespmem:s28+$0xFFFFFE30] =	vst v3;
	v2 =	vld [tilespmem:s23+$0xC79]  }
0x16f: {  	[tilespmem:v0+s29+$0x2EA0 ss:$0x1] =	vst.idx.msk $0xffff, v4;
	v3 =	vld [tilespmem:s26+$0x8AB]  }
0x170: {  	[tilespmem:s0+$0xFFFFFCE0] =	vst v5;
	v4 =	vld [tilespmem:s30+$0xCAC]  }
0x171: {  	[tilespmem:v0+s9+$0x2D50 ss:$0x1] =	vst.idx.msk $0xffff, v6;
	v5 =	vld [tilespmem:s1+$0x8DE]  }
0x172: {  	v6 =	vld [tilespmem:s4+$0xCDF];
	[tilespmem:s24+$0xFFFFFF90] =	vst v1  }
0x173: {  	[tilespmem:v0+s25+$0x3000 ss:$0x1] =	vst.idx.msk $0xffff, v2;
	v1 =	vld [tilespmem:s7+$0x888]  }
0x174: {  	[tilespmem:s28+$0xFFFFFE40] =	vst v3;
	v2 =	vld [tilespmem:s23+$0xC89]  }
0x175: {  	[tilespmem:v0+s29+$0x2EB0 ss:$0x1] =	vst.idx.msk $0xffff, v4;
	v3 =	vld [tilespmem:s26+$0x8BB]  }
0x176: {  	[tilespmem:s0+$0xFFFFFCF0] =	vst v5;
	v4 =	vld [tilespmem:s30+$0xCBC]  }
0x177: {  	[tilespmem:v0+s9+$0x2D60 ss:$0x1] =	vst.idx.msk $0xffff, v6;
	v5 =	vld [tilespmem:s1+$0x8EE]  }
0x178: {  	v6 =	vld [tilespmem:s4+$0xCEF];
	[tilespmem:s24+$0xFFFFFFA0] =	vst v1  }
0x179: {  	[tilespmem:v0+s25+$0x3010 ss:$0x1] =	vst.idx.msk $0xffff, v2;
	v1 =	vld [tilespmem:s7+$0x898]  }
0x17a: {  	[tilespmem:s28+$0xFFFFFE50] =	vst v3;
	v2 =	vld [tilespmem:s23+$0xC99]  }
0x17b: {  	[tilespmem:v0+s29+$0x2EC0 ss:$0x1] =	vst.idx.msk $0xffff, v4;
	v3 =	vld [tilespmem:s26+$0x8CB]  }
0x17c: {  	[tilespmem:s0+$0xFFFFFD00] =	vst v5;
	v4 =	vld [tilespmem:s30+$0xCCC]  }
0x17d: {  	[tilespmem:v0+s9+$0x2D70 ss:$0x1] =	vst.idx.msk $0xffff, v6;
	v5 =	vld [tilespmem:s1+$0x87D]  }
0x17e: {  	v6 =	vld [tilespmem:s4+$0xC7E];
	[tilespmem:s24+$0xFFFFFFB0] =	vst v1  }
0x17f: {  	[tilespmem:v0+s25+$0x3020 ss:$0x1] =	vst.idx.msk $0xffff, v2;
	v1 =	vld [tilespmem:s7+$0x8A8]  }
0x180: {  	[tilespmem:s28+$0xFFFFFE60] =	vst v3;
	v2 =	vld [tilespmem:s23+$0xCA9]  }
0x181: {  	[tilespmem:v0+s29+$0x2ED0 ss:$0x1] =	vst.idx.msk $0xffff, v4;
	v3 =	vld [tilespmem:s26+$0x8DB]  }
0x182: {  	[tilespmem:s0+$0xFFFFFD10] =	vst v5;
	v4 =	vld [tilespmem:s30+$0xCDC]  }
0x183: {  	[tilespmem:v0+s9+$0x2D80 ss:$0x1] =	vst.idx.msk $0xffff, v6;
	v5 =	vld [tilespmem:s1+$0x88D]  }
0x184: {  	v6 =	vld [tilespmem:s4+$0xC8E];
	[tilespmem:s24+$0xFFFFFFC0] =	vst v1  }
0x185: {  	[tilespmem:v0+s25+$0x3030 ss:$0x1] =	vst.idx.msk $0xffff, v2;
	v1 =	vld [tilespmem:s7+$0x8B8]  }
0x186: {  	[tilespmem:s28+$0xFFFFFE70] =	vst v3;
	v2 =	vld [tilespmem:s23+$0xCB9]  }
0x187: {  	[tilespmem:v0+s29+$0x2EE0 ss:$0x1] =	vst.idx.msk $0xffff, v4;
	v3 =	vld [tilespmem:s26+$0x8EB]  }
0x188: {  	[tilespmem:s0+$0xFFFFFD20] =	vst v5;
	v4 =	vld [tilespmem:s30+$0xCEC]  }
0x189: {  	[tilespmem:v0+s9+$0x2D90 ss:$0x1] =	vst.idx.msk $0xffff, v6;
	v5 =	vld [tilespmem:s1+$0x89D]  }
0x18a: {  	v6 =	vld [tilespmem:s4+$0xC9E];
	[tilespmem:s24+$0xFFFFFFD0] =	vst v1  }
0x18b: {  	[tilespmem:v0+s25+$0x3040 ss:$0x1] =	vst.idx.msk $0xffff, v2;
	v1 =	vld [tilespmem:s7+$0x8C8]  }
0x18c: {  	[tilespmem:s28+$0xFFFFFE80] =	vst v3;
	v2 =	vld [tilespmem:s23+$0xCC9]  }
0x18d: {  	[tilespmem:v0+s29+$0x2EF0 ss:$0x1] =	vst.idx.msk $0xffff, v4;
	v3 =	vld [tilespmem:s26+$0x87A]  }
0x18e: {  	[tilespmem:s0+$0xFFFFFD30] =	vst v5;
	v4 =	vld [tilespmem:s30+$0xC7B]  }
0x18f: {  	[tilespmem:v0+s9+$0x2DA0 ss:$0x1] =	vst.idx.msk $0xffff, v6;
	v5 =	vld [tilespmem:s1+$0x8AD]  }
0x190: {  	v6 =	vld [tilespmem:s4+$0xCAE];
	[tilespmem:s24+$0xFFFFFFE0] =	vst v1  }
0x191: {  	[tilespmem:v0+s25+$0x3050 ss:$0x1] =	vst.idx.msk $0xffff, v2;
	v1 =	vld [tilespmem:s7+$0x8D8]  }
0x192: {  	[tilespmem:s28+$0xFFFFFE90] =	vst v3;
	v7 =	vld [tilespmem:s23+$0xCD9]  }
0x193: {  	[tilespmem:v0+s29+$0x2F00 ss:$0x1] =	vst.idx.msk $0xffff, v4;
	v3 =	vld [tilespmem:s26+$0x88A]  }
0x194: {  	[tilespmem:s0+$0xFFFFFD40] =	vst v5;
	v2 =	vld [tilespmem:s30+$0xC8B]  }
0x195: {  	[tilespmem:v0+s9+$0x2DB0 ss:$0x1] =	vst.idx.msk $0xffff, v6;
	v5 =	vld [tilespmem:s1+$0x8BD]  }
0x196: {  	v4 =	vld [tilespmem:s4+$0xCBE];
	[tilespmem:s24+$0xFFFFFFF0] =	vst v1  }
0x197: {  	s8 =	simm.s32 $0x6;
	[tilespmem:v0+s25+$0x3060 ss:$0x1] =	vst.idx.msk $0xffff, v7;
	v1 =	vld [tilespmem:s7+$0x8E8]  }
.LBB2_11:
0x198: {  	s14 =	sadd.s32 $0x2, s14;
	s7 =	sshrl.u32 s8, $0x4;
	[tilespmem:s28+$0xFFFFFEA0] =	vst v3;
	v3 =	vld [tilespmem:s23+$0xCE9];
	s23 =	smov.u32 s30  }
0x199: {  	s7 =	smul.u32 $0xFFFFDFE0, s7;
	s15 =	sshrl.u32 s14, $0x4;
	p1 =	slt.u32 s14, $0x1E;
	[tilespmem:v0+s29+$0x2F10 ss:$0x1] =	vst.idx.msk $0xffff, v2;
	v2 =	vld [tilespmem:s26+$0x89A]  }
0x19a: {  	s13 =	sadd.s32 $0x100, s13;
	s30 =	smov.u32 s4;
	s10 =	sadd.s32 s21, s15;
	[tilespmem:s0+$0xFFFFFD50] =	vst v5;
	v5 =	vld [tilespmem:s23+$0xC9B]  }
0x19b: {  	s11 =	sand.u32 $0xE, s14;
	s4 =	sshll.u32 s10, $0x3;
	s7 =	sshra.s32 s7, $0x2;
	[tilespmem:v0+s9+$0x2DC0 ss:$0x1] =	vst.idx.msk $0xffff, v4;
	v4 =	vld [tilespmem:s1+$0x8CD]  }
0x19c: {  	s10 =	sshll.u32 s11, $0x7;
	s4 =	ssub.s32 s31, s4;
	s7 =	sadd.s32 s7, s13;
	v6 =	vld [tilespmem:s30+$0xCCE];
	[tilespmem:s24+$0x0] =	vst v1  }
0x19d: {  	s24 =	smov.u32 s28;
	s28 =	smov.u32 s0;
	s4 =	sadd.s32 s10, s4;
	v1 =	vld [tilespmem:s7+$0x87F];
	[tilespmem:v0+s25+$0x3070 ss:$0x1] =	vst.idx.msk $0xffff, v3  }
0x19e: {  	s25 =	smov.u32 s29;
	s29 =	smov.u32 s9;
	v3 =	vld [tilespmem:s4+$0xC80];
	[tilespmem:s24+$0xFFFFFEB0] =	vst v2  }
0x19f: {  	[tilespmem:v0+s25+$0x2F20 ss:$0x1] =	vst.idx.msk $0xffff, v5;
	v2 =	vld [tilespmem:s26+$0x8AA]  }
0x1a0: {  	[tilespmem:s0+$0xFFFFFD60] =	vst v4;
	v4 =	vld [tilespmem:s23+$0xCAB]  }
0x1a1: {  	s9 =	sshll.u32 s15, $0xE;
	s10 =	sshll.u32 s11, $0xA;
	s0 =	sadd.s32 $0x800, s0;
	[tilespmem:v0+s29+$0x2DD0 ss:$0x1] =	vst.idx.msk $0xffff, v6;
	v5 =	vld [tilespmem:s1+$0x8DD]  }
0x1a2: {  	s9 =	sor.u32 s10, s9;
	[tilespmem:s0+$0xFFFFFC10] =	vst v1;
	v1 =	vld [tilespmem:s30+$0xCDE]  }
0x1a3: {  	[tilespmem:v0+s9+$0x2C80 ss:$0x1] =	vst.idx.msk $0xffff, v3;
	v3 =	vld [tilespmem:s7+$0x88F]  }
0x1a4: {  	v6 =	vld [tilespmem:s4+$0xC90];
	[tilespmem:s24+$0xFFFFFEC0] =	vst v2  }
0x1a5: {  	[tilespmem:v0+s25+$0x2F30 ss:$0x1] =	vst.idx.msk $0xffff, v4;
	v2 =	vld [tilespmem:s26+$0x8BA]  }
0x1a6: {  	[tilespmem:s28+$0xFFFFFD70] =	vst v5;
	v4 =	vld [tilespmem:s23+$0xCBB]  }
0x1a7: {  	[tilespmem:v0+s29+$0x2DE0 ss:$0x1] =	vst.idx.msk $0xffff, v1;
	v1 =	vld [tilespmem:s1+$0x8ED]  }
0x1a8: {  	[tilespmem:s0+$0xFFFFFC20] =	vst v3;
	v3 =	vld [tilespmem:s30+$0xCEE]  }
0x1a9: {  	[tilespmem:v0+s9+$0x2C90 ss:$0x1] =	vst.idx.msk $0xffff, v6;
	v5 =	vld [tilespmem:s7+$0x89F]  }
0x1aa: {  	v6 =	vld [tilespmem:s4+$0xCA0];
	[tilespmem:s24+$0xFFFFFED0] =	vst v2  }
0x1ab: {  	[tilespmem:v0+s25+$0x2F40 ss:$0x1] =	vst.idx.msk $0xffff, v4;
	v2 =	vld [tilespmem:s26+$0x8CA]  }
0x1ac: {  	[tilespmem:s28+$0xFFFFFD80] =	vst v1;
	v1 =	vld [tilespmem:s23+$0xCCB]  }
0x1ad: {  	[tilespmem:v0+s29+$0x2DF0 ss:$0x1] =	vst.idx.msk $0xffff, v3;
	v3 =	vld [tilespmem:s1+$0x87C]  }
0x1ae: {  	[tilespmem:s0+$0xFFFFFC30] =	vst v5;
	v4 =	vld [tilespmem:s30+$0xC7D]  }
0x1af: {  	[tilespmem:v0+s9+$0x2CA0 ss:$0x1] =	vst.idx.msk $0xffff, v6;
	v5 =	vld [tilespmem:s7+$0x8AF]  }
0x1b0: {  	v6 =	vld [tilespmem:s4+$0xCB0];
	[tilespmem:s24+$0xFFFFFEE0] =	vst v2  }
0x1b1: {  	[tilespmem:v0+s25+$0x2F50 ss:$0x1] =	vst.idx.msk $0xffff, v1;
	v1 =	vld [tilespmem:s26+$0x8DA]  }
0x1b2: {  	[tilespmem:s28+$0xFFFFFD90] =	vst v3;
	v2 =	vld [tilespmem:s23+$0xCDB]  }
0x1b3: {  	[tilespmem:v0+s29+$0x2E00 ss:$0x1] =	vst.idx.msk $0xffff, v4;
	v3 =	vld [tilespmem:s1+$0x88C]  }
0x1b4: {  	[tilespmem:s0+$0xFFFFFC40] =	vst v5;
	v4 =	vld [tilespmem:s30+$0xC8D]  }
0x1b5: {  	[tilespmem:v0+s9+$0x2CB0 ss:$0x1] =	vst.idx.msk $0xffff, v6;
	v5 =	vld [tilespmem:s7+$0x8BF]  }
0x1b6: {  	v6 =	vld [tilespmem:s4+$0xCC0];
	[tilespmem:s24+$0xFFFFFEF0] =	vst v1  }
0x1b7: {  	[tilespmem:v0+s25+$0x2F60 ss:$0x1] =	vst.idx.msk $0xffff, v2;
	v1 =	vld [tilespmem:s26+$0x8EA]  }
0x1b8: {  	[tilespmem:s28+$0xFFFFFDA0] =	vst v3;
	v2 =	vld [tilespmem:s23+$0xCEB]  }
0x1b9: {  	[tilespmem:v0+s29+$0x2E10 ss:$0x1] =	vst.idx.msk $0xffff, v4;
	v3 =	vld [tilespmem:s1+$0x89C]  }
0x1ba: {  	[tilespmem:s0+$0xFFFFFC50] =	vst v5;
	v4 =	vld [tilespmem:s30+$0xC9D]  }
0x1bb: {  	[tilespmem:v0+s9+$0x2CC0 ss:$0x1] =	vst.idx.msk $0xffff, v6;
	v5 =	vld [tilespmem:s7+$0x8CF]  }
0x1bc: {  	v6 =	vld [tilespmem:s4+$0xCD0];
	[tilespmem:s24+$0xFFFFFF00] =	vst v1  }
0x1bd: {  	[tilespmem:v0+s25+$0x2F70 ss:$0x1] =	vst.idx.msk $0xffff, v2;
	v1 =	vld [tilespmem:s26+$0x879]  }
0x1be: {  	[tilespmem:s28+$0xFFFFFDB0] =	vst v3;
	v2 =	vld [tilespmem:s23+$0xC7A]  }
0x1bf: {  	[tilespmem:v0+s29+$0x2E20 ss:$0x1] =	vst.idx.msk $0xffff, v4;
	v3 =	vld [tilespmem:s1+$0x8AC]  }
0x1c0: {  	[tilespmem:s0+$0xFFFFFC60] =	vst v5;
	v4 =	vld [tilespmem:s30+$0xCAD]  }
0x1c1: {  	[tilespmem:v0+s9+$0x2CD0 ss:$0x1] =	vst.idx.msk $0xffff, v6;
	v5 =	vld [tilespmem:s7+$0x8DF]  }
0x1c2: {  	v6 =	vld [tilespmem:s4+$0xCE0];
	[tilespmem:s24+$0xFFFFFF10] =	vst v1  }
0x1c3: {  	[tilespmem:v0+s25+$0x2F80 ss:$0x1] =	vst.idx.msk $0xffff, v2;
	v1 =	vld [tilespmem:s26+$0x889]  }
0x1c4: {  	[tilespmem:s28+$0xFFFFFDC0] =	vst v3;
	v2 =	vld [tilespmem:s23+$0xC8A]  }
0x1c5: {  	[tilespmem:v0+s29+$0x2E30 ss:$0x1] =	vst.idx.msk $0xffff, v4;
	v3 =	vld [tilespmem:s1+$0x8BC]  }
0x1c6: {  	[tilespmem:s0+$0xFFFFFC70] =	vst v5;
	v4 =	vld [tilespmem:s30+$0xCBD]  }
0x1c7: {  	[tilespmem:v0+s9+$0x2CE0 ss:$0x1] =	vst.idx.msk $0xffff, v6;
	v5 =	vld [tilespmem:s7+$0x8EF]  }
0x1c8: {  	v6 =	vld [tilespmem:s4+$0xCF0];
	[tilespmem:s24+$0xFFFFFF20] =	vst v1  }
0x1c9: {  	[tilespmem:v0+s25+$0x2F90 ss:$0x1] =	vst.idx.msk $0xffff, v2;
	v1 =	vld [tilespmem:s26+$0x899]  }
0x1ca: {  	[tilespmem:s28+$0xFFFFFDD0] =	vst v3;
	v2 =	vld [tilespmem:s23+$0xC9A]  }
0x1cb: {  	[tilespmem:v0+s29+$0x2E40 ss:$0x1] =	vst.idx.msk $0xffff, v4;
	v3 =	vld [tilespmem:s1+$0x8CC]  }
0x1cc: {  	[tilespmem:s0+$0xFFFFFC80] =	vst v5;
	v4 =	vld [tilespmem:s30+$0xCCD]  }
0x1cd: {  	[tilespmem:v0+s9+$0x2CF0 ss:$0x1] =	vst.idx.msk $0xffff, v6;
	v5 =	vld [tilespmem:s7+$0x87E]  }
0x1ce: {  	v6 =	vld [tilespmem:s4+$0xC7F];
	[tilespmem:s24+$0xFFFFFF30] =	vst v1  }
0x1cf: {  	[tilespmem:v0+s25+$0x2FA0 ss:$0x1] =	vst.idx.msk $0xffff, v2;
	v1 =	vld [tilespmem:s26+$0x8A9]  }
0x1d0: {  	[tilespmem:s28+$0xFFFFFDE0] =	vst v3;
	v2 =	vld [tilespmem:s23+$0xCAA]  }
0x1d1: {  	[tilespmem:v0+s29+$0x2E50 ss:$0x1] =	vst.idx.msk $0xffff, v4;
	v3 =	vld [tilespmem:s1+$0x8DC]  }
0x1d2: {  	[tilespmem:s0+$0xFFFFFC90] =	vst v5;
	v4 =	vld [tilespmem:s30+$0xCDD]  }
0x1d3: {  	[tilespmem:v0+s9+$0x2D00 ss:$0x1] =	vst.idx.msk $0xffff, v6;
	v5 =	vld [tilespmem:s7+$0x88E]  }
0x1d4: {  	v6 =	vld [tilespmem:s4+$0xC8F];
	[tilespmem:s24+$0xFFFFFF40] =	vst v1  }
0x1d5: {  	[tilespmem:v0+s25+$0x2FB0 ss:$0x1] =	vst.idx.msk $0xffff, v2;
	v1 =	vld [tilespmem:s26+$0x8B9]  }
0x1d6: {  	[tilespmem:s28+$0xFFFFFDF0] =	vst v3;
	v2 =	vld [tilespmem:s23+$0xCBA]  }
0x1d7: {  	[tilespmem:v0+s29+$0x2E60 ss:$0x1] =	vst.idx.msk $0xffff, v4;
	v3 =	vld [tilespmem:s1+$0x8EC]  }
0x1d8: {  	[tilespmem:s0+$0xFFFFFCA0] =	vst v5;
	v4 =	vld [tilespmem:s30+$0xCED]  }
0x1d9: {  	[tilespmem:v0+s9+$0x2D10 ss:$0x1] =	vst.idx.msk $0xffff, v6;
	v5 =	vld [tilespmem:s7+$0x89E]  }
0x1da: {  	v6 =	vld [tilespmem:s4+$0xC9F];
	[tilespmem:s24+$0xFFFFFF50] =	vst v1  }
0x1db: {  	[tilespmem:v0+s25+$0x2FC0 ss:$0x1] =	vst.idx.msk $0xffff, v2;
	v1 =	vld [tilespmem:s26+$0x8C9]  }
0x1dc: {  	[tilespmem:s28+$0xFFFFFE00] =	vst v3;
	v2 =	vld [tilespmem:s23+$0xCCA]  }
0x1dd: {  	[tilespmem:v0+s29+$0x2E70 ss:$0x1] =	vst.idx.msk $0xffff, v4;
	v3 =	vld [tilespmem:s1+$0x87B]  }
0x1de: {  	[tilespmem:s0+$0xFFFFFCB0] =	vst v5;
	v4 =	vld [tilespmem:s30+$0xC7C]  }
0x1df: {  	[tilespmem:v0+s9+$0x2D20 ss:$0x1] =	vst.idx.msk $0xffff, v6;
	v5 =	vld [tilespmem:s7+$0x8AE]  }
0x1e0: {  	v6 =	vld [tilespmem:s4+$0xCAF];
	[tilespmem:s24+$0xFFFFFF60] =	vst v1  }
0x1e1: {  	[tilespmem:v0+s25+$0x2FD0 ss:$0x1] =	vst.idx.msk $0xffff, v2;
	v1 =	vld [tilespmem:s26+$0x8D9]  }
0x1e2: {  	[tilespmem:s28+$0xFFFFFE10] =	vst v3;
	v2 =	vld [tilespmem:s23+$0xCDA]  }
0x1e3: {  	[tilespmem:v0+s29+$0x2E80 ss:$0x1] =	vst.idx.msk $0xffff, v4;
	v3 =	vld [tilespmem:s1+$0x88B]  }
0x1e4: {  	[tilespmem:s0+$0xFFFFFCC0] =	vst v5;
	v4 =	vld [tilespmem:s30+$0xC8C]  }
0x1e5: {  	[tilespmem:v0+s9+$0x2D30 ss:$0x1] =	vst.idx.msk $0xffff, v6;
	v5 =	vld [tilespmem:s7+$0x8BE]  }
0x1e6: {  	v6 =	vld [tilespmem:s4+$0xCBF];
	[tilespmem:s24+$0xFFFFFF70] =	vst v1  }
0x1e7: {  	[tilespmem:v0+s25+$0x2FE0 ss:$0x1] =	vst.idx.msk $0xffff, v2;
	v1 =	vld [tilespmem:s26+$0x8E9]  }
0x1e8: {  	[tilespmem:s28+$0xFFFFFE20] =	vst v3;
	v2 =	vld [tilespmem:s23+$0xCEA]  }
0x1e9: {  	[tilespmem:v0+s29+$0x2E90 ss:$0x1] =	vst.idx.msk $0xffff, v4;
	v3 =	vld [tilespmem:s1+$0x89B]  }
0x1ea: {  	[tilespmem:s0+$0xFFFFFCD0] =	vst v5;
	v4 =	vld [tilespmem:s30+$0xC9C]  }
0x1eb: {  	[tilespmem:v0+s9+$0x2D40 ss:$0x1] =	vst.idx.msk $0xffff, v6;
	v5 =	vld [tilespmem:s7+$0x8CE]  }
0x1ec: {  	v6 =	vld [tilespmem:s4+$0xCCF];
	[tilespmem:s24+$0xFFFFFF80] =	vst v1  }
0x1ed: {  	[tilespmem:v0+s25+$0x2FF0 ss:$0x1] =	vst.idx.msk $0xffff, v2;
	v1 =	vld [tilespmem:s26+$0x878]  }
0x1ee: {  	[tilespmem:s28+$0xFFFFFE30] =	vst v3;
	v2 =	vld [tilespmem:s23+$0xC79]  }
0x1ef: {  	[tilespmem:v0+s29+$0x2EA0 ss:$0x1] =	vst.idx.msk $0xffff, v4;
	v3 =	vld [tilespmem:s1+$0x8AB]  }
0x1f0: {  	[tilespmem:s0+$0xFFFFFCE0] =	vst v5;
	v4 =	vld [tilespmem:s30+$0xCAC]  }
0x1f1: {  	[tilespmem:v0+s9+$0x2D50 ss:$0x1] =	vst.idx.msk $0xffff, v6;
	v5 =	vld [tilespmem:s7+$0x8DE]  }
0x1f2: {  	v6 =	vld [tilespmem:s4+$0xCDF];
	[tilespmem:s24+$0xFFFFFF90] =	vst v1  }
0x1f3: {  	[tilespmem:v0+s25+$0x3000 ss:$0x1] =	vst.idx.msk $0xffff, v2;
	v1 =	vld [tilespmem:s26+$0x888]  }
0x1f4: {  	[tilespmem:s28+$0xFFFFFE40] =	vst v3;
	v2 =	vld [tilespmem:s23+$0xC89]  }
0x1f5: {  	[tilespmem:v0+s29+$0x2EB0 ss:$0x1] =	vst.idx.msk $0xffff, v4;
	v3 =	vld [tilespmem:s1+$0x8BB]  }
0x1f6: {  	[tilespmem:s0+$0xFFFFFCF0] =	vst v5;
	v4 =	vld [tilespmem:s30+$0xCBC]  }
0x1f7: {  	[tilespmem:v0+s9+$0x2D60 ss:$0x1] =	vst.idx.msk $0xffff, v6;
	v5 =	vld [tilespmem:s7+$0x8EE]  }
0x1f8: {  	v6 =	vld [tilespmem:s4+$0xCEF];
	[tilespmem:s24+$0xFFFFFFA0] =	vst v1  }
0x1f9: {  	[tilespmem:v0+s25+$0x3010 ss:$0x1] =	vst.idx.msk $0xffff, v2;
	v1 =	vld [tilespmem:s26+$0x898]  }
0x1fa: {  	[tilespmem:s28+$0xFFFFFE50] =	vst v3;
	v2 =	vld [tilespmem:s23+$0xC99]  }
0x1fb: {  	[tilespmem:v0+s29+$0x2EC0 ss:$0x1] =	vst.idx.msk $0xffff, v4;
	v3 =	vld [tilespmem:s1+$0x8CB]  }
0x1fc: {  	[tilespmem:s0+$0xFFFFFD00] =	vst v5;
	v4 =	vld [tilespmem:s30+$0xCCC]  }
0x1fd: {  	[tilespmem:v0+s9+$0x2D70 ss:$0x1] =	vst.idx.msk $0xffff, v6;
	v5 =	vld [tilespmem:s7+$0x87D]  }
0x1fe: {  	v6 =	vld [tilespmem:s4+$0xC7E];
	[tilespmem:s24+$0xFFFFFFB0] =	vst v1  }
0x1ff: {  	[tilespmem:v0+s25+$0x3020 ss:$0x1] =	vst.idx.msk $0xffff, v2;
	v1 =	vld [tilespmem:s26+$0x8A8]  }
0x200: {  	[tilespmem:s28+$0xFFFFFE60] =	vst v3;
	v2 =	vld [tilespmem:s23+$0xCA9]  }
0x201: {  	[tilespmem:v0+s29+$0x2ED0 ss:$0x1] =	vst.idx.msk $0xffff, v4;
	v3 =	vld [tilespmem:s1+$0x8DB]  }
0x202: {  	[tilespmem:s0+$0xFFFFFD10] =	vst v5;
	v4 =	vld [tilespmem:s30+$0xCDC]  }
0x203: {  	[tilespmem:v0+s9+$0x2D80 ss:$0x1] =	vst.idx.msk $0xffff, v6;
	v5 =	vld [tilespmem:s7+$0x88D]  }
0x204: {  	v6 =	vld [tilespmem:s4+$0xC8E];
	[tilespmem:s24+$0xFFFFFFC0] =	vst v1  }
0x205: {  	[tilespmem:v0+s25+$0x3030 ss:$0x1] =	vst.idx.msk $0xffff, v2;
	v1 =	vld [tilespmem:s26+$0x8B8]  }
0x206: {  	[tilespmem:s28+$0xFFFFFE70] =	vst v3;
	v2 =	vld [tilespmem:s23+$0xCB9]  }
0x207: {  	[tilespmem:v0+s29+$0x2EE0 ss:$0x1] =	vst.idx.msk $0xffff, v4;
	v3 =	vld [tilespmem:s1+$0x8EB]  }
0x208: {  	[tilespmem:s0+$0xFFFFFD20] =	vst v5;
	v4 =	vld [tilespmem:s30+$0xCEC]  }
0x209: {  	[tilespmem:v0+s9+$0x2D90 ss:$0x1] =	vst.idx.msk $0xffff, v6;
	v5 =	vld [tilespmem:s7+$0x89D]  }
0x20a: {  	v6 =	vld [tilespmem:s4+$0xC9E];
	[tilespmem:s24+$0xFFFFFFD0] =	vst v1  }
0x20b: {  	[tilespmem:v0+s25+$0x3040 ss:$0x1] =	vst.idx.msk $0xffff, v2;
	v1 =	vld [tilespmem:s26+$0x8C8]  }
0x20c: {  	[tilespmem:s28+$0xFFFFFE80] =	vst v3;
	v2 =	vld [tilespmem:s23+$0xCC9]  }
0x20d: {  	[tilespmem:v0+s29+$0x2EF0 ss:$0x1] =	vst.idx.msk $0xffff, v4;
	v3 =	vld [tilespmem:s1+$0x87A]  }
0x20e: {  	[tilespmem:s0+$0xFFFFFD30] =	vst v5;
	v4 =	vld [tilespmem:s30+$0xC7B]  }
0x20f: {  	[tilespmem:v0+s9+$0x2DA0 ss:$0x1] =	vst.idx.msk $0xffff, v6;
	v5 =	vld [tilespmem:s7+$0x8AD]  }
0x210: {  	v6 =	vld [tilespmem:s4+$0xCAE];
	[tilespmem:s24+$0xFFFFFFE0] =	vst v1  }
0x211: {  	[tilespmem:v0+s25+$0x3050 ss:$0x1] =	vst.idx.msk $0xffff, v2;
	v1 =	vld [tilespmem:s26+$0x8D8]  }
0x212: {  	[tilespmem:s28+$0xFFFFFE90] =	vst v3;
	v7 =	vld [tilespmem:s23+$0xCD9]  }
.Ltmp4:
0x213: {  	[tilespmem:v0+s29+$0x2F00 ss:$0x1] =	vst.idx.msk $0xffff, v4;
	v3 =	vld [tilespmem:s1+$0x88A];
	(pc) =	sbr.rel @p1 .LBB2_11-.Ltmp4, $4  }
0x214: {  	[tilespmem:s0+$0xFFFFFD40] =	vst v5;
	v2 =	vld [tilespmem:s30+$0xC8B]  }
0x215: {  	[tilespmem:v0+s9+$0x2DB0 ss:$0x1] =	vst.idx.msk $0xffff, v6;
	v5 =	vld [tilespmem:s7+$0x8BD]  }
0x216: {  	v4 =	vld [tilespmem:s4+$0xCBE];
	[tilespmem:s24+$0xFFFFFFF0] =	vst v1  }
0x217: {  	s8 =	sadd.s32 $0x2, s8;
	[tilespmem:v0+s25+$0x3060 ss:$0x1] =	vst.idx.msk $0xffff, v7;
	v1 =	vld [tilespmem:s26+$0x8E8];
	s26 =	smov.u32 s1;
	s1 =	smov.u32 s7  }
0x218: {  	_ =	sdelay $0x2  }
0x219: {  	[tilespmem:s0+$0xFFFFFD50] =	vst v5  }
0x21a: {  	[tilespmem:v0+s9+$0x2DC0 ss:$0x1] =	vst.idx.msk $0xffff, v4;
	v59 =	vld [tilespmem:s1+$0x8CD]  }
0x21b: {  	v60 =	vld [tilespmem:s4+$0xCCE];
	_ =	sdelay $0x3  }
0x21c: {  	[tilespmem:s0+$0xFFFFFD60] =	vst v59  }
0x21d: {  	[tilespmem:v0+s9+$0x2DD0 ss:$0x1] =	vst.idx.msk $0xffff, v60;
	v4 =	vld [tilespmem:s1+$0x8DD]  }
0x21e: {  	v5 =	vld [tilespmem:s4+$0xCDE];
	_ =	sdelay $0x3  }
0x21f: {  	[tilespmem:s0+$0xFFFFFD70] =	vst v4  }
0x220: {  	[tilespmem:v0+s9+$0x2DE0 ss:$0x1] =	vst.idx.msk $0xffff, v5;
	v4 =	vld [tilespmem:s1+$0x8ED]  }
0x221: {  	v5 =	vld [tilespmem:s4+$0xCEE];
	_ =	sdelay $0x3  }
0x222: {  	[tilespmem:s0+$0xFFFFFD80] =	vst v4  }
0x223: {  	[tilespmem:v0+s9+$0x2DF0 ss:$0x1] =	vst.idx.msk $0xffff, v5;
	v4 =	vld [tilespmem:s1+$0x87C]  }
0x224: {  	v5 =	vld [tilespmem:s4+$0xC7D];
	_ =	sdelay $0x3  }
0x225: {  	[tilespmem:s0+$0xFFFFFD90] =	vst v4  }
0x226: {  	[tilespmem:v0+s9+$0x2E00 ss:$0x1] =	vst.idx.msk $0xffff, v5;
	v4 =	vld [tilespmem:s1+$0x88C]  }
0x227: {  	v5 =	vld [tilespmem:s4+$0xC8D];
	_ =	sdelay $0x3  }
0x228: {  	[tilespmem:s0+$0xFFFFFDA0] =	vst v4  }
0x229: {  	[tilespmem:v0+s9+$0x2E10 ss:$0x1] =	vst.idx.msk $0xffff, v5;
	v4 =	vld [tilespmem:s1+$0x89C]  }
0x22a: {  	v5 =	vld [tilespmem:s4+$0xC9D];
	_ =	sdelay $0x3  }
0x22b: {  	[tilespmem:s0+$0xFFFFFDB0] =	vst v4  }
0x22c: {  	[tilespmem:v0+s9+$0x2E20 ss:$0x1] =	vst.idx.msk $0xffff, v5;
	v4 =	vld [tilespmem:s1+$0x8AC]  }
0x22d: {  	v5 =	vld [tilespmem:s4+$0xCAD];
	_ =	sdelay $0x3  }
0x22e: {  	[tilespmem:s0+$0xFFFFFDC0] =	vst v4  }
0x22f: {  	[tilespmem:v0+s9+$0x2E30 ss:$0x1] =	vst.idx.msk $0xffff, v5;
	v4 =	vld [tilespmem:s1+$0x8BC]  }
0x230: {  	v5 =	vld [tilespmem:s4+$0xCBD];
	_ =	sdelay $0x3  }
0x231: {  	[tilespmem:s0+$0xFFFFFDD0] =	vst v4  }
0x232: {  	[tilespmem:v0+s9+$0x2E40 ss:$0x1] =	vst.idx.msk $0xffff, v5;
	v4 =	vld [tilespmem:s1+$0x8CC]  }
0x233: {  	v5 =	vld [tilespmem:s4+$0xCCD];
	_ =	sdelay $0x3  }
0x234: {  	[tilespmem:s0+$0xFFFFFDE0] =	vst v4  }
0x235: {  	[tilespmem:v0+s9+$0x2E50 ss:$0x1] =	vst.idx.msk $0xffff, v5;
	v4 =	vld [tilespmem:s1+$0x8DC]  }
0x236: {  	v5 =	vld [tilespmem:s4+$0xCDD];
	_ =	sdelay $0x3  }
0x237: {  	[tilespmem:s0+$0xFFFFFDF0] =	vst v4  }
0x238: {  	[tilespmem:v0+s9+$0x2E60 ss:$0x1] =	vst.idx.msk $0xffff, v5;
	v4 =	vld [tilespmem:s1+$0x8EC]  }
0x239: {  	v5 =	vld [tilespmem:s4+$0xCED];
	_ =	sdelay $0x3  }
0x23a: {  	[tilespmem:s0+$0xFFFFFE00] =	vst v4  }
0x23b: {  	[tilespmem:v0+s9+$0x2E70 ss:$0x1] =	vst.idx.msk $0xffff, v5;
	v4 =	vld [tilespmem:s1+$0x87B]  }
0x23c: {  	v5 =	vld [tilespmem:s4+$0xC7C];
	_ =	sdelay $0x3  }
0x23d: {  	[tilespmem:s0+$0xFFFFFE10] =	vst v4  }
0x23e: {  	[tilespmem:v0+s9+$0x2E80 ss:$0x1] =	vst.idx.msk $0xffff, v5;
	v4 =	vld [tilespmem:s1+$0x88B]  }
0x23f: {  	v5 =	vld [tilespmem:s4+$0xC8C];
	_ =	sdelay $0x3  }
0x240: {  	[tilespmem:s0+$0xFFFFFE20] =	vst v4  }
0x241: {  	[tilespmem:v0+s9+$0x2E90 ss:$0x1] =	vst.idx.msk $0xffff, v5;
	v4 =	vld [tilespmem:s1+$0x89B]  }
0x242: {  	v5 =	vld [tilespmem:s4+$0xC9C];
	_ =	sdelay $0x3  }
0x243: {  	[tilespmem:s0+$0xFFFFFE30] =	vst v4  }
0x244: {  	[tilespmem:v0+s9+$0x2EA0 ss:$0x1] =	vst.idx.msk $0xffff, v5;
	v4 =	vld [tilespmem:s1+$0x8AB]  }
0x245: {  	v5 =	vld [tilespmem:s4+$0xCAC];
	_ =	sdelay $0x3  }
0x246: {  	[tilespmem:s0+$0xFFFFFE40] =	vst v4  }
0x247: {  	[tilespmem:v0+s9+$0x2EB0 ss:$0x1] =	vst.idx.msk $0xffff, v5;
	v4 =	vld [tilespmem:s1+$0x8BB]  }
0x248: {  	v5 =	vld [tilespmem:s4+$0xCBC];
	_ =	sdelay $0x3  }
0x249: {  	[tilespmem:s0+$0xFFFFFE50] =	vst v4  }
0x24a: {  	[tilespmem:v0+s9+$0x2EC0 ss:$0x1] =	vst.idx.msk $0xffff, v5;
	v4 =	vld [tilespmem:s1+$0x8CB]  }
0x24b: {  	v5 =	vld [tilespmem:s4+$0xCCC];
	_ =	sdelay $0x3  }
0x24c: {  	[tilespmem:s0+$0xFFFFFE60] =	vst v4  }
0x24d: {  	[tilespmem:v0+s9+$0x2ED0 ss:$0x1] =	vst.idx.msk $0xffff, v5;
	v4 =	vld [tilespmem:s1+$0x8DB]  }
0x24e: {  	v5 =	vld [tilespmem:s4+$0xCDC];
	_ =	sdelay $0x3  }
0x24f: {  	[tilespmem:s0+$0xFFFFFE70] =	vst v4  }
0x250: {  	[tilespmem:v0+s9+$0x2EE0 ss:$0x1] =	vst.idx.msk $0xffff, v5;
	v4 =	vld [tilespmem:s1+$0x8EB]  }
0x251: {  	v5 =	vld [tilespmem:s4+$0xCEC];
	_ =	sdelay $0x3  }
0x252: {  	[tilespmem:s0+$0xFFFFFE80] =	vst v4  }
0x253: {  	[tilespmem:v0+s9+$0x2EF0 ss:$0x1] =	vst.idx.msk $0xffff, v5;
	v4 =	vld [tilespmem:s1+$0x87A]  }
0x254: {  	v5 =	vld [tilespmem:s4+$0xC7B];
	_ =	sdelay $0x3  }
0x255: {  	[tilespmem:s0+$0xFFFFFE90] =	vst v4  }
0x256: {  	[tilespmem:v0+s9+$0x2F00 ss:$0x1] =	vst.idx.msk $0xffff, v5;
	v4 =	vld [tilespmem:s1+$0x88A]  }
0x257: {  	v5 =	vld [tilespmem:s4+$0xC8B];
	_ =	sdelay $0x1  }
0x258: {  	[tilespmem:s28+$0xFFFFFEA0] =	vst v3  }
0x259: {  	[tilespmem:v0+s29+$0x2F10 ss:$0x1] =	vst.idx.msk $0xffff, v2;
	v61 =	vld [tilespmem:s26+$0x89A]  }
0x25a: {  	v62 =	vld [tilespmem:s30+$0xC9B];
	[tilespmem:s0+$0xFFFFFEA0] =	vst v4  }
0x25b: {  	[tilespmem:v0+s9+$0x2F10 ss:$0x1] =	vst.idx.msk $0xffff, v5;
	v4 =	vld [tilespmem:s1+$0x89A]  }
0x25c: {  	v5 =	vld [tilespmem:s4+$0xC9B];
	_ =	sdelay $0x1  }
0x25d: {  	[tilespmem:s28+$0xFFFFFEB0] =	vst v61  }
0x25e: {  	[tilespmem:v0+s29+$0x2F20 ss:$0x1] =	vst.idx.msk $0xffff, v62;
	v2 =	vld [tilespmem:s26+$0x8AA]  }
0x25f: {  	v3 =	vld [tilespmem:s30+$0xCAB];
	[tilespmem:s0+$0xFFFFFEB0] =	vst v4  }
0x260: {  	[tilespmem:v0+s9+$0x2F20 ss:$0x1] =	vst.idx.msk $0xffff, v5;
	v4 =	vld [tilespmem:s1+$0x8AA]  }
0x261: {  	v5 =	vld [tilespmem:s4+$0xCAB];
	_ =	sdelay $0x1  }
0x262: {  	[tilespmem:s28+$0xFFFFFEC0] =	vst v2  }
0x263: {  	[tilespmem:v0+s29+$0x2F30 ss:$0x1] =	vst.idx.msk $0xffff, v3;
	v2 =	vld [tilespmem:s26+$0x8BA]  }
0x264: {  	v3 =	vld [tilespmem:s30+$0xCBB];
	[tilespmem:s0+$0xFFFFFEC0] =	vst v4  }
0x265: {  	[tilespmem:v0+s9+$0x2F30 ss:$0x1] =	vst.idx.msk $0xffff, v5;
	v4 =	vld [tilespmem:s1+$0x8BA]  }
0x266: {  	v5 =	vld [tilespmem:s4+$0xCBB];
	_ =	sdelay $0x1  }
0x267: {  	[tilespmem:s28+$0xFFFFFED0] =	vst v2  }
0x268: {  	[tilespmem:v0+s29+$0x2F40 ss:$0x1] =	vst.idx.msk $0xffff, v3;
	v2 =	vld [tilespmem:s26+$0x8CA]  }
0x269: {  	v3 =	vld [tilespmem:s30+$0xCCB];
	[tilespmem:s0+$0xFFFFFED0] =	vst v4  }
0x26a: {  	[tilespmem:v0+s9+$0x2F40 ss:$0x1] =	vst.idx.msk $0xffff, v5;
	v4 =	vld [tilespmem:s1+$0x8CA]  }
0x26b: {  	v5 =	vld [tilespmem:s4+$0xCCB];
	_ =	sdelay $0x1  }
0x26c: {  	[tilespmem:s28+$0xFFFFFEE0] =	vst v2  }
0x26d: {  	[tilespmem:v0+s29+$0x2F50 ss:$0x1] =	vst.idx.msk $0xffff, v3;
	v2 =	vld [tilespmem:s26+$0x8DA]  }
0x26e: {  	v3 =	vld [tilespmem:s30+$0xCDB];
	[tilespmem:s0+$0xFFFFFEE0] =	vst v4  }
0x26f: {  	[tilespmem:v0+s9+$0x2F50 ss:$0x1] =	vst.idx.msk $0xffff, v5;
	v4 =	vld [tilespmem:s1+$0x8DA]  }
0x270: {  	v5 =	vld [tilespmem:s4+$0xCDB];
	_ =	sdelay $0x1  }
0x271: {  	[tilespmem:s28+$0xFFFFFEF0] =	vst v2  }
0x272: {  	[tilespmem:v0+s29+$0x2F60 ss:$0x1] =	vst.idx.msk $0xffff, v3;
	v2 =	vld [tilespmem:s26+$0x8EA]  }
0x273: {  	v3 =	vld [tilespmem:s30+$0xCEB];
	[tilespmem:s0+$0xFFFFFEF0] =	vst v4  }
0x274: {  	[tilespmem:v0+s9+$0x2F60 ss:$0x1] =	vst.idx.msk $0xffff, v5;
	v4 =	vld [tilespmem:s1+$0x8EA]  }
0x275: {  	v5 =	vld [tilespmem:s4+$0xCEB];
	_ =	sdelay $0x1  }
0x276: {  	[tilespmem:s28+$0xFFFFFF00] =	vst v2  }
0x277: {  	[tilespmem:v0+s29+$0x2F70 ss:$0x1] =	vst.idx.msk $0xffff, v3;
	v2 =	vld [tilespmem:s26+$0x879]  }
0x278: {  	v3 =	vld [tilespmem:s30+$0xC7A];
	[tilespmem:s0+$0xFFFFFF00] =	vst v4  }
0x279: {  	[tilespmem:v0+s9+$0x2F70 ss:$0x1] =	vst.idx.msk $0xffff, v5;
	v4 =	vld [tilespmem:s1+$0x879]  }
0x27a: {  	v5 =	vld [tilespmem:s4+$0xC7A];
	_ =	sdelay $0x1  }
0x27b: {  	[tilespmem:s28+$0xFFFFFF10] =	vst v2  }
0x27c: {  	[tilespmem:v0+s29+$0x2F80 ss:$0x1] =	vst.idx.msk $0xffff, v3;
	v2 =	vld [tilespmem:s26+$0x889]  }
0x27d: {  	v3 =	vld [tilespmem:s30+$0xC8A];
	[tilespmem:s0+$0xFFFFFF10] =	vst v4  }
0x27e: {  	[tilespmem:v0+s9+$0x2F80 ss:$0x1] =	vst.idx.msk $0xffff, v5;
	v4 =	vld [tilespmem:s1+$0x889]  }
0x27f: {  	v5 =	vld [tilespmem:s4+$0xC8A];
	_ =	sdelay $0x1  }
0x280: {  	[tilespmem:s28+$0xFFFFFF20] =	vst v2  }
0x281: {  	[tilespmem:v0+s29+$0x2F90 ss:$0x1] =	vst.idx.msk $0xffff, v3;
	v2 =	vld [tilespmem:s26+$0x899]  }
0x282: {  	v3 =	vld [tilespmem:s30+$0xC9A];
	[tilespmem:s0+$0xFFFFFF20] =	vst v4  }
0x283: {  	[tilespmem:v0+s9+$0x2F90 ss:$0x1] =	vst.idx.msk $0xffff, v5;
	v4 =	vld [tilespmem:s1+$0x899]  }
0x284: {  	v5 =	vld [tilespmem:s4+$0xC9A];
	_ =	sdelay $0x1  }
0x285: {  	[tilespmem:s28+$0xFFFFFF30] =	vst v2  }
0x286: {  	[tilespmem:v0+s29+$0x2FA0 ss:$0x1] =	vst.idx.msk $0xffff, v3;
	v2 =	vld [tilespmem:s26+$0x8A9]  }
0x287: {  	v3 =	vld [tilespmem:s30+$0xCAA];
	[tilespmem:s0+$0xFFFFFF30] =	vst v4  }
0x288: {  	[tilespmem:v0+s9+$0x2FA0 ss:$0x1] =	vst.idx.msk $0xffff, v5;
	v4 =	vld [tilespmem:s1+$0x8A9]  }
0x289: {  	v5 =	vld [tilespmem:s4+$0xCAA];
	_ =	sdelay $0x1  }
0x28a: {  	[tilespmem:s28+$0xFFFFFF40] =	vst v2  }
0x28b: {  	[tilespmem:v0+s29+$0x2FB0 ss:$0x1] =	vst.idx.msk $0xffff, v3;
	v2 =	vld [tilespmem:s26+$0x8B9]  }
0x28c: {  	v3 =	vld [tilespmem:s30+$0xCBA];
	[tilespmem:s0+$0xFFFFFF40] =	vst v4  }
0x28d: {  	[tilespmem:v0+s9+$0x2FB0 ss:$0x1] =	vst.idx.msk $0xffff, v5;
	v4 =	vld [tilespmem:s1+$0x8B9]  }
0x28e: {  	v5 =	vld [tilespmem:s4+$0xCBA];
	_ =	sdelay $0x1  }
0x28f: {  	[tilespmem:s28+$0xFFFFFF50] =	vst v2  }
0x290: {  	[tilespmem:v0+s29+$0x2FC0 ss:$0x1] =	vst.idx.msk $0xffff, v3;
	v2 =	vld [tilespmem:s26+$0x8C9]  }
0x291: {  	v3 =	vld [tilespmem:s30+$0xCCA];
	[tilespmem:s0+$0xFFFFFF50] =	vst v4  }
0x292: {  	[tilespmem:v0+s9+$0x2FC0 ss:$0x1] =	vst.idx.msk $0xffff, v5;
	v4 =	vld [tilespmem:s1+$0x8C9]  }
0x293: {  	v5 =	vld [tilespmem:s4+$0xCCA];
	_ =	sdelay $0x1  }
0x294: {  	[tilespmem:s28+$0xFFFFFF60] =	vst v2  }
0x295: {  	[tilespmem:v0+s29+$0x2FD0 ss:$0x1] =	vst.idx.msk $0xffff, v3;
	v2 =	vld [tilespmem:s26+$0x8D9]  }
0x296: {  	v3 =	vld [tilespmem:s30+$0xCDA];
	[tilespmem:s0+$0xFFFFFF60] =	vst v4  }
0x297: {  	[tilespmem:v0+s9+$0x2FD0 ss:$0x1] =	vst.idx.msk $0xffff, v5;
	v4 =	vld [tilespmem:s1+$0x8D9]  }
0x298: {  	v5 =	vld [tilespmem:s4+$0xCDA];
	_ =	sdelay $0x1  }
0x299: {  	[tilespmem:s28+$0xFFFFFF70] =	vst v2  }
0x29a: {  	[tilespmem:v0+s29+$0x2FE0 ss:$0x1] =	vst.idx.msk $0xffff, v3;
	v2 =	vld [tilespmem:s26+$0x8E9]  }
0x29b: {  	v3 =	vld [tilespmem:s30+$0xCEA];
	[tilespmem:s0+$0xFFFFFF70] =	vst v4  }
0x29c: {  	[tilespmem:v0+s9+$0x2FE0 ss:$0x1] =	vst.idx.msk $0xffff, v5;
	v4 =	vld [tilespmem:s1+$0x8E9]  }
0x29d: {  	v5 =	vld [tilespmem:s4+$0xCEA];
	_ =	sdelay $0x1  }
0x29e: {  	[tilespmem:s28+$0xFFFFFF80] =	vst v2  }
0x29f: {  	[tilespmem:v0+s29+$0x2FF0 ss:$0x1] =	vst.idx.msk $0xffff, v3;
	v2 =	vld [tilespmem:s26+$0x878]  }
0x2a0: {  	v3 =	vld [tilespmem:s30+$0xC79];
	[tilespmem:s0+$0xFFFFFF80] =	vst v4  }
0x2a1: {  	[tilespmem:v0+s9+$0x2FF0 ss:$0x1] =	vst.idx.msk $0xffff, v5;
	v4 =	vld [tilespmem:s1+$0x878]  }
0x2a2: {  	v5 =	vld [tilespmem:s4+$0xC79];
	_ =	sdelay $0x1  }
0x2a3: {  	[tilespmem:s28+$0xFFFFFF90] =	vst v2  }
0x2a4: {  	[tilespmem:v0+s29+$0x3000 ss:$0x1] =	vst.idx.msk $0xffff, v3;
	v2 =	vld [tilespmem:s26+$0x888]  }
0x2a5: {  	v3 =	vld [tilespmem:s30+$0xC89];
	[tilespmem:s0+$0xFFFFFF90] =	vst v4  }
0x2a6: {  	[tilespmem:v0+s9+$0x3000 ss:$0x1] =	vst.idx.msk $0xffff, v5;
	v4 =	vld [tilespmem:s1+$0x888]  }
0x2a7: {  	v5 =	vld [tilespmem:s4+$0xC89];
	_ =	sdelay $0x1  }
0x2a8: {  	[tilespmem:s28+$0xFFFFFFA0] =	vst v2  }
0x2a9: {  	[tilespmem:v0+s29+$0x3010 ss:$0x1] =	vst.idx.msk $0xffff, v3;
	v2 =	vld [tilespmem:s26+$0x898]  }
0x2aa: {  	v3 =	vld [tilespmem:s30+$0xC99];
	[tilespmem:s0+$0xFFFFFFA0] =	vst v4  }
0x2ab: {  	[tilespmem:v0+s9+$0x3010 ss:$0x1] =	vst.idx.msk $0xffff, v5;
	v4 =	vld [tilespmem:s1+$0x898]  }
0x2ac: {  	v5 =	vld [tilespmem:s4+$0xC99];
	_ =	sdelay $0x1  }
0x2ad: {  	[tilespmem:s28+$0xFFFFFFB0] =	vst v2  }
0x2ae: {  	[tilespmem:v0+s29+$0x3020 ss:$0x1] =	vst.idx.msk $0xffff, v3;
	v2 =	vld [tilespmem:s26+$0x8A8]  }
0x2af: {  	v3 =	vld [tilespmem:s30+$0xCA9];
	[tilespmem:s0+$0xFFFFFFB0] =	vst v4  }
0x2b0: {  	[tilespmem:v0+s9+$0x3020 ss:$0x1] =	vst.idx.msk $0xffff, v5;
	v4 =	vld [tilespmem:s1+$0x8A8]  }
0x2b1: {  	v5 =	vld [tilespmem:s4+$0xCA9];
	_ =	sdelay $0x1  }
0x2b2: {  	[tilespmem:s28+$0xFFFFFFC0] =	vst v2  }
0x2b3: {  	[tilespmem:v0+s29+$0x3030 ss:$0x1] =	vst.idx.msk $0xffff, v3;
	v2 =	vld [tilespmem:s26+$0x8B8]  }
0x2b4: {  	v3 =	vld [tilespmem:s30+$0xCB9];
	[tilespmem:s0+$0xFFFFFFC0] =	vst v4  }
0x2b5: {  	[tilespmem:v0+s9+$0x3030 ss:$0x1] =	vst.idx.msk $0xffff, v5;
	v4 =	vld [tilespmem:s1+$0x8B8]  }
0x2b6: {  	v5 =	vld [tilespmem:s4+$0xCB9];
	_ =	sdelay $0x1  }
0x2b7: {  	[tilespmem:s28+$0xFFFFFFD0] =	vst v2  }
0x2b8: {  	[tilespmem:v0+s29+$0x3040 ss:$0x1] =	vst.idx.msk $0xffff, v3;
	v2 =	vld [tilespmem:s26+$0x8C8]  }
0x2b9: {  	v3 =	vld [tilespmem:s30+$0xCC9];
	[tilespmem:s0+$0xFFFFFFD0] =	vst v4  }
0x2ba: {  	[tilespmem:v0+s9+$0x3040 ss:$0x1] =	vst.idx.msk $0xffff, v5;
	v4 =	vld [tilespmem:s1+$0x8C8]  }
0x2bb: {  	v5 =	vld [tilespmem:s4+$0xCC9];
	_ =	sdelay $0x1  }
0x2bc: {  	[tilespmem:s28+$0xFFFFFFE0] =	vst v2  }
0x2bd: {  	[tilespmem:v0+s29+$0x3050 ss:$0x1] =	vst.idx.msk $0xffff, v3;
	v2 =	vld [tilespmem:s26+$0x8D8]  }
0x2be: {  	v3 =	vld [tilespmem:s30+$0xCD9];
	[tilespmem:s0+$0xFFFFFFE0] =	vst v4  }
0x2bf: {  	[tilespmem:v0+s9+$0x3050 ss:$0x1] =	vst.idx.msk $0xffff, v5;
	v4 =	vld [tilespmem:s1+$0x8D8]  }
0x2c0: {  	v5 =	vld [tilespmem:s4+$0xCD9];
	_ =	sdelay $0x1  }
0x2c1: {  	v6 =	vld [tilespmem:s23+$0xCE9];
	[tilespmem:s28+$0xFFFFFFF0] =	vst v2  }
0x2c2: {  	[tilespmem:v0+s29+$0x3060 ss:$0x1] =	vst.idx.msk $0xffff, v3;
	v2 =	vld [tilespmem:s26+$0x8E8]  }
0x2c3: {  	v3 =	vld [tilespmem:s30+$0xCE9];
	[tilespmem:s0+$0xFFFFFFF0] =	vst v4  }
0x2c4: {  	[tilespmem:v0+s9+$0x3060 ss:$0x1] =	vst.idx.msk $0xffff, v5;
	v4 =	vld [tilespmem:s1+$0x8E8]  }
0x2c5: {  	s17 =	sadd.s32 $0x1, s17;
	[tilespmem:s24+$0x0] =	vst v1;
	v63 =	vld [tilespmem:s4+$0xCE9]  }
0x2c6: {  	p1 =	sne.s32 s17, $0x30;
	[tilespmem:v0+s25+$0x3070 ss:$0x1] =	vst.idx.msk $0xffff, v6  }
.Ltmp5:
0x2c7: {  	[tilespmem:s28+$0x0] =	vst v2;
	(pc) =	sbr.rel @p1 .LBB2_10-.Ltmp5, $4  }
0x2c8: {  	s31 =	sor.u32 $0x2C80, s22;
	[tilespmem:v0+s29+$0x3070 ss:$0x1] =	vst.idx.msk $0xffff, v3;
	s29 =	sshll.u32 s21, $0xB  }
0x2c9: {  	s19 =	sadd.s32 $0x2, s19;
	s30 =	sshll.u32 s20, $0x13;
	s1 =	sadd.s32 s2, s29;
	[tilespmem:s0+$0x0] =	vst v4  }
0x2ca: {  	s18 =	sadd.s32 $0x1, s18;
	p0 =	por !p0, !p0;
	s0 =	sadd.s32 s30, s1;
	[tilespmem:v0+s9+$0x3070 ss:$0x1] =	vst.idx.msk $0xffff, v63  }
0x2cb: {  	[hbm4b:s0+s3] =	stream.linear.scatter [tilespmem:s31], [sflag:$0x1], $0x8000, $0x38;
	[tilespmem:$0x12C80] =	vst v63  }
0x2cc: {  	s1 =	simm.s32 $0x1  }
0x2cd: {  	_ =	swait.ge [sflag:s1], $0x8000  }
0x2ce: {  	[sflag:s1] =	ssyncset.done $0x0  }
0x2cf: {  	[sflag:s1] =	ssyncadd.s32 $0xFFFF8000  }
0x2d0: {  	_ =	swait.ge [sflag:s1], $0x8000  }
0x2d1: {  	s16 =	sadd.s32 $0x1, s16;
	s0 =	rddreg [dreg:$0x6]  }
0x2d2: {  	p0 =	sne.s32 s16, s0  }
.Ltmp6:
0x2d3: {  	_ = 	snop;
	(pc) =	sbr.rel @p0 .LBB2_1-.Ltmp6, $3  }
0x2d4: {  	_ =	sdelay $0x1  }
0x2d5: {  	[sflag:s1] =	ssyncset.done $0x0;
	s13 =	rddreg [dreg:$0x4]  }
0x2d6: {  	s14 =	rddreg [dreg:$0x5];
	[sflag:s1] =	ssyncadd.s32 $0xFFFF8000  }
0x2d7: {  	_ =	sfence.sel $0x180000  }
0x2d8: {  	[bflag:$0x0] =	sbarrier.arrive $0xFFFF  }
0x2d9: {  	_ =	strace $0x90000047  }
0x2da: {  	s0 =	stileid.u32;
	[bflag:$0x2] =	sbarrier.arrive $0xFFFF  }
0x2db: {  	p0 =	sne.s32 s0, $0x0;
	s0 =	rddreg [dreg:$0x2]  }
0x2dc: {  	s0 =	sadd.s32 @!p0 $0x100000, s0  }
0x2dd: {  	[sflag:s0] =	ssyncadd.tile.s32 @!p0 $0x1;
	_ =	shalt  }
.Lfunc_end2:
_tile_overlayer_lowered:
.L_overlay_start_2:
0x2de: {  	(tag) =	ssettag $0x2  }
0x2df: {  	s0 =	rddreg [dreg:$0x0];
	s2 =	stileid.u32  }
0x2e0: {  	s1 =	rddreg [dreg:$0x1];
	p0 =	sne.s32 s2, $0x0  }
0x2e1: {  	s3 =	rddreg [dreg:$0x2];
	[bflag:$0x3] =	sbarrier.arrive $0xFFFF;
	s2 =	simm.s32 @!p0 $0x1C02  }
0x2e2: {  	[timem:s3], [sflag:s2] =	dma.local @!p0 [hbm:s0], s1  }
0x2e3: {  	s0 =	simm.s32 @!p0 $0x2  }
0x2e4: {  	_ =	swait.ge @!p0 [sflag:s0], s1  }
0x2e5: {  	s1 =	ssub.s32 @!p0 $0x0, s1;
	[sflag:s0] =	ssyncset.done @!p0 $0x0  }
0x2e6: {  	[sflag:s0] =	ssyncadd.s32 @!p0 s1  }
0x2e7: {  	[bflag:$0x3] =	sbarrier.arrive $0xFFFF  }
0x2e8: {  	_ =	shalt  }

</sc_bundles>
